<compile_context>
chip_gen: v7x
topology: tpu7x:2x2x1
jax: 0.10.2.dev20260603
libtpu: 0.0.44.dev20260713+nightly
codegen_flags: <defaults>
</compile_context>

<pallas_src>
import jax
import jax.numpy as jnp
from jax import lax
from jax.experimental import pallas as pl
from jax.experimental.pallas import tpu as pltpu
from jax.experimental.pallas import tpu_sc as plsc

S = 1024
D = 128
NC = 2
NS = 16
NW = NC * NS
ROWS = S // NW
JC = 128
NCH = S // JC
CHUNK = JC * D
WIN = (JC + ROWS - 1) * D


def _sc_body(x_hbm, rev_hbm, out_hbm, wbuf, xbuf, ob0, ob1, osem0, osem1):
    wid = lax.axis_index("s") * NC + lax.axis_index("c")
    row0 = wid * ROWS

    def build(buf, woff):
        @plsc.parallel_loop(0, CHUNK, step=16, unroll=16)
        def body(kk):
            sl = pl.ds(pl.multiple_of(kk, 16), 16)
            slw = pl.ds(pl.multiple_of(woff + kk, 16), 16)
            buf[sl] = wbuf[slw] + xbuf[sl]

    for jc in range(NCH):
        col0 = jc * CHUNK
        pltpu.sync_copy(x_hbm.at[pl.ds(col0, CHUNK)], xbuf)
        wstart = pl.multiple_of((S - 1 - (row0 + ROWS - 1) + jc * JC) * D, D)
        pltpu.sync_copy(rev_hbm.at[pl.ds(wstart, WIN)], wbuf)

        def pair_body(k, carry, col0=col0):
            for b, buf, osem in ((0, ob0, osem0), (1, ob1, osem1)):
                r = 2 * k + b

                @pl.when(k > 0)
                def _(buf=buf, osem=osem):
                    pltpu.make_async_copy(
                        buf, out_hbm.at[0, pl.ds(0, CHUNK)], osem).wait()

                build(buf, (ROWS - 1 - r) * D)
                pltpu.async_copy(
                    buf, out_hbm.at[row0 + r, pl.ds(col0, CHUNK)], osem)
            return carry

        lax.fori_loop(0, ROWS // 2, pair_body, 0)
        pltpu.make_async_copy(ob0, out_hbm.at[0, pl.ds(0, CHUNK)], osem0).wait()
        pltpu.make_async_copy(ob1, out_hbm.at[0, pl.ds(0, CHUNK)], osem1).wait()


def kernel(x, table):
    assert x.shape[1] == S and x.shape[2] == D
    rev = jnp.flip(table, axis=0)
    rev = jnp.pad(rev, ((0, 1), (0, 0))).reshape(2 * S * D)
    x_flat = x[0].reshape(S * D)

    mesh = plsc.VectorSubcoreMesh(
        core_axis_name="c", subcore_axis_name="s",
        num_cores=NC, num_subcores=NS,
    )
    sc_fn = pl.kernel(
        _sc_body,
        out_type=jax.ShapeDtypeStruct((S, S * D), jnp.float32),
        mesh=mesh,
        scratch_types=[
            pltpu.VMEM((WIN,), jnp.float32),
            pltpu.VMEM((CHUNK,), jnp.float32),
            pltpu.VMEM((CHUNK,), jnp.float32),
            pltpu.VMEM((CHUNK,), jnp.float32),
            pltpu.SemaphoreType.DMA,
            pltpu.SemaphoreType.DMA,
        ],
    )
    out = sc_fn(x_flat, rev)
    return out.reshape(S, S, D)

# --- scband reference (transcript-rebuilt; emitter-appended) ---
"""Pipeline reference for scband-relative-positional-embedding-4492535792107 (READ-ONLY COPY).

The authoritative reference and input builder live on the scoring server;
editing this copy changes nothing except your own understanding.
"""

import jax, jax.numpy as jnp
import numpy as np

MAXLEN = 1024
D_MODEL = 128

def setup_inputs(seed: int = 0) -> dict:
    key = jax.random.key(seed)
    k1, k2 = jax.random.split(key)
    x = jax.random.normal(k1, (1, MAXLEN, D_MODEL), dtype=jnp.float32)
    # learned embedding table for relative positions: (2*maxlen - 1, d_model)
    table = jax.random.normal(k2, (2 * MAXLEN - 1, D_MODEL), dtype=jnp.float32) * 0.05
    return {"x": x, "table": table}

def reference(x, table):
    maxlen = (table.shape[0] + 1) // 2
    seq_len = x.shape[1]
    positions = jnp.arange(seq_len)
    relative_positions = positions[:, None] - positions[None, :]
    relative_positions = relative_positions + maxlen - 1  # shift into [0, 2*maxlen-2]
    rel_emb = jnp.take(table, relative_positions, axis=0)  # (S, S, d)
    # broadcast add: x (B, S, d) + rel_emb (S, S, d) -> (S, S, d) when B == 1
    return x + rel_emb

if __name__ == "__main__":
    import jax
    _d = setup_inputs()
    print(jax.jit(kernel)(*tuple(_d.values())))

</pallas_src>

<mosaic_0001>
#map = affine_map<(d0, d1) -> (0)>
#map1 = affine_map<(d0, d1) -> (0, 0)>
module attributes {stable_mosaic.version = 14 : i64} {
  func.func @_sc_body(%arg0: i32, %arg1: i32, %arg2: memref<131072xf32, #tpu.memory_space<hbm>>, %arg3: memref<262144xf32, #tpu.memory_space<hbm>>, %arg4: memref<1024x131072xf32, #tpu.memory_space<hbm>>, %arg5: memref<20352xf32, #tpu.memory_space<vmem>>, %arg6: memref<16384xf32, #tpu.memory_space<vmem>>, %arg7: memref<16384xf32, #tpu.memory_space<vmem>>, %arg8: memref<16384xf32, #tpu.memory_space<vmem>>, %arg9: memref<!tpu.dma_semaphore, #tpu.memory_space<semaphore_mem>>, %arg10: memref<!tpu.dma_semaphore, #tpu.memory_space<semaphore_mem>>) attributes {dimension_semantics = [#tpu.dimension_semantics<core_parallel>, #tpu.dimension_semantics<subcore_parallel>], iteration_bounds = array<i64: 2, 16>, scalar_prefetch = 0 : i64, scratch_operands = 6 : i64, tpu.core_type = #tpu.core_type<sc_vector_subcore>, window_params = [{transform_indices = #map}, {transform_indices = #map}, {transform_indices = #map1}]} {
    %mul3A = arith.constant 2 : i32
    %mul3A_0 = arith.muli %arg1, %mul3A : i32
    %add3A = arith.addi %mul3A_0, %arg0 : i32
    %mul3A_1 = arith.constant 32 : i32
    %mul3A_2 = arith.muli %add3A, %mul3A_1 : i32
    "tpu.region"() ({
      %run_scoped3A = tpu.sem_alloc : memref<!tpu.dma_semaphore, #tpu.memory_space<semaphore_mem>>
      %dma_start3A = arith.constant 0 : i32
      %dma_start3A_247 = tpu.memref_slice %arg2[%dma_start3A] : memref<131072xf32, #tpu.memory_space<hbm>> -> memref<16384xf32, #tpu.memory_space<hbm>>
      %dma_start3A_248 = arith.constant 0 : i32
      %dma_start3A_249 = tpu.memref_slice %arg2[%dma_start3A_248] : memref<131072xf32, #tpu.memory_space<hbm>> -> memref<16384xf32, #tpu.memory_space<hbm>>
      tpu.enqueue_dma source(%dma_start3A_249 : memref<16384xf32, #tpu.memory_space<hbm>>) target(%arg6 : memref<16384xf32, #tpu.memory_space<vmem>>) target_semaphore(%run_scoped3A : memref<!tpu.dma_semaphore, #tpu.memory_space<semaphore_mem>>)
      %dma_wait3A_250 = arith.constant 0 : i32
      %dma_wait3A_251 = tpu.memref_slice %arg2[%dma_wait3A_250] : memref<131072xf32, #tpu.memory_space<hbm>> -> memref<16384xf32, #tpu.memory_space<hbm>>
      %dma_wait3A_252 = arith.constant 0 : i32
      %dma_wait3A_253 = tpu.memref_slice %arg2[%dma_wait3A_252] : memref<131072xf32, #tpu.memory_space<hbm>> -> memref<16384xf32, #tpu.memory_space<hbm>>
      tpu.wait_dma2 semaphore(%run_scoped3A : memref<!tpu.dma_semaphore, #tpu.memory_space<semaphore_mem>>) src(%dma_wait3A_253 : memref<16384xf32, #tpu.memory_space<hbm>>) dst(%arg6 : memref<16384xf32, #tpu.memory_space<vmem>>)
      tpu.yield
    }) : () -> ()
    %add3A_3 = arith.constant 32 : i32
    %add3A_4 = arith.addi %mul3A_2, %add3A_3 : i32
    %sub3A = arith.constant 1 : i32
    %sub3A_5 = arith.subi %add3A_4, %sub3A : i32
    %sub3A_6 = arith.constant 1023 : i32
    %sub3A_7 = arith.subi %sub3A_6, %sub3A_5 : i32
    %add3A_8 = arith.constant 0 : i32
    %add3A_9 = arith.addi %sub3A_7, %add3A_8 : i32
    %mul3A_10 = arith.constant 128 : i32
    %mul3A_11 = arith.muli %add3A_9, %mul3A_10 : i32
    %multiple_of3A = tpu.assume_multiple %mul3A_11, 128 : i32
    "tpu.region"() ({
      %run_scoped3A = tpu.sem_alloc : memref<!tpu.dma_semaphore, #tpu.memory_space<semaphore_mem>>
      %dma_start3A = tpu.memref_slice %arg3[%multiple_of3A] : memref<262144xf32, #tpu.memory_space<hbm>> -> memref<20352xf32, #tpu.memory_space<hbm>>
      %dma_start3A_247 = tpu.memref_slice %arg3[%multiple_of3A] : memref<262144xf32, #tpu.memory_space<hbm>> -> memref<20352xf32, #tpu.memory_space<hbm>>
      tpu.enqueue_dma source(%dma_start3A_247 : memref<20352xf32, #tpu.memory_space<hbm>>) target(%arg5 : memref<20352xf32, #tpu.memory_space<vmem>>) target_semaphore(%run_scoped3A : memref<!tpu.dma_semaphore, #tpu.memory_space<semaphore_mem>>)
      %dma_wait3A_248 = tpu.memref_slice %arg3[%multiple_of3A] : memref<262144xf32, #tpu.memory_space<hbm>> -> memref<20352xf32, #tpu.memory_space<hbm>>
      %dma_wait3A_249 = tpu.memref_slice %arg3[%multiple_of3A] : memref<262144xf32, #tpu.memory_space<hbm>> -> memref<20352xf32, #tpu.memory_space<hbm>>
      tpu.wait_dma2 semaphore(%run_scoped3A : memref<!tpu.dma_semaphore, #tpu.memory_space<semaphore_mem>>) src(%dma_wait3A_249 : memref<20352xf32, #tpu.memory_space<hbm>>) dst(%arg5 : memref<20352xf32, #tpu.memory_space<vmem>>)
      tpu.yield
    }) : () -> ()
    %scan3A = arith.constant 0 : i32
    %scan3A_12 = arith.constant 0 : i32
    %scan3A_13 = arith.constant 16 : i32
    %scan3A_14 = arith.addi %scan3A_12, %scan3A_13 : i32
    %scan3A_15 = arith.constant 1 : i32
    scf.for %scan3A_247 = %scan3A_12 to %scan3A_14 step %scan3A_15  : i32 {
      %mul3A_248 = arith.constant 2 : i32
      %mul3A_249 = arith.muli %mul3A_248, %scan3A_247 : i32
      %add3A_250 = arith.constant 0 : i32
      %add3A_251 = arith.addi %mul3A_249, %add3A_250 : i32
      %gt3A = arith.constant 0 : i32
      %gt3A_252 = arith.cmpi sgt, %scan3A_247, %gt3A : i32
      %convert_element_type3A = arith.extui %gt3A_252 : i1 to i32
      %cond3A = arith.constant 0 : i32
      %cond3A_253 = arith.cmpi ne, %convert_element_type3A, %cond3A : i32
      scf.if %cond3A_253 {
        %dma_wait3A_289 = arith.constant 0 : i32
        %dma_wait3A_290 = arith.constant 0 : i32
        %dma_wait3A_291 = tpu.memref_slice %arg4[%dma_wait3A_289, %dma_wait3A_290] : memref<1024x131072xf32, #tpu.memory_space<hbm>> -> memref<1x16384xf32, #tpu.memory_space<hbm>>
        %dma_wait3A_292 = tpu.memref_squeeze %dma_wait3A_291 : memref<1x16384xf32, #tpu.memory_space<hbm>> -> memref<16384xf32, #tpu.memory_space<hbm>>
        %dma_wait3A_293 = arith.constant 0 : i32
        %dma_wait3A_294 = tpu.memref_slice %arg4[%dma_wait3A_289, %dma_wait3A_293] : memref<1024x131072xf32, #tpu.memory_space<hbm>> -> memref<1x16384xf32, #tpu.memory_space<hbm>>
        %dma_wait3A_295 = tpu.memref_squeeze %dma_wait3A_294 : memref<1x16384xf32, #tpu.memory_space<hbm>> -> memref<16384xf32, #tpu.memory_space<hbm>>
        tpu.wait_dma2 semaphore(%arg9 : memref<!tpu.dma_semaphore, #tpu.memory_space<semaphore_mem>>) src(%arg7 : memref<16384xf32, #tpu.memory_space<vmem>>) dst(%dma_wait3A_295 : memref<16384xf32, #tpu.memory_space<hbm>>)
      } else {
      }
      %sub3A_254 = arith.constant 31 : i32
      %sub3A_255 = arith.subi %sub3A_254, %add3A_251 : i32
      %mul3A_256 = arith.constant 128 : i32
      %mul3A_257 = arith.muli %sub3A_255, %mul3A_256 : i32
      %parallel_loop3A = arith.constant 0 : i32
      %parallel_loop3A_258 = arith.constant 16384 : i32
      %parallel_loop3A_259 = arith.constant 16 : i32
      scf.for %parallel_loop3A_289 = %parallel_loop3A to %parallel_loop3A_258 step %parallel_loop3A_259  : i32 {
        %parallel_loop3A_290 = tpu.assume_multiple %parallel_loop3A_289, 16 : i32
        %parallel_loop3A_291 = arith.addi %mul3A_257, %parallel_loop3A_289 : i32
        %parallel_loop3A_292 = tpu.assume_multiple %parallel_loop3A_291, 16 : i32
        %parallel_loop3A_293 = arith.index_cast %parallel_loop3A_292 : i32 to index
        %parallel_loop3A_294 = tpu.vector_load %arg5[%parallel_loop3A_293] {strides = array<i32>} : memref<20352xf32, #tpu.memory_space<vmem>>, vector<16xf32>,
        %parallel_loop3A_295 = vector.shape_cast %parallel_loop3A_294 : vector<16xf32> to vector<16xf32>
        %parallel_loop3A_296 = arith.index_cast %parallel_loop3A_290 : i32 to index
        %parallel_loop3A_297 = tpu.vector_load %arg6[%parallel_loop3A_296] {strides = array<i32>} : memref<16384xf32, #tpu.memory_space<vmem>>, vector<16xf32>,
        %parallel_loop3A_298 = vector.shape_cast %parallel_loop3A_297 : vector<16xf32> to vector<16xf32>
        %parallel_loop3A_299 = arith.addf %parallel_loop3A_295, %parallel_loop3A_298 : vector<16xf32>
        %parallel_loop3A_300 = arith.index_cast %parallel_loop3A_290 : i32 to index
        %parallel_loop3A_301 = tpu.vector_load %arg7[%parallel_loop3A_300] {strides = array<i32>} : memref<16384xf32, #tpu.memory_space<vmem>>, vector<16xf32>,
        %parallel_loop3A_302 = vector.shape_cast %parallel_loop3A_301 : vector<16xf32> to vector<16xf32>
        %parallel_loop3A_303 = vector.shape_cast %parallel_loop3A_299 : vector<16xf32> to vector<16xf32>
        tpu.vector_store %arg7[%parallel_loop3A_300], %parallel_loop3A_303 {strides = array<i32>} : memref<16384xf32, #tpu.memory_space<vmem>>, vector<16xf32>,
      } {sc.loop_unroll_factor = 16 : i64, sc.parallel_access}
      %add3A_260 = arith.addi %mul3A_2, %add3A_251 : i32
      %dma_start3A = arith.constant 0 : i32
      %dma_start3A_261 = tpu.memref_slice %arg4[%add3A_260, %dma_start3A] : memref<1024x131072xf32, #tpu.memory_space<hbm>> -> memref<1x16384xf32, #tpu.memory_space<hbm>>
      %dma_start3A_262 = tpu.memref_squeeze %dma_start3A_261 : memref<1x16384xf32, #tpu.memory_space<hbm>> -> memref<16384xf32, #tpu.memory_space<hbm>>
      %dma_start3A_263 = arith.constant 0 : i32
      %dma_start3A_264 = tpu.memref_slice %arg4[%add3A_260, %dma_start3A_263] : memref<1024x131072xf32, #tpu.memory_space<hbm>> -> memref<1x16384xf32, #tpu.memory_space<hbm>>
      %dma_start3A_265 = tpu.memref_squeeze %dma_start3A_264 : memref<1x16384xf32, #tpu.memory_space<hbm>> -> memref<16384xf32, #tpu.memory_space<hbm>>
      tpu.enqueue_dma source(%arg7 : memref<16384xf32, #tpu.memory_space<vmem>>) target(%dma_start3A_265 : memref<16384xf32, #tpu.memory_space<hbm>>) target_semaphore(%arg9 : memref<!tpu.dma_semaphore, #tpu.memory_space<semaphore_mem>>)
      %mul3A_266 = arith.constant 2 : i32
      %mul3A_267 = arith.muli %mul3A_266, %scan3A_247 : i32
      %add3A_268 = arith.constant 1 : i32
      %add3A_269 = arith.addi %mul3A_267, %add3A_268 : i32
      %gt3A_270 = arith.constant 0 : i32
      %gt3A_271 = arith.cmpi sgt, %scan3A_247, %gt3A_270 : i32
      %convert_element_type3A_272 = arith.extui %gt3A_271 : i1 to i32
      %cond3A_273 = arith.constant 0 : i32
      %cond3A_274 = arith.cmpi ne, %convert_element_type3A_272, %cond3A_273 : i32
      scf.if %cond3A_274 {
        %dma_wait3A_289 = arith.constant 0 : i32
        %dma_wait3A_290 = arith.constant 0 : i32
        %dma_wait3A_291 = tpu.memref_slice %arg4[%dma_wait3A_289, %dma_wait3A_290] : memref<1024x131072xf32, #tpu.memory_space<hbm>> -> memref<1x16384xf32, #tpu.memory_space<hbm>>
        %dma_wait3A_292 = tpu.memref_squeeze %dma_wait3A_291 : memref<1x16384xf32, #tpu.memory_space<hbm>> -> memref<16384xf32, #tpu.memory_space<hbm>>
        %dma_wait3A_293 = arith.constant 0 : i32
        %dma_wait3A_294 = tpu.memref_slice %arg4[%dma_wait3A_289, %dma_wait3A_293] : memref<1024x131072xf32, #tpu.memory_space<hbm>> -> memref<1x16384xf32, #tpu.memory_space<hbm>>
        %dma_wait3A_295 = tpu.memref_squeeze %dma_wait3A_294 : memref<1x16384xf32, #tpu.memory_space<hbm>> -> memref<16384xf32, #tpu.memory_space<hbm>>
        tpu.wait_dma2 semaphore(%arg10 : memref<!tpu.dma_semaphore, #tpu.memory_space<semaphore_mem>>) src(%arg8 : memref<16384xf32, #tpu.memory_space<vmem>>) dst(%dma_wait3A_295 : memref<16384xf32, #tpu.memory_space<hbm>>)
      } else {
      }
      %sub3A_275 = arith.constant 31 : i32
      %sub3A_276 = arith.subi %sub3A_275, %add3A_269 : i32
      %mul3A_277 = arith.constant 128 : i32
      %mul3A_278 = arith.muli %sub3A_276, %mul3A_277 : i32
      %parallel_loop3A_279 = arith.constant 0 : i32
      %parallel_loop3A_280 = arith.constant 16384 : i32
      %parallel_loop3A_281 = arith.constant 16 : i32
      scf.for %parallel_loop3A_289 = %parallel_loop3A_279 to %parallel_loop3A_280 step %parallel_loop3A_281  : i32 {
        %parallel_loop3A_290 = tpu.assume_multiple %parallel_loop3A_289, 16 : i32
        %parallel_loop3A_291 = arith.addi %mul3A_278, %parallel_loop3A_289 : i32
        %parallel_loop3A_292 = tpu.assume_multiple %parallel_loop3A_291, 16 : i32
        %parallel_loop3A_293 = arith.index_cast %parallel_loop3A_292 : i32 to index
        %parallel_loop3A_294 = tpu.vector_load %arg5[%parallel_loop3A_293] {strides = array<i32>} : memref<20352xf32, #tpu.memory_space<vmem>>, vector<16xf32>,
        %parallel_loop3A_295 = vector.shape_cast %parallel_loop3A_294 : vector<16xf32> to vector<16xf32>
        %parallel_loop3A_296 = arith.index_cast %parallel_loop3A_290 : i32 to index
        %parallel_loop3A_297 = tpu.vector_load %arg6[%parallel_loop3A_296] {strides = array<i32>} : memref<16384xf32, #tpu.memory_space<vmem>>, vector<16xf32>,
        %parallel_loop3A_298 = vector.shape_cast %parallel_loop3A_297 : vector<16xf32> to vector<16xf32>
        %parallel_loop3A_299 = arith.addf %parallel_loop3A_295, %parallel_loop3A_298 : vector<16xf32>
        %parallel_loop3A_300 = arith.index_cast %parallel_loop3A_290 : i32 to index
        %parallel_loop3A_301 = tpu.vector_load %arg8[%parallel_loop3A_300] {strides = array<i32>} : memref<16384xf32, #tpu.memory_space<vmem>>, vector<16xf32>,
        %parallel_loop3A_302 = vector.shape_cast %parallel_loop3A_301 : vector<16xf32> to vector<16xf32>
        %parallel_loop3A_303 = vector.shape_cast %parallel_loop3A_299 : vector<16xf32> to vector<16xf32>
        tpu.vector_store %arg8[%parallel_loop3A_300], %parallel_loop3A_303 {strides = array<i32>} : memref<16384xf32, #tpu.memory_space<vmem>>, vector<16xf32>,
      } {sc.loop_unroll_factor = 16 : i64, sc.parallel_access}
      %add3A_282 = arith.addi %mul3A_2, %add3A_269 : i32
      %dma_start3A_283 = arith.constant 0 : i32
      %dma_start3A_284 = tpu.memref_slice %arg4[%add3A_282, %dma_start3A_283] : memref<1024x131072xf32, #tpu.memory_space<hbm>> -> memref<1x16384xf32, #tpu.memory_space<hbm>>
      %dma_start3A_285 = tpu.memref_squeeze %dma_start3A_284 : memref<1x16384xf32, #tpu.memory_space<hbm>> -> memref<16384xf32, #tpu.memory_space<hbm>>
      %dma_start3A_286 = arith.constant 0 : i32
      %dma_start3A_287 = tpu.memref_slice %arg4[%add3A_282, %dma_start3A_286] : memref<1024x131072xf32, #tpu.memory_space<hbm>> -> memref<1x16384xf32, #tpu.memory_space<hbm>>
      %dma_start3A_288 = tpu.memref_squeeze %dma_start3A_287 : memref<1x16384xf32, #tpu.memory_space<hbm>> -> memref<16384xf32, #tpu.memory_space<hbm>>
      tpu.enqueue_dma source(%arg8 : memref<16384xf32, #tpu.memory_space<vmem>>) target(%dma_start3A_288 : memref<16384xf32, #tpu.memory_space<hbm>>) target_semaphore(%arg10 : memref<!tpu.dma_semaphore, #tpu.memory_space<semaphore_mem>>)
    }
    %scan3A_16 = arith.constant 16 : i32
    %dma_wait3A = arith.constant 0 : i32
    %dma_wait3A_17 = arith.constant 0 : i32
    %dma_wait3A_18 = tpu.memref_slice %arg4[%dma_wait3A, %dma_wait3A_17] : memref<1024x131072xf32, #tpu.memory_space<hbm>> -> memref<1x16384xf32, #tpu.memory_space<hbm>>
    %dma_wait3A_19 = tpu.memref_squeeze %dma_wait3A_18 : memref<1x16384xf32, #tpu.memory_space<hbm>> -> memref<16384xf32, #tpu.memory_space<hbm>>
    %dma_wait3A_20 = arith.constant 0 : i32
    %dma_wait3A_21 = tpu.memref_slice %arg4[%dma_wait3A, %dma_wait3A_20] : memref<1024x131072xf32, #tpu.memory_space<hbm>> -> memref<1x16384xf32, #tpu.memory_space<hbm>>
    %dma_wait3A_22 = tpu.memref_squeeze %dma_wait3A_21 : memref<1x16384xf32, #tpu.memory_space<hbm>> -> memref<16384xf32, #tpu.memory_space<hbm>>
    tpu.wait_dma2 semaphore(%arg9 : memref<!tpu.dma_semaphore, #tpu.memory_space<semaphore_mem>>) src(%arg7 : memref<16384xf32, #tpu.memory_space<vmem>>) dst(%dma_wait3A_22 : memref<16384xf32, #tpu.memory_space<hbm>>)
    %dma_wait3A_23 = arith.constant 0 : i32
    %dma_wait3A_24 = arith.constant 0 : i32
    %dma_wait3A_25 = tpu.memref_slice %arg4[%dma_wait3A_23, %dma_wait3A_24] : memref<1024x131072xf32, #tpu.memory_space<hbm>> -> memref<1x16384xf32, #tpu.memory_space<hbm>>
    %dma_wait3A_26 = tpu.memref_squeeze %dma_wait3A_25 : memref<1x16384xf32, #tpu.memory_space<hbm>> -> memref<16384xf32, #tpu.memory_space<hbm>>
    %dma_wait3A_27 = arith.constant 0 : i32
    %dma_wait3A_28 = tpu.memref_slice %arg4[%dma_wait3A_23, %dma_wait3A_27] : memref<1024x131072xf32, #tpu.memory_space<hbm>> -> memref<1x16384xf32, #tpu.memory_space<hbm>>
    %dma_wait3A_29 = tpu.memref_squeeze %dma_wait3A_28 : memref<1x16384xf32, #tpu.memory_space<hbm>> -> memref<16384xf32, #tpu.memory_space<hbm>>
    tpu.wait_dma2 semaphore(%arg10 : memref<!tpu.dma_semaphore, #tpu.memory_space<semaphore_mem>>) src(%arg8 : memref<16384xf32, #tpu.memory_space<vmem>>) dst(%dma_wait3A_29 : memref<16384xf32, #tpu.memory_space<hbm>>)
    "tpu.region"() ({
      %run_scoped3A = tpu.sem_alloc : memref<!tpu.dma_semaphore, #tpu.memory_space<semaphore_mem>>
      %dma_start3A = arith.constant 16384 : i32
      %dma_start3A_247 = tpu.memref_slice %arg2[%dma_start3A] : memref<131072xf32, #tpu.memory_space<hbm>> -> memref<16384xf32, #tpu.memory_space<hbm>>
      %dma_start3A_248 = arith.constant 16384 : i32
      %dma_start3A_249 = tpu.memref_slice %arg2[%dma_start3A_248] : memref<131072xf32, #tpu.memory_space<hbm>> -> memref<16384xf32, #tpu.memory_space<hbm>>
      tpu.enqueue_dma source(%dma_start3A_249 : memref<16384xf32, #tpu.memory_space<hbm>>) target(%arg6 : memref<16384xf32, #tpu.memory_space<vmem>>) target_semaphore(%run_scoped3A : memref<!tpu.dma_semaphore, #tpu.memory_space<semaphore_mem>>)
      %dma_wait3A_250 = arith.constant 16384 : i32
      %dma_wait3A_251 = tpu.memref_slice %arg2[%dma_wait3A_250] : memref<131072xf32, #tpu.memory_space<hbm>> -> memref<16384xf32, #tpu.memory_space<hbm>>
      %dma_wait3A_252 = arith.constant 16384 : i32
      %dma_wait3A_253 = tpu.memref_slice %arg2[%dma_wait3A_252] : memref<131072xf32, #tpu.memory_space<hbm>> -> memref<16384xf32, #tpu.memory_space<hbm>>
      tpu.wait_dma2 semaphore(%run_scoped3A : memref<!tpu.dma_semaphore, #tpu.memory_space<semaphore_mem>>) src(%dma_wait3A_253 : memref<16384xf32, #tpu.memory_space<hbm>>) dst(%arg6 : memref<16384xf32, #tpu.memory_space<vmem>>)
      tpu.yield
    }) : () -> ()
    %add3A_30 = arith.constant 32 : i32
    %add3A_31 = arith.addi %mul3A_2, %add3A_30 : i32
    %sub3A_32 = arith.constant 1 : i32
    %sub3A_33 = arith.subi %add3A_31, %sub3A_32 : i32
    %sub3A_34 = arith.constant 1023 : i32
    %sub3A_35 = arith.subi %sub3A_34, %sub3A_33 : i32
    %add3A_36 = arith.constant 128 : i32
    %add3A_37 = arith.addi %sub3A_35, %add3A_36 : i32
    %mul3A_38 = arith.constant 128 : i32
    %mul3A_39 = arith.muli %add3A_37, %mul3A_38 : i32
    %multiple_of3A_40 = tpu.assume_multiple %mul3A_39, 128 : i32
    "tpu.region"() ({
      %run_scoped3A = tpu.sem_alloc : memref<!tpu.dma_semaphore, #tpu.memory_space<semaphore_mem>>
      %dma_start3A = tpu.memref_slice %arg3[%multiple_of3A_40] : memref<262144xf32, #tpu.memory_space<hbm>> -> memref<20352xf32, #tpu.memory_space<hbm>>
      %dma_start3A_247 = tpu.memref_slice %arg3[%multiple_of3A_40] : memref<262144xf32, #tpu.memory_space<hbm>> -> memref<20352xf32, #tpu.memory_space<hbm>>
      tpu.enqueue_dma source(%dma_start3A_247 : memref<20352xf32, #tpu.memory_space<hbm>>) target(%arg5 : memref<20352xf32, #tpu.memory_space<vmem>>) target_semaphore(%run_scoped3A : memref<!tpu.dma_semaphore, #tpu.memory_space<semaphore_mem>>)
      %dma_wait3A_248 = tpu.memref_slice %arg3[%multiple_of3A_40] : memref<262144xf32, #tpu.memory_space<hbm>> -> memref<20352xf32, #tpu.memory_space<hbm>>
      %dma_wait3A_249 = tpu.memref_slice %arg3[%multiple_of3A_40] : memref<262144xf32, #tpu.memory_space<hbm>> -> memref<20352xf32, #tpu.memory_space<hbm>>
      tpu.wait_dma2 semaphore(%run_scoped3A : memref<!tpu.dma_semaphore, #tpu.memory_space<semaphore_mem>>) src(%dma_wait3A_249 : memref<20352xf32, #tpu.memory_space<hbm>>) dst(%arg5 : memref<20352xf32, #tpu.memory_space<vmem>>)
      tpu.yield
    }) : () -> ()
    %scan3A_41 = arith.constant 0 : i32
    %scan3A_42 = arith.constant 0 : i32
    %scan3A_43 = arith.constant 16 : i32
    %scan3A_44 = arith.addi %scan3A_42, %scan3A_43 : i32
    %scan3A_45 = arith.constant 1 : i32
    scf.for %scan3A_247 = %scan3A_42 to %scan3A_44 step %scan3A_45  : i32 {
      %mul3A_248 = arith.constant 2 : i32
      %mul3A_249 = arith.muli %mul3A_248, %scan3A_247 : i32
      %add3A_250 = arith.constant 0 : i32
      %add3A_251 = arith.addi %mul3A_249, %add3A_250 : i32
      %gt3A = arith.constant 0 : i32
      %gt3A_252 = arith.cmpi sgt, %scan3A_247, %gt3A : i32
      %convert_element_type3A = arith.extui %gt3A_252 : i1 to i32
      %cond3A = arith.constant 0 : i32
      %cond3A_253 = arith.cmpi ne, %convert_element_type3A, %cond3A : i32
      scf.if %cond3A_253 {
        %dma_wait3A_289 = arith.constant 0 : i32
        %dma_wait3A_290 = arith.constant 0 : i32
        %dma_wait3A_291 = tpu.memref_slice %arg4[%dma_wait3A_289, %dma_wait3A_290] : memref<1024x131072xf32, #tpu.memory_space<hbm>> -> memref<1x16384xf32, #tpu.memory_space<hbm>>
        %dma_wait3A_292 = tpu.memref_squeeze %dma_wait3A_291 : memref<1x16384xf32, #tpu.memory_space<hbm>> -> memref<16384xf32, #tpu.memory_space<hbm>>
        %dma_wait3A_293 = arith.constant 0 : i32
        %dma_wait3A_294 = tpu.memref_slice %arg4[%dma_wait3A_289, %dma_wait3A_293] : memref<1024x131072xf32, #tpu.memory_space<hbm>> -> memref<1x16384xf32, #tpu.memory_space<hbm>>
        %dma_wait3A_295 = tpu.memref_squeeze %dma_wait3A_294 : memref<1x16384xf32, #tpu.memory_space<hbm>> -> memref<16384xf32, #tpu.memory_space<hbm>>
        tpu.wait_dma2 semaphore(%arg9 : memref<!tpu.dma_semaphore, #tpu.memory_space<semaphore_mem>>) src(%arg7 : memref<16384xf32, #tpu.memory_space<vmem>>) dst(%dma_wait3A_295 : memref<16384xf32, #tpu.memory_space<hbm>>)
      } else {
      }
      %sub3A_254 = arith.constant 31 : i32
      %sub3A_255 = arith.subi %sub3A_254, %add3A_251 : i32
      %mul3A_256 = arith.constant 128 : i32
      %mul3A_257 = arith.muli %sub3A_255, %mul3A_256 : i32
      %parallel_loop3A = arith.constant 0 : i32
      %parallel_loop3A_258 = arith.constant 16384 : i32
      %parallel_loop3A_259 = arith.constant 16 : i32
      scf.for %parallel_loop3A_289 = %parallel_loop3A to %parallel_loop3A_258 step %parallel_loop3A_259  : i32 {
        %parallel_loop3A_290 = tpu.assume_multiple %parallel_loop3A_289, 16 : i32
        %parallel_loop3A_291 = arith.addi %mul3A_257, %parallel_loop3A_289 : i32
        %parallel_loop3A_292 = tpu.assume_multiple %parallel_loop3A_291, 16 : i32
        %parallel_loop3A_293 = arith.index_cast %parallel_loop3A_292 : i32 to index
        %parallel_loop3A_294 = tpu.vector_load %arg5[%parallel_loop3A_293] {strides = array<i32>} : memref<20352xf32, #tpu.memory_space<vmem>>, vector<16xf32>,
        %parallel_loop3A_295 = vector.shape_cast %parallel_loop3A_294 : vector<16xf32> to vector<16xf32>
        %parallel_loop3A_296 = arith.index_cast %parallel_loop3A_290 : i32 to index
        %parallel_loop3A_297 = tpu.vector_load %arg6[%parallel_loop3A_296] {strides = array<i32>} : memref<16384xf32, #tpu.memory_space<vmem>>, vector<16xf32>,
        %parallel_loop3A_298 = vector.shape_cast %parallel_loop3A_297 : vector<16xf32> to vector<16xf32>
        %parallel_loop3A_299 = arith.addf %parallel_loop3A_295, %parallel_loop3A_298 : vector<16xf32>
        %parallel_loop3A_300 = arith.index_cast %parallel_loop3A_290 : i32 to index
        %parallel_loop3A_301 = tpu.vector_load %arg7[%parallel_loop3A_300] {strides = array<i32>} : memref<16384xf32, #tpu.memory_space<vmem>>, vector<16xf32>,
        %parallel_loop3A_302 = vector.shape_cast %parallel_loop3A_301 : vector<16xf32> to vector<16xf32>
        %parallel_loop3A_303 = vector.shape_cast %parallel_loop3A_299 : vector<16xf32> to vector<16xf32>
        tpu.vector_store %arg7[%parallel_loop3A_300], %parallel_loop3A_303 {strides = array<i32>} : memref<16384xf32, #tpu.memory_space<vmem>>, vector<16xf32>,
      } {sc.loop_unroll_factor = 16 : i64, sc.parallel_access}
      %add3A_260 = arith.addi %mul3A_2, %add3A_251 : i32
      %dma_start3A = arith.constant 16384 : i32
      %dma_start3A_261 = tpu.memref_slice %arg4[%add3A_260, %dma_start3A] : memref<1024x131072xf32, #tpu.memory_space<hbm>> -> memref<1x16384xf32, #tpu.memory_space<hbm>>
      %dma_start3A_262 = tpu.memref_squeeze %dma_start3A_261 : memref<1x16384xf32, #tpu.memory_space<hbm>> -> memref<16384xf32, #tpu.memory_space<hbm>>
      %dma_start3A_263 = arith.constant 16384 : i32
      %dma_start3A_264 = tpu.memref_slice %arg4[%add3A_260, %dma_start3A_263] : memref<1024x131072xf32, #tpu.memory_space<hbm>> -> memref<1x16384xf32, #tpu.memory_space<hbm>>
      %dma_start3A_265 = tpu.memref_squeeze %dma_start3A_264 : memref<1x16384xf32, #tpu.memory_space<hbm>> -> memref<16384xf32, #tpu.memory_space<hbm>>
      tpu.enqueue_dma source(%arg7 : memref<16384xf32, #tpu.memory_space<vmem>>) target(%dma_start3A_265 : memref<16384xf32, #tpu.memory_space<hbm>>) target_semaphore(%arg9 : memref<!tpu.dma_semaphore, #tpu.memory_space<semaphore_mem>>)
      %mul3A_266 = arith.constant 2 : i32
      %mul3A_267 = arith.muli %mul3A_266, %scan3A_247 : i32
      %add3A_268 = arith.constant 1 : i32
      %add3A_269 = arith.addi %mul3A_267, %add3A_268 : i32
      %gt3A_270 = arith.constant 0 : i32
      %gt3A_271 = arith.cmpi sgt, %scan3A_247, %gt3A_270 : i32
      %convert_element_type3A_272 = arith.extui %gt3A_271 : i1 to i32
      %cond3A_273 = arith.constant 0 : i32
      %cond3A_274 = arith.cmpi ne, %convert_element_type3A_272, %cond3A_273 : i32
      scf.if %cond3A_274 {
        %dma_wait3A_289 = arith.constant 0 : i32
        %dma_wait3A_290 = arith.constant 0 : i32
        %dma_wait3A_291 = tpu.memref_slice %arg4[%dma_wait3A_289, %dma_wait3A_290] : memref<1024x131072xf32, #tpu.memory_space<hbm>> -> memref<1x16384xf32, #tpu.memory_space<hbm>>
        %dma_wait3A_292 = tpu.memref_squeeze %dma_wait3A_291 : memref<1x16384xf32, #tpu.memory_space<hbm>> -> memref<16384xf32, #tpu.memory_space<hbm>>
        %dma_wait3A_293 = arith.constant 0 : i32
        %dma_wait3A_294 = tpu.memref_slice %arg4[%dma_wait3A_289, %dma_wait3A_293] : memref<1024x131072xf32, #tpu.memory_space<hbm>> -> memref<1x16384xf32, #tpu.memory_space<hbm>>
        %dma_wait3A_295 = tpu.memref_squeeze %dma_wait3A_294 : memref<1x16384xf32, #tpu.memory_space<hbm>> -> memref<16384xf32, #tpu.memory_space<hbm>>
        tpu.wait_dma2 semaphore(%arg10 : memref<!tpu.dma_semaphore, #tpu.memory_space<semaphore_mem>>) src(%arg8 : memref<16384xf32, #tpu.memory_space<vmem>>) dst(%dma_wait3A_295 : memref<16384xf32, #tpu.memory_space<hbm>>)
      } else {
      }
      %sub3A_275 = arith.constant 31 : i32
      %sub3A_276 = arith.subi %sub3A_275, %add3A_269 : i32
      %mul3A_277 = arith.constant 128 : i32
      %mul3A_278 = arith.muli %sub3A_276, %mul3A_277 : i32
      %parallel_loop3A_279 = arith.constant 0 : i32
      %parallel_loop3A_280 = arith.constant 16384 : i32
      %parallel_loop3A_281 = arith.constant 16 : i32
      scf.for %parallel_loop3A_289 = %parallel_loop3A_279 to %parallel_loop3A_280 step %parallel_loop3A_281  : i32 {
        %parallel_loop3A_290 = tpu.assume_multiple %parallel_loop3A_289, 16 : i32
        %parallel_loop3A_291 = arith.addi %mul3A_278, %parallel_loop3A_289 : i32
        %parallel_loop3A_292 = tpu.assume_multiple %parallel_loop3A_291, 16 : i32
        %parallel_loop3A_293 = arith.index_cast %parallel_loop3A_292 : i32 to index
        %parallel_loop3A_294 = tpu.vector_load %arg5[%parallel_loop3A_293] {strides = array<i32>} : memref<20352xf32, #tpu.memory_space<vmem>>, vector<16xf32>,
        %parallel_loop3A_295 = vector.shape_cast %parallel_loop3A_294 : vector<16xf32> to vector<16xf32>
        %parallel_loop3A_296 = arith.index_cast %parallel_loop3A_290 : i32 to index
        %parallel_loop3A_297 = tpu.vector_load %arg6[%parallel_loop3A_296] {strides = array<i32>} : memref<16384xf32, #tpu.memory_space<vmem>>, vector<16xf32>,
        %parallel_loop3A_298 = vector.shape_cast %parallel_loop3A_297 : vector<16xf32> to vector<16xf32>
        %parallel_loop3A_299 = arith.addf %parallel_loop3A_295, %parallel_loop3A_298 : vector<16xf32>
        %parallel_loop3A_300 = arith.index_cast %parallel_loop3A_290 : i32 to index
        %parallel_loop3A_301 = tpu.vector_load %arg8[%parallel_loop3A_300] {strides = array<i32>} : memref<16384xf32, #tpu.memory_space<vmem>>, vector<16xf32>,
        %parallel_loop3A_302 = vector.shape_cast %parallel_loop3A_301 : vector<16xf32> to vector<16xf32>
        %parallel_loop3A_303 = vector.shape_cast %parallel_loop3A_299 : vector<16xf32> to vector<16xf32>
        tpu.vector_store %arg8[%parallel_loop3A_300], %parallel_loop3A_303 {strides = array<i32>} : memref<16384xf32, #tpu.memory_space<vmem>>, vector<16xf32>,
      } {sc.loop_unroll_factor = 16 : i64, sc.parallel_access}
      %add3A_282 = arith.addi %mul3A_2, %add3A_269 : i32
      %dma_start3A_283 = arith.constant 16384 : i32
      %dma_start3A_284 = tpu.memref_slice %arg4[%add3A_282, %dma_start3A_283] : memref<1024x131072xf32, #tpu.memory_space<hbm>> -> memref<1x16384xf32, #tpu.memory_space<hbm>>
      %dma_start3A_285 = tpu.memref_squeeze %dma_start3A_284 : memref<1x16384xf32, #tpu.memory_space<hbm>> -> memref<16384xf32, #tpu.memory_space<hbm>>
      %dma_start3A_286 = arith.constant 16384 : i32
      %dma_start3A_287 = tpu.memref_slice %arg4[%add3A_282, %dma_start3A_286] : memref<1024x131072xf32, #tpu.memory_space<hbm>> -> memref<1x16384xf32, #tpu.memory_space<hbm>>
      %dma_start3A_288 = tpu.memref_squeeze %dma_start3A_287 : memref<1x16384xf32, #tpu.memory_space<hbm>> -> memref<16384xf32, #tpu.memory_space<hbm>>
      tpu.enqueue_dma source(%arg8 : memref<16384xf32, #tpu.memory_space<vmem>>) target(%dma_start3A_288 : memref<16384xf32, #tpu.memory_space<hbm>>) target_semaphore(%arg10 : memref<!tpu.dma_semaphore, #tpu.memory_space<semaphore_mem>>)
    }
    %scan3A_46 = arith.constant 16 : i32
    %dma_wait3A_47 = arith.constant 0 : i32
    %dma_wait3A_48 = arith.constant 0 : i32
    %dma_wait3A_49 = tpu.memref_slice %arg4[%dma_wait3A_47, %dma_wait3A_48] : memref<1024x131072xf32, #tpu.memory_space<hbm>> -> memref<1x16384xf32, #tpu.memory_space<hbm>>
    %dma_wait3A_50 = tpu.memref_squeeze %dma_wait3A_49 : memref<1x16384xf32, #tpu.memory_space<hbm>> -> memref<16384xf32, #tpu.memory_space<hbm>>
    %dma_wait3A_51 = arith.constant 0 : i32
    %dma_wait3A_52 = tpu.memref_slice %arg4[%dma_wait3A_47, %dma_wait3A_51] : memref<1024x131072xf32, #tpu.memory_space<hbm>> -> memref<1x16384xf32, #tpu.memory_space<hbm>>
    %dma_wait3A_53 = tpu.memref_squeeze %dma_wait3A_52 : memref<1x16384xf32, #tpu.memory_space<hbm>> -> memref<16384xf32, #tpu.memory_space<hbm>>
    tpu.wait_dma2 semaphore(%arg9 : memref<!tpu.dma_semaphore, #tpu.memory_space<semaphore_mem>>) src(%arg7 : memref<16384xf32, #tpu.memory_space<vmem>>) dst(%dma_wait3A_53 : memref<16384xf32, #tpu.memory_space<hbm>>)
    %dma_wait3A_54 = arith.constant 0 : i32
    %dma_wait3A_55 = arith.constant 0 : i32
    %dma_wait3A_56 = tpu.memref_slice %arg4[%dma_wait3A_54, %dma_wait3A_55] : memref<1024x131072xf32, #tpu.memory_space<hbm>> -> memref<1x16384xf32, #tpu.memory_space<hbm>>
    %dma_wait3A_57 = tpu.memref_squeeze %dma_wait3A_56 : memref<1x16384xf32, #tpu.memory_space<hbm>> -> memref<16384xf32, #tpu.memory_space<hbm>>
    %dma_wait3A_58 = arith.constant 0 : i32
    %dma_wait3A_59 = tpu.memref_slice %arg4[%dma_wait3A_54, %dma_wait3A_58] : memref<1024x131072xf32, #tpu.memory_space<hbm>> -> memref<1x16384xf32, #tpu.memory_space<hbm>>
    %dma_wait3A_60 = tpu.memref_squeeze %dma_wait3A_59 : memref<1x16384xf32, #tpu.memory_space<hbm>> -> memref<16384xf32, #tpu.memory_space<hbm>>
    tpu.wait_dma2 semaphore(%arg10 : memref<!tpu.dma_semaphore, #tpu.memory_space<semaphore_mem>>) src(%arg8 : memref<16384xf32, #tpu.memory_space<vmem>>) dst(%dma_wait3A_60 : memref<16384xf32, #tpu.memory_space<hbm>>)
    "tpu.region"() ({
      %run_scoped3A = tpu.sem_alloc : memref<!tpu.dma_semaphore, #tpu.memory_space<semaphore_mem>>
      %dma_start3A = arith.constant 32768 : i32
      %dma_start3A_247 = tpu.memref_slice %arg2[%dma_start3A] : memref<131072xf32, #tpu.memory_space<hbm>> -> memref<16384xf32, #tpu.memory_space<hbm>>
      %dma_start3A_248 = arith.constant 32768 : i32
      %dma_start3A_249 = tpu.memref_slice %arg2[%dma_start3A_248] : memref<131072xf32, #tpu.memory_space<hbm>> -> memref<16384xf32, #tpu.memory_space<hbm>>
      tpu.enqueue_dma source(%dma_start3A_249 : memref<16384xf32, #tpu.memory_space<hbm>>) target(%arg6 : memref<16384xf32, #tpu.memory_space<vmem>>) target_semaphore(%run_scoped3A : memref<!tpu.dma_semaphore, #tpu.memory_space<semaphore_mem>>)
      %dma_wait3A_250 = arith.constant 32768 : i32
      %dma_wait3A_251 = tpu.memref_slice %arg2[%dma_wait3A_250] : memref<131072xf32, #tpu.memory_space<hbm>> -> memref<16384xf32, #tpu.memory_space<hbm>>
      %dma_wait3A_252 = arith.constant 32768 : i32
      %dma_wait3A_253 = tpu.memref_slice %arg2[%dma_wait3A_252] : memref<131072xf32, #tpu.memory_space<hbm>> -> memref<16384xf32, #tpu.memory_space<hbm>>
      tpu.wait_dma2 semaphore(%run_scoped3A : memref<!tpu.dma_semaphore, #tpu.memory_space<semaphore_mem>>) src(%dma_wait3A_253 : memref<16384xf32, #tpu.memory_space<hbm>>) dst(%arg6 : memref<16384xf32, #tpu.memory_space<vmem>>)
      tpu.yield
    }) : () -> ()
    %add3A_61 = arith.constant 32 : i32
    %add3A_62 = arith.addi %mul3A_2, %add3A_61 : i32
    %sub3A_63 = arith.constant 1 : i32
    %sub3A_64 = arith.subi %add3A_62, %sub3A_63 : i32
    %sub3A_65 = arith.constant 1023 : i32
    %sub3A_66 = arith.subi %sub3A_65, %sub3A_64 : i32
    %add3A_67 = arith.constant 256 : i32
    %add3A_68 = arith.addi %sub3A_66, %add3A_67 : i32
    %mul3A_69 = arith.constant 128 : i32
    %mul3A_70 = arith.muli %add3A_68, %mul3A_69 : i32
    %multiple_of3A_71 = tpu.assume_multiple %mul3A_70, 128 : i32
    "tpu.region"() ({
      %run_scoped3A = tpu.sem_alloc : memref<!tpu.dma_semaphore, #tpu.memory_space<semaphore_mem>>
      %dma_start3A = tpu.memref_slice %arg3[%multiple_of3A_71] : memref<262144xf32, #tpu.memory_space<hbm>> -> memref<20352xf32, #tpu.memory_space<hbm>>
      %dma_start3A_247 = tpu.memref_slice %arg3[%multiple_of3A_71] : memref<262144xf32, #tpu.memory_space<hbm>> -> memref<20352xf32, #tpu.memory_space<hbm>>
      tpu.enqueue_dma source(%dma_start3A_247 : memref<20352xf32, #tpu.memory_space<hbm>>) target(%arg5 : memref<20352xf32, #tpu.memory_space<vmem>>) target_semaphore(%run_scoped3A : memref<!tpu.dma_semaphore, #tpu.memory_space<semaphore_mem>>)
      %dma_wait3A_248 = tpu.memref_slice %arg3[%multiple_of3A_71] : memref<262144xf32, #tpu.memory_space<hbm>> -> memref<20352xf32, #tpu.memory_space<hbm>>
      %dma_wait3A_249 = tpu.memref_slice %arg3[%multiple_of3A_71] : memref<262144xf32, #tpu.memory_space<hbm>> -> memref<20352xf32, #tpu.memory_space<hbm>>
      tpu.wait_dma2 semaphore(%run_scoped3A : memref<!tpu.dma_semaphore, #tpu.memory_space<semaphore_mem>>) src(%dma_wait3A_249 : memref<20352xf32, #tpu.memory_space<hbm>>) dst(%arg5 : memref<20352xf32, #tpu.memory_space<vmem>>)
      tpu.yield
    }) : () -> ()
    %scan3A_72 = arith.constant 0 : i32
    %scan3A_73 = arith.constant 0 : i32
    %scan3A_74 = arith.constant 16 : i32
    %scan3A_75 = arith.addi %scan3A_73, %scan3A_74 : i32
    %scan3A_76 = arith.constant 1 : i32
    scf.for %scan3A_247 = %scan3A_73 to %scan3A_75 step %scan3A_76  : i32 {
      %mul3A_248 = arith.constant 2 : i32
      %mul3A_249 = arith.muli %mul3A_248, %scan3A_247 : i32
      %add3A_250 = arith.constant 0 : i32
      %add3A_251 = arith.addi %mul3A_249, %add3A_250 : i32
      %gt3A = arith.constant 0 : i32
      %gt3A_252 = arith.cmpi sgt, %scan3A_247, %gt3A : i32
      %convert_element_type3A = arith.extui %gt3A_252 : i1 to i32
      %cond3A = arith.constant 0 : i32
      %cond3A_253 = arith.cmpi ne, %convert_element_type3A, %cond3A : i32
      scf.if %cond3A_253 {
        %dma_wait3A_289 = arith.constant 0 : i32
        %dma_wait3A_290 = arith.constant 0 : i32
        %dma_wait3A_291 = tpu.memref_slice %arg4[%dma_wait3A_289, %dma_wait3A_290] : memref<1024x131072xf32, #tpu.memory_space<hbm>> -> memref<1x16384xf32, #tpu.memory_space<hbm>>
        %dma_wait3A_292 = tpu.memref_squeeze %dma_wait3A_291 : memref<1x16384xf32, #tpu.memory_space<hbm>> -> memref<16384xf32, #tpu.memory_space<hbm>>
        %dma_wait3A_293 = arith.constant 0 : i32
        %dma_wait3A_294 = tpu.memref_slice %arg4[%dma_wait3A_289, %dma_wait3A_293] : memref<1024x131072xf32, #tpu.memory_space<hbm>> -> memref<1x16384xf32, #tpu.memory_space<hbm>>
        %dma_wait3A_295 = tpu.memref_squeeze %dma_wait3A_294 : memref<1x16384xf32, #tpu.memory_space<hbm>> -> memref<16384xf32, #tpu.memory_space<hbm>>
        tpu.wait_dma2 semaphore(%arg9 : memref<!tpu.dma_semaphore, #tpu.memory_space<semaphore_mem>>) src(%arg7 : memref<16384xf32, #tpu.memory_space<vmem>>) dst(%dma_wait3A_295 : memref<16384xf32, #tpu.memory_space<hbm>>)
      } else {
      }
      %sub3A_254 = arith.constant 31 : i32
      %sub3A_255 = arith.subi %sub3A_254, %add3A_251 : i32
      %mul3A_256 = arith.constant 128 : i32
      %mul3A_257 = arith.muli %sub3A_255, %mul3A_256 : i32
      %parallel_loop3A = arith.constant 0 : i32
      %parallel_loop3A_258 = arith.constant 16384 : i32
      %parallel_loop3A_259 = arith.constant 16 : i32
      scf.for %parallel_loop3A_289 = %parallel_loop3A to %parallel_loop3A_258 step %parallel_loop3A_259  : i32 {
        %parallel_loop3A_290 = tpu.assume_multiple %parallel_loop3A_289, 16 : i32
        %parallel_loop3A_291 = arith.addi %mul3A_257, %parallel_loop3A_289 : i32
        %parallel_loop3A_292 = tpu.assume_multiple %parallel_loop3A_291, 16 : i32
        %parallel_loop3A_293 = arith.index_cast %parallel_loop3A_292 : i32 to index
        %parallel_loop3A_294 = tpu.vector_load %arg5[%parallel_loop3A_293] {strides = array<i32>} : memref<20352xf32, #tpu.memory_space<vmem>>, vector<16xf32>,
        %parallel_loop3A_295 = vector.shape_cast %parallel_loop3A_294 : vector<16xf32> to vector<16xf32>
        %parallel_loop3A_296 = arith.index_cast %parallel_loop3A_290 : i32 to index
        %parallel_loop3A_297 = tpu.vector_load %arg6[%parallel_loop3A_296] {strides = array<i32>} : memref<16384xf32, #tpu.memory_space<vmem>>, vector<16xf32>,
        %parallel_loop3A_298 = vector.shape_cast %parallel_loop3A_297 : vector<16xf32> to vector<16xf32>
        %parallel_loop3A_299 = arith.addf %parallel_loop3A_295, %parallel_loop3A_298 : vector<16xf32>
        %parallel_loop3A_300 = arith.index_cast %parallel_loop3A_290 : i32 to index
        %parallel_loop3A_301 = tpu.vector_load %arg7[%parallel_loop3A_300] {strides = array<i32>} : memref<16384xf32, #tpu.memory_space<vmem>>, vector<16xf32>,
        %parallel_loop3A_302 = vector.shape_cast %parallel_loop3A_301 : vector<16xf32> to vector<16xf32>
        %parallel_loop3A_303 = vector.shape_cast %parallel_loop3A_299 : vector<16xf32> to vector<16xf32>
        tpu.vector_store %arg7[%parallel_loop3A_300], %parallel_loop3A_303 {strides = array<i32>} : memref<16384xf32, #tpu.memory_space<vmem>>, vector<16xf32>,
      } {sc.loop_unroll_factor = 16 : i64, sc.parallel_access}
      %add3A_260 = arith.addi %mul3A_2, %add3A_251 : i32
      %dma_start3A = arith.constant 32768 : i32
      %dma_start3A_261 = tpu.memref_slice %arg4[%add3A_260, %dma_start3A] : memref<1024x131072xf32, #tpu.memory_space<hbm>> -> memref<1x16384xf32, #tpu.memory_space<hbm>>
      %dma_start3A_262 = tpu.memref_squeeze %dma_start3A_261 : memref<1x16384xf32, #tpu.memory_space<hbm>> -> memref<16384xf32, #tpu.memory_space<hbm>>
      %dma_start3A_263 = arith.constant 32768 : i32
      %dma_start3A_264 = tpu.memref_slice %arg4[%add3A_260, %dma_start3A_263] : memref<1024x131072xf32, #tpu.memory_space<hbm>> -> memref<1x16384xf32, #tpu.memory_space<hbm>>
      %dma_start3A_265 = tpu.memref_squeeze %dma_start3A_264 : memref<1x16384xf32, #tpu.memory_space<hbm>> -> memref<16384xf32, #tpu.memory_space<hbm>>
      tpu.enqueue_dma source(%arg7 : memref<16384xf32, #tpu.memory_space<vmem>>) target(%dma_start3A_265 : memref<16384xf32, #tpu.memory_space<hbm>>) target_semaphore(%arg9 : memref<!tpu.dma_semaphore, #tpu.memory_space<semaphore_mem>>)
      %mul3A_266 = arith.constant 2 : i32
      %mul3A_267 = arith.muli %mul3A_266, %scan3A_247 : i32
      %add3A_268 = arith.constant 1 : i32
      %add3A_269 = arith.addi %mul3A_267, %add3A_268 : i32
      %gt3A_270 = arith.constant 0 : i32
      %gt3A_271 = arith.cmpi sgt, %scan3A_247, %gt3A_270 : i32
      %convert_element_type3A_272 = arith.extui %gt3A_271 : i1 to i32
      %cond3A_273 = arith.constant 0 : i32
      %cond3A_274 = arith.cmpi ne, %convert_element_type3A_272, %cond3A_273 : i32
      scf.if %cond3A_274 {
        %dma_wait3A_289 = arith.constant 0 : i32
        %dma_wait3A_290 = arith.constant 0 : i32
        %dma_wait3A_291 = tpu.memref_slice %arg4[%dma_wait3A_289, %dma_wait3A_290] : memref<1024x131072xf32, #tpu.memory_space<hbm>> -> memref<1x16384xf32, #tpu.memory_space<hbm>>
        %dma_wait3A_292 = tpu.memref_squeeze %dma_wait3A_291 : memref<1x16384xf32, #tpu.memory_space<hbm>> -> memref<16384xf32, #tpu.memory_space<hbm>>
        %dma_wait3A_293 = arith.constant 0 : i32
        %dma_wait3A_294 = tpu.memref_slice %arg4[%dma_wait3A_289, %dma_wait3A_293] : memref<1024x131072xf32, #tpu.memory_space<hbm>> -> memref<1x16384xf32, #tpu.memory_space<hbm>>
        %dma_wait3A_295 = tpu.memref_squeeze %dma_wait3A_294 : memref<1x16384xf32, #tpu.memory_space<hbm>> -> memref<16384xf32, #tpu.memory_space<hbm>>
        tpu.wait_dma2 semaphore(%arg10 : memref<!tpu.dma_semaphore, #tpu.memory_space<semaphore_mem>>) src(%arg8 : memref<16384xf32, #tpu.memory_space<vmem>>) dst(%dma_wait3A_295 : memref<16384xf32, #tpu.memory_space<hbm>>)
      } else {
      }
      %sub3A_275 = arith.constant 31 : i32
      %sub3A_276 = arith.subi %sub3A_275, %add3A_269 : i32
      %mul3A_277 = arith.constant 128 : i32
      %mul3A_278 = arith.muli %sub3A_276, %mul3A_277 : i32
      %parallel_loop3A_279 = arith.constant 0 : i32
      %parallel_loop3A_280 = arith.constant 16384 : i32
      %parallel_loop3A_281 = arith.constant 16 : i32
      scf.for %parallel_loop3A_289 = %parallel_loop3A_279 to %parallel_loop3A_280 step %parallel_loop3A_281  : i32 {
        %parallel_loop3A_290 = tpu.assume_multiple %parallel_loop3A_289, 16 : i32
        %parallel_loop3A_291 = arith.addi %mul3A_278, %parallel_loop3A_289 : i32
        %parallel_loop3A_292 = tpu.assume_multiple %parallel_loop3A_291, 16 : i32
        %parallel_loop3A_293 = arith.index_cast %parallel_loop3A_292 : i32 to index
        %parallel_loop3A_294 = tpu.vector_load %arg5[%parallel_loop3A_293] {strides = array<i32>} : memref<20352xf32, #tpu.memory_space<vmem>>, vector<16xf32>,
        %parallel_loop3A_295 = vector.shape_cast %parallel_loop3A_294 : vector<16xf32> to vector<16xf32>
        %parallel_loop3A_296 = arith.index_cast %parallel_loop3A_290 : i32 to index
        %parallel_loop3A_297 = tpu.vector_load %arg6[%parallel_loop3A_296] {strides = array<i32>} : memref<16384xf32, #tpu.memory_space<vmem>>, vector<16xf32>,
        %parallel_loop3A_298 = vector.shape_cast %parallel_loop3A_297 : vector<16xf32> to vector<16xf32>
        %parallel_loop3A_299 = arith.addf %parallel_loop3A_295, %parallel_loop3A_298 : vector<16xf32>
        %parallel_loop3A_300 = arith.index_cast %parallel_loop3A_290 : i32 to index
        %parallel_loop3A_301 = tpu.vector_load %arg8[%parallel_loop3A_300] {strides = array<i32>} : memref<16384xf32, #tpu.memory_space<vmem>>, vector<16xf32>,
        %parallel_loop3A_302 = vector.shape_cast %parallel_loop3A_301 : vector<16xf32> to vector<16xf32>
        %parallel_loop3A_303 = vector.shape_cast %parallel_loop3A_299 : vector<16xf32> to vector<16xf32>
        tpu.vector_store %arg8[%parallel_loop3A_300], %parallel_loop3A_303 {strides = array<i32>} : memref<16384xf32, #tpu.memory_space<vmem>>, vector<16xf32>,
      } {sc.loop_unroll_factor = 16 : i64, sc.parallel_access}
      %add3A_282 = arith.addi %mul3A_2, %add3A_269 : i32
      %dma_start3A_283 = arith.constant 32768 : i32
      %dma_start3A_284 = tpu.memref_slice %arg4[%add3A_282, %dma_start3A_283] : memref<1024x131072xf32, #tpu.memory_space<hbm>> -> memref<1x16384xf32, #tpu.memory_space<hbm>>
      %dma_start3A_285 = tpu.memref_squeeze %dma_start3A_284 : memref<1x16384xf32, #tpu.memory_space<hbm>> -> memref<16384xf32, #tpu.memory_space<hbm>>
      %dma_start3A_286 = arith.constant 32768 : i32
      %dma_start3A_287 = tpu.memref_slice %arg4[%add3A_282, %dma_start3A_286] : memref<1024x131072xf32, #tpu.memory_space<hbm>> -> memref<1x16384xf32, #tpu.memory_space<hbm>>
      %dma_start3A_288 = tpu.memref_squeeze %dma_start3A_287 : memref<1x16384xf32, #tpu.memory_space<hbm>> -> memref<16384xf32, #tpu.memory_space<hbm>>
      tpu.enqueue_dma source(%arg8 : memref<16384xf32, #tpu.memory_space<vmem>>) target(%dma_start3A_288 : memref<16384xf32, #tpu.memory_space<hbm>>) target_semaphore(%arg10 : memref<!tpu.dma_semaphore, #tpu.memory_space<semaphore_mem>>)
    }
    %scan3A_77 = arith.constant 16 : i32
    %dma_wait3A_78 = arith.constant 0 : i32
    %dma_wait3A_79 = arith.constant 0 : i32
    %dma_wait3A_80 = tpu.memref_slice %arg4[%dma_wait3A_78, %dma_wait3A_79] : memref<1024x131072xf32, #tpu.memory_space<hbm>> -> memref<1x16384xf32, #tpu.memory_space<hbm>>
    %dma_wait3A_81 = tpu.memref_squeeze %dma_wait3A_80 : memref<1x16384xf32, #tpu.memory_space<hbm>> -> memref<16384xf32, #tpu.memory_space<hbm>>
    %dma_wait3A_82 = arith.constant 0 : i32
    %dma_wait3A_83 = tpu.memref_slice %arg4[%dma_wait3A_78, %dma_wait3A_82] : memref<1024x131072xf32, #tpu.memory_space<hbm>> -> memref<1x16384xf32, #tpu.memory_space<hbm>>
    %dma_wait3A_84 = tpu.memref_squeeze %dma_wait3A_83 : memref<1x16384xf32, #tpu.memory_space<hbm>> -> memref<16384xf32, #tpu.memory_space<hbm>>
    tpu.wait_dma2 semaphore(%arg9 : memref<!tpu.dma_semaphore, #tpu.memory_space<semaphore_mem>>) src(%arg7 : memref<16384xf32, #tpu.memory_space<vmem>>) dst(%dma_wait3A_84 : memref<16384xf32, #tpu.memory_space<hbm>>)
    %dma_wait3A_85 = arith.constant 0 : i32
    %dma_wait3A_86 = arith.constant 0 : i32
    %dma_wait3A_87 = tpu.memref_slice %arg4[%dma_wait3A_85, %dma_wait3A_86] : memref<1024x131072xf32, #tpu.memory_space<hbm>> -> memref<1x16384xf32, #tpu.memory_space<hbm>>
    %dma_wait3A_88 = tpu.memref_squeeze %dma_wait3A_87 : memref<1x16384xf32, #tpu.memory_space<hbm>> -> memref<16384xf32, #tpu.memory_space<hbm>>
    %dma_wait3A_89 = arith.constant 0 : i32
    %dma_wait3A_90 = tpu.memref_slice %arg4[%dma_wait3A_85, %dma_wait3A_89] : memref<1024x131072xf32, #tpu.memory_space<hbm>> -> memref<1x16384xf32, #tpu.memory_space<hbm>>
    %dma_wait3A_91 = tpu.memref_squeeze %dma_wait3A_90 : memref<1x16384xf32, #tpu.memory_space<hbm>> -> memref<16384xf32, #tpu.memory_space<hbm>>
    tpu.wait_dma2 semaphore(%arg10 : memref<!tpu.dma_semaphore, #tpu.memory_space<semaphore_mem>>) src(%arg8 : memref<16384xf32, #tpu.memory_space<vmem>>) dst(%dma_wait3A_91 : memref<16384xf32, #tpu.memory_space<hbm>>)
    "tpu.region"() ({
      %run_scoped3A = tpu.sem_alloc : memref<!tpu.dma_semaphore, #tpu.memory_space<semaphore_mem>>
      %dma_start3A = arith.constant 49152 : i32
      %dma_start3A_247 = tpu.memref_slice %arg2[%dma_start3A] : memref<131072xf32, #tpu.memory_space<hbm>> -> memref<16384xf32, #tpu.memory_space<hbm>>
      %dma_start3A_248 = arith.constant 49152 : i32
      %dma_start3A_249 = tpu.memref_slice %arg2[%dma_start3A_248] : memref<131072xf32, #tpu.memory_space<hbm>> -> memref<16384xf32, #tpu.memory_space<hbm>>
      tpu.enqueue_dma source(%dma_start3A_249 : memref<16384xf32, #tpu.memory_space<hbm>>) target(%arg6 : memref<16384xf32, #tpu.memory_space<vmem>>) target_semaphore(%run_scoped3A : memref<!tpu.dma_semaphore, #tpu.memory_space<semaphore_mem>>)
      %dma_wait3A_250 = arith.constant 49152 : i32
      %dma_wait3A_251 = tpu.memref_slice %arg2[%dma_wait3A_250] : memref<131072xf32, #tpu.memory_space<hbm>> -> memref<16384xf32, #tpu.memory_space<hbm>>
      %dma_wait3A_252 = arith.constant 49152 : i32
      %dma_wait3A_253 = tpu.memref_slice %arg2[%dma_wait3A_252] : memref<131072xf32, #tpu.memory_space<hbm>> -> memref<16384xf32, #tpu.memory_space<hbm>>
      tpu.wait_dma2 semaphore(%run_scoped3A : memref<!tpu.dma_semaphore, #tpu.memory_space<semaphore_mem>>) src(%dma_wait3A_253 : memref<16384xf32, #tpu.memory_space<hbm>>) dst(%arg6 : memref<16384xf32, #tpu.memory_space<vmem>>)
      tpu.yield
    }) : () -> ()
    %add3A_92 = arith.constant 32 : i32
    %add3A_93 = arith.addi %mul3A_2, %add3A_92 : i32
    %sub3A_94 = arith.constant 1 : i32
    %sub3A_95 = arith.subi %add3A_93, %sub3A_94 : i32
    %sub3A_96 = arith.constant 1023 : i32
    %sub3A_97 = arith.subi %sub3A_96, %sub3A_95 : i32
    %add3A_98 = arith.constant 384 : i32
    %add3A_99 = arith.addi %sub3A_97, %add3A_98 : i32
    %mul3A_100 = arith.constant 128 : i32
    %mul3A_101 = arith.muli %add3A_99, %mul3A_100 : i32
    %multiple_of3A_102 = tpu.assume_multiple %mul3A_101, 128 : i32
    "tpu.region"() ({
      %run_scoped3A = tpu.sem_alloc : memref<!tpu.dma_semaphore, #tpu.memory_space<semaphore_mem>>
      %dma_start3A = tpu.memref_slice %arg3[%multiple_of3A_102] : memref<262144xf32, #tpu.memory_space<hbm>> -> memref<20352xf32, #tpu.memory_space<hbm>>
      %dma_start3A_247 = tpu.memref_slice %arg3[%multiple_of3A_102] : memref<262144xf32, #tpu.memory_space<hbm>> -> memref<20352xf32, #tpu.memory_space<hbm>>
      tpu.enqueue_dma source(%dma_start3A_247 : memref<20352xf32, #tpu.memory_space<hbm>>) target(%arg5 : memref<20352xf32, #tpu.memory_space<vmem>>) target_semaphore(%run_scoped3A : memref<!tpu.dma_semaphore, #tpu.memory_space<semaphore_mem>>)
      %dma_wait3A_248 = tpu.memref_slice %arg3[%multiple_of3A_102] : memref<262144xf32, #tpu.memory_space<hbm>> -> memref<20352xf32, #tpu.memory_space<hbm>>
      %dma_wait3A_249 = tpu.memref_slice %arg3[%multiple_of3A_102] : memref<262144xf32, #tpu.memory_space<hbm>> -> memref<20352xf32, #tpu.memory_space<hbm>>
      tpu.wait_dma2 semaphore(%run_scoped3A : memref<!tpu.dma_semaphore, #tpu.memory_space<semaphore_mem>>) src(%dma_wait3A_249 : memref<20352xf32, #tpu.memory_space<hbm>>) dst(%arg5 : memref<20352xf32, #tpu.memory_space<vmem>>)
      tpu.yield
    }) : () -> ()
    %scan3A_103 = arith.constant 0 : i32
    %scan3A_104 = arith.constant 0 : i32
    %scan3A_105 = arith.constant 16 : i32
    %scan3A_106 = arith.addi %scan3A_104, %scan3A_105 : i32
    %scan3A_107 = arith.constant 1 : i32
    scf.for %scan3A_247 = %scan3A_104 to %scan3A_106 step %scan3A_107  : i32 {
      %mul3A_248 = arith.constant 2 : i32
      %mul3A_249 = arith.muli %mul3A_248, %scan3A_247 : i32
      %add3A_250 = arith.constant 0 : i32
      %add3A_251 = arith.addi %mul3A_249, %add3A_250 : i32
      %gt3A = arith.constant 0 : i32
      %gt3A_252 = arith.cmpi sgt, %scan3A_247, %gt3A : i32
      %convert_element_type3A = arith.extui %gt3A_252 : i1 to i32
      %cond3A = arith.constant 0 : i32
      %cond3A_253 = arith.cmpi ne, %convert_element_type3A, %cond3A : i32
      scf.if %cond3A_253 {
        %dma_wait3A_289 = arith.constant 0 : i32
        %dma_wait3A_290 = arith.constant 0 : i32
        %dma_wait3A_291 = tpu.memref_slice %arg4[%dma_wait3A_289, %dma_wait3A_290] : memref<1024x131072xf32, #tpu.memory_space<hbm>> -> memref<1x16384xf32, #tpu.memory_space<hbm>>
        %dma_wait3A_292 = tpu.memref_squeeze %dma_wait3A_291 : memref<1x16384xf32, #tpu.memory_space<hbm>> -> memref<16384xf32, #tpu.memory_space<hbm>>
        %dma_wait3A_293 = arith.constant 0 : i32
        %dma_wait3A_294 = tpu.memref_slice %arg4[%dma_wait3A_289, %dma_wait3A_293] : memref<1024x131072xf32, #tpu.memory_space<hbm>> -> memref<1x16384xf32, #tpu.memory_space<hbm>>
        %dma_wait3A_295 = tpu.memref_squeeze %dma_wait3A_294 : memref<1x16384xf32, #tpu.memory_space<hbm>> -> memref<16384xf32, #tpu.memory_space<hbm>>
        tpu.wait_dma2 semaphore(%arg9 : memref<!tpu.dma_semaphore, #tpu.memory_space<semaphore_mem>>) src(%arg7 : memref<16384xf32, #tpu.memory_space<vmem>>) dst(%dma_wait3A_295 : memref<16384xf32, #tpu.memory_space<hbm>>)
      } else {
      }
      %sub3A_254 = arith.constant 31 : i32
      %sub3A_255 = arith.subi %sub3A_254, %add3A_251 : i32
      %mul3A_256 = arith.constant 128 : i32
      %mul3A_257 = arith.muli %sub3A_255, %mul3A_256 : i32
      %parallel_loop3A = arith.constant 0 : i32
      %parallel_loop3A_258 = arith.constant 16384 : i32
      %parallel_loop3A_259 = arith.constant 16 : i32
      scf.for %parallel_loop3A_289 = %parallel_loop3A to %parallel_loop3A_258 step %parallel_loop3A_259  : i32 {
        %parallel_loop3A_290 = tpu.assume_multiple %parallel_loop3A_289, 16 : i32
        %parallel_loop3A_291 = arith.addi %mul3A_257, %parallel_loop3A_289 : i32
        %parallel_loop3A_292 = tpu.assume_multiple %parallel_loop3A_291, 16 : i32
        %parallel_loop3A_293 = arith.index_cast %parallel_loop3A_292 : i32 to index
        %parallel_loop3A_294 = tpu.vector_load %arg5[%parallel_loop3A_293] {strides = array<i32>} : memref<20352xf32, #tpu.memory_space<vmem>>, vector<16xf32>,
        %parallel_loop3A_295 = vector.shape_cast %parallel_loop3A_294 : vector<16xf32> to vector<16xf32>
        %parallel_loop3A_296 = arith.index_cast %parallel_loop3A_290 : i32 to index
        %parallel_loop3A_297 = tpu.vector_load %arg6[%parallel_loop3A_296] {strides = array<i32>} : memref<16384xf32, #tpu.memory_space<vmem>>, vector<16xf32>,
        %parallel_loop3A_298 = vector.shape_cast %parallel_loop3A_297 : vector<16xf32> to vector<16xf32>
        %parallel_loop3A_299 = arith.addf %parallel_loop3A_295, %parallel_loop3A_298 : vector<16xf32>
        %parallel_loop3A_300 = arith.index_cast %parallel_loop3A_290 : i32 to index
        %parallel_loop3A_301 = tpu.vector_load %arg7[%parallel_loop3A_300] {strides = array<i32>} : memref<16384xf32, #tpu.memory_space<vmem>>, vector<16xf32>,
        %parallel_loop3A_302 = vector.shape_cast %parallel_loop3A_301 : vector<16xf32> to vector<16xf32>
        %parallel_loop3A_303 = vector.shape_cast %parallel_loop3A_299 : vector<16xf32> to vector<16xf32>
        tpu.vector_store %arg7[%parallel_loop3A_300], %parallel_loop3A_303 {strides = array<i32>} : memref<16384xf32, #tpu.memory_space<vmem>>, vector<16xf32>,
      } {sc.loop_unroll_factor = 16 : i64, sc.parallel_access}
      %add3A_260 = arith.addi %mul3A_2, %add3A_251 : i32
      %dma_start3A = arith.constant 49152 : i32
      %dma_start3A_261 = tpu.memref_slice %arg4[%add3A_260, %dma_start3A] : memref<1024x131072xf32, #tpu.memory_space<hbm>> -> memref<1x16384xf32, #tpu.memory_space<hbm>>
      %dma_start3A_262 = tpu.memref_squeeze %dma_start3A_261 : memref<1x16384xf32, #tpu.memory_space<hbm>> -> memref<16384xf32, #tpu.memory_space<hbm>>
      %dma_start3A_263 = arith.constant 49152 : i32
      %dma_start3A_264 = tpu.memref_slice %arg4[%add3A_260, %dma_start3A_263] : memref<1024x131072xf32, #tpu.memory_space<hbm>> -> memref<1x16384xf32, #tpu.memory_space<hbm>>
      %dma_start3A_265 = tpu.memref_squeeze %dma_start3A_264 : memref<1x16384xf32, #tpu.memory_space<hbm>> -> memref<16384xf32, #tpu.memory_space<hbm>>
      tpu.enqueue_dma source(%arg7 : memref<16384xf32, #tpu.memory_space<vmem>>) target(%dma_start3A_265 : memref<16384xf32, #tpu.memory_space<hbm>>) target_semaphore(%arg9 : memref<!tpu.dma_semaphore, #tpu.memory_space<semaphore_mem>>)
      %mul3A_266 = arith.constant 2 : i32
      %mul3A_267 = arith.muli %mul3A_266, %scan3A_247 : i32
      %add3A_268 = arith.constant 1 : i32
      %add3A_269 = arith.addi %mul3A_267, %add3A_268 : i32
      %gt3A_270 = arith.constant 0 : i32
      %gt3A_271 = arith.cmpi sgt, %scan3A_247, %gt3A_270 : i32
      %convert_element_type3A_272 = arith.extui %gt3A_271 : i1 to i32
      %cond3A_273 = arith.constant 0 : i32
      %cond3A_274 = arith.cmpi ne, %convert_element_type3A_272, %cond3A_273 : i32
      scf.if %cond3A_274 {
        %dma_wait3A_289 = arith.constant 0 : i32
        %dma_wait3A_290 = arith.constant 0 : i32
        %dma_wait3A_291 = tpu.memref_slice %arg4[%dma_wait3A_289, %dma_wait3A_290] : memref<1024x131072xf32, #tpu.memory_space<hbm>> -> memref<1x16384xf32, #tpu.memory_space<hbm>>
        %dma_wait3A_292 = tpu.memref_squeeze %dma_wait3A_291 : memref<1x16384xf32, #tpu.memory_space<hbm>> -> memref<16384xf32, #tpu.memory_space<hbm>>
        %dma_wait3A_293 = arith.constant 0 : i32
        %dma_wait3A_294 = tpu.memref_slice %arg4[%dma_wait3A_289, %dma_wait3A_293] : memref<1024x131072xf32, #tpu.memory_space<hbm>> -> memref<1x16384xf32, #tpu.memory_space<hbm>>
        %dma_wait3A_295 = tpu.memref_squeeze %dma_wait3A_294 : memref<1x16384xf32, #tpu.memory_space<hbm>> -> memref<16384xf32, #tpu.memory_space<hbm>>
        tpu.wait_dma2 semaphore(%arg10 : memref<!tpu.dma_semaphore, #tpu.memory_space<semaphore_mem>>) src(%arg8 : memref<16384xf32, #tpu.memory_space<vmem>>) dst(%dma_wait3A_295 : memref<16384xf32, #tpu.memory_space<hbm>>)
      } else {
      }
      %sub3A_275 = arith.constant 31 : i32
      %sub3A_276 = arith.subi %sub3A_275, %add3A_269 : i32
      %mul3A_277 = arith.constant 128 : i32
      %mul3A_278 = arith.muli %sub3A_276, %mul3A_277 : i32
      %parallel_loop3A_279 = arith.constant 0 : i32
      %parallel_loop3A_280 = arith.constant 16384 : i32
      %parallel_loop3A_281 = arith.constant 16 : i32
      scf.for %parallel_loop3A_289 = %parallel_loop3A_279 to %parallel_loop3A_280 step %parallel_loop3A_281  : i32 {
        %parallel_loop3A_290 = tpu.assume_multiple %parallel_loop3A_289, 16 : i32
        %parallel_loop3A_291 = arith.addi %mul3A_278, %parallel_loop3A_289 : i32
        %parallel_loop3A_292 = tpu.assume_multiple %parallel_loop3A_291, 16 : i32
        %parallel_loop3A_293 = arith.index_cast %parallel_loop3A_292 : i32 to index
        %parallel_loop3A_294 = tpu.vector_load %arg5[%parallel_loop3A_293] {strides = array<i32>} : memref<20352xf32, #tpu.memory_space<vmem>>, vector<16xf32>,
        %parallel_loop3A_295 = vector.shape_cast %parallel_loop3A_294 : vector<16xf32> to vector<16xf32>
        %parallel_loop3A_296 = arith.index_cast %parallel_loop3A_290 : i32 to index
        %parallel_loop3A_297 = tpu.vector_load %arg6[%parallel_loop3A_296] {strides = array<i32>} : memref<16384xf32, #tpu.memory_space<vmem>>, vector<16xf32>,
        %parallel_loop3A_298 = vector.shape_cast %parallel_loop3A_297 : vector<16xf32> to vector<16xf32>
        %parallel_loop3A_299 = arith.addf %parallel_loop3A_295, %parallel_loop3A_298 : vector<16xf32>
        %parallel_loop3A_300 = arith.index_cast %parallel_loop3A_290 : i32 to index
        %parallel_loop3A_301 = tpu.vector_load %arg8[%parallel_loop3A_300] {strides = array<i32>} : memref<16384xf32, #tpu.memory_space<vmem>>, vector<16xf32>,
        %parallel_loop3A_302 = vector.shape_cast %parallel_loop3A_301 : vector<16xf32> to vector<16xf32>
        %parallel_loop3A_303 = vector.shape_cast %parallel_loop3A_299 : vector<16xf32> to vector<16xf32>
        tpu.vector_store %arg8[%parallel_loop3A_300], %parallel_loop3A_303 {strides = array<i32>} : memref<16384xf32, #tpu.memory_space<vmem>>, vector<16xf32>,
      } {sc.loop_unroll_factor = 16 : i64, sc.parallel_access}
      %add3A_282 = arith.addi %mul3A_2, %add3A_269 : i32
      %dma_start3A_283 = arith.constant 49152 : i32
      %dma_start3A_284 = tpu.memref_slice %arg4[%add3A_282, %dma_start3A_283] : memref<1024x131072xf32, #tpu.memory_space<hbm>> -> memref<1x16384xf32, #tpu.memory_space<hbm>>
      %dma_start3A_285 = tpu.memref_squeeze %dma_start3A_284 : memref<1x16384xf32, #tpu.memory_space<hbm>> -> memref<16384xf32, #tpu.memory_space<hbm>>
      %dma_start3A_286 = arith.constant 49152 : i32
      %dma_start3A_287 = tpu.memref_slice %arg4[%add3A_282, %dma_start3A_286] : memref<1024x131072xf32, #tpu.memory_space<hbm>> -> memref<1x16384xf32, #tpu.memory_space<hbm>>
      %dma_start3A_288 = tpu.memref_squeeze %dma_start3A_287 : memref<1x16384xf32, #tpu.memory_space<hbm>> -> memref<16384xf32, #tpu.memory_space<hbm>>
      tpu.enqueue_dma source(%arg8 : memref<16384xf32, #tpu.memory_space<vmem>>) target(%dma_start3A_288 : memref<16384xf32, #tpu.memory_space<hbm>>) target_semaphore(%arg10 : memref<!tpu.dma_semaphore, #tpu.memory_space<semaphore_mem>>)
    }
    %scan3A_108 = arith.constant 16 : i32
    %dma_wait3A_109 = arith.constant 0 : i32
    %dma_wait3A_110 = arith.constant 0 : i32
    %dma_wait3A_111 = tpu.memref_slice %arg4[%dma_wait3A_109, %dma_wait3A_110] : memref<1024x131072xf32, #tpu.memory_space<hbm>> -> memref<1x16384xf32, #tpu.memory_space<hbm>>
    %dma_wait3A_112 = tpu.memref_squeeze %dma_wait3A_111 : memref<1x16384xf32, #tpu.memory_space<hbm>> -> memref<16384xf32, #tpu.memory_space<hbm>>
    %dma_wait3A_113 = arith.constant 0 : i32
    %dma_wait3A_114 = tpu.memref_slice %arg4[%dma_wait3A_109, %dma_wait3A_113] : memref<1024x131072xf32, #tpu.memory_space<hbm>> -> memref<1x16384xf32, #tpu.memory_space<hbm>>
    %dma_wait3A_115 = tpu.memref_squeeze %dma_wait3A_114 : memref<1x16384xf32, #tpu.memory_space<hbm>> -> memref<16384xf32, #tpu.memory_space<hbm>>
    tpu.wait_dma2 semaphore(%arg9 : memref<!tpu.dma_semaphore, #tpu.memory_space<semaphore_mem>>) src(%arg7 : memref<16384xf32, #tpu.memory_space<vmem>>) dst(%dma_wait3A_115 : memref<16384xf32, #tpu.memory_space<hbm>>)
    %dma_wait3A_116 = arith.constant 0 : i32
    %dma_wait3A_117 = arith.constant 0 : i32
    %dma_wait3A_118 = tpu.memref_slice %arg4[%dma_wait3A_116, %dma_wait3A_117] : memref<1024x131072xf32, #tpu.memory_space<hbm>> -> memref<1x16384xf32, #tpu.memory_space<hbm>>
    %dma_wait3A_119 = tpu.memref_squeeze %dma_wait3A_118 : memref<1x16384xf32, #tpu.memory_space<hbm>> -> memref<16384xf32, #tpu.memory_space<hbm>>
    %dma_wait3A_120 = arith.constant 0 : i32
    %dma_wait3A_121 = tpu.memref_slice %arg4[%dma_wait3A_116, %dma_wait3A_120] : memref<1024x131072xf32, #tpu.memory_space<hbm>> -> memref<1x16384xf32, #tpu.memory_space<hbm>>
    %dma_wait3A_122 = tpu.memref_squeeze %dma_wait3A_121 : memref<1x16384xf32, #tpu.memory_space<hbm>> -> memref<16384xf32, #tpu.memory_space<hbm>>
    tpu.wait_dma2 semaphore(%arg10 : memref<!tpu.dma_semaphore, #tpu.memory_space<semaphore_mem>>) src(%arg8 : memref<16384xf32, #tpu.memory_space<vmem>>) dst(%dma_wait3A_122 : memref<16384xf32, #tpu.memory_space<hbm>>)
    "tpu.region"() ({
      %run_scoped3A = tpu.sem_alloc : memref<!tpu.dma_semaphore, #tpu.memory_space<semaphore_mem>>
      %dma_start3A = arith.constant 65536 : i32
      %dma_start3A_247 = tpu.memref_slice %arg2[%dma_start3A] : memref<131072xf32, #tpu.memory_space<hbm>> -> memref<16384xf32, #tpu.memory_space<hbm>>
      %dma_start3A_248 = arith.constant 65536 : i32
      %dma_start3A_249 = tpu.memref_slice %arg2[%dma_start3A_248] : memref<131072xf32, #tpu.memory_space<hbm>> -> memref<16384xf32, #tpu.memory_space<hbm>>
      tpu.enqueue_dma source(%dma_start3A_249 : memref<16384xf32, #tpu.memory_space<hbm>>) target(%arg6 : memref<16384xf32, #tpu.memory_space<vmem>>) target_semaphore(%run_scoped3A : memref<!tpu.dma_semaphore, #tpu.memory_space<semaphore_mem>>)
      %dma_wait3A_250 = arith.constant 65536 : i32
      %dma_wait3A_251 = tpu.memref_slice %arg2[%dma_wait3A_250] : memref<131072xf32, #tpu.memory_space<hbm>> -> memref<16384xf32, #tpu.memory_space<hbm>>
      %dma_wait3A_252 = arith.constant 65536 : i32
      %dma_wait3A_253 = tpu.memref_slice %arg2[%dma_wait3A_252] : memref<131072xf32, #tpu.memory_space<hbm>> -> memref<16384xf32, #tpu.memory_space<hbm>>
      tpu.wait_dma2 semaphore(%run_scoped3A : memref<!tpu.dma_semaphore, #tpu.memory_space<semaphore_mem>>) src(%dma_wait3A_253 : memref<16384xf32, #tpu.memory_space<hbm>>) dst(%arg6 : memref<16384xf32, #tpu.memory_space<vmem>>)
      tpu.yield
    }) : () -> ()
    %add3A_123 = arith.constant 32 : i32
    %add3A_124 = arith.addi %mul3A_2, %add3A_123 : i32
    %sub3A_125 = arith.constant 1 : i32
    %sub3A_126 = arith.subi %add3A_124, %sub3A_125 : i32
    %sub3A_127 = arith.constant 1023 : i32
    %sub3A_128 = arith.subi %sub3A_127, %sub3A_126 : i32
    %add3A_129 = arith.constant 512 : i32
    %add3A_130 = arith.addi %sub3A_128, %add3A_129 : i32
    %mul3A_131 = arith.constant 128 : i32
    %mul3A_132 = arith.muli %add3A_130, %mul3A_131 : i32
    %multiple_of3A_133 = tpu.assume_multiple %mul3A_132, 128 : i32
    "tpu.region"() ({
      %run_scoped3A = tpu.sem_alloc : memref<!tpu.dma_semaphore, #tpu.memory_space<semaphore_mem>>
      %dma_start3A = tpu.memref_slice %arg3[%multiple_of3A_133] : memref<262144xf32, #tpu.memory_space<hbm>> -> memref<20352xf32, #tpu.memory_space<hbm>>
      %dma_start3A_247 = tpu.memref_slice %arg3[%multiple_of3A_133] : memref<262144xf32, #tpu.memory_space<hbm>> -> memref<20352xf32, #tpu.memory_space<hbm>>
      tpu.enqueue_dma source(%dma_start3A_247 : memref<20352xf32, #tpu.memory_space<hbm>>) target(%arg5 : memref<20352xf32, #tpu.memory_space<vmem>>) target_semaphore(%run_scoped3A : memref<!tpu.dma_semaphore, #tpu.memory_space<semaphore_mem>>)
      %dma_wait3A_248 = tpu.memref_slice %arg3[%multiple_of3A_133] : memref<262144xf32, #tpu.memory_space<hbm>> -> memref<20352xf32, #tpu.memory_space<hbm>>
      %dma_wait3A_249 = tpu.memref_slice %arg3[%multiple_of3A_133] : memref<262144xf32, #tpu.memory_space<hbm>> -> memref<20352xf32, #tpu.memory_space<hbm>>
      tpu.wait_dma2 semaphore(%run_scoped3A : memref<!tpu.dma_semaphore, #tpu.memory_space<semaphore_mem>>) src(%dma_wait3A_249 : memref<20352xf32, #tpu.memory_space<hbm>>) dst(%arg5 : memref<20352xf32, #tpu.memory_space<vmem>>)
      tpu.yield
    }) : () -> ()
    %scan3A_134 = arith.constant 0 : i32
    %scan3A_135 = arith.constant 0 : i32
    %scan3A_136 = arith.constant 16 : i32
    %scan3A_137 = arith.addi %scan3A_135, %scan3A_136 : i32
    %scan3A_138 = arith.constant 1 : i32
    scf.for %scan3A_247 = %scan3A_135 to %scan3A_137 step %scan3A_138  : i32 {
      %mul3A_248 = arith.constant 2 : i32
      %mul3A_249 = arith.muli %mul3A_248, %scan3A_247 : i32
      %add3A_250 = arith.constant 0 : i32
      %add3A_251 = arith.addi %mul3A_249, %add3A_250 : i32
      %gt3A = arith.constant 0 : i32
      %gt3A_252 = arith.cmpi sgt, %scan3A_247, %gt3A : i32
      %convert_element_type3A = arith.extui %gt3A_252 : i1 to i32
      %cond3A = arith.constant 0 : i32
      %cond3A_253 = arith.cmpi ne, %convert_element_type3A, %cond3A : i32
      scf.if %cond3A_253 {
        %dma_wait3A_289 = arith.constant 0 : i32
        %dma_wait3A_290 = arith.constant 0 : i32
        %dma_wait3A_291 = tpu.memref_slice %arg4[%dma_wait3A_289, %dma_wait3A_290] : memref<1024x131072xf32, #tpu.memory_space<hbm>> -> memref<1x16384xf32, #tpu.memory_space<hbm>>
        %dma_wait3A_292 = tpu.memref_squeeze %dma_wait3A_291 : memref<1x16384xf32, #tpu.memory_space<hbm>> -> memref<16384xf32, #tpu.memory_space<hbm>>
        %dma_wait3A_293 = arith.constant 0 : i32
        %dma_wait3A_294 = tpu.memref_slice %arg4[%dma_wait3A_289, %dma_wait3A_293] : memref<1024x131072xf32, #tpu.memory_space<hbm>> -> memref<1x16384xf32, #tpu.memory_space<hbm>>
        %dma_wait3A_295 = tpu.memref_squeeze %dma_wait3A_294 : memref<1x16384xf32, #tpu.memory_space<hbm>> -> memref<16384xf32, #tpu.memory_space<hbm>>
        tpu.wait_dma2 semaphore(%arg9 : memref<!tpu.dma_semaphore, #tpu.memory_space<semaphore_mem>>) src(%arg7 : memref<16384xf32, #tpu.memory_space<vmem>>) dst(%dma_wait3A_295 : memref<16384xf32, #tpu.memory_space<hbm>>)
      } else {
      }
      %sub3A_254 = arith.constant 31 : i32
      %sub3A_255 = arith.subi %sub3A_254, %add3A_251 : i32
      %mul3A_256 = arith.constant 128 : i32
      %mul3A_257 = arith.muli %sub3A_255, %mul3A_256 : i32
      %parallel_loop3A = arith.constant 0 : i32
      %parallel_loop3A_258 = arith.constant 16384 : i32
      %parallel_loop3A_259 = arith.constant 16 : i32
      scf.for %parallel_loop3A_289 = %parallel_loop3A to %parallel_loop3A_258 step %parallel_loop3A_259  : i32 {
        %parallel_loop3A_290 = tpu.assume_multiple %parallel_loop3A_289, 16 : i32
        %parallel_loop3A_291 = arith.addi %mul3A_257, %parallel_loop3A_289 : i32
        %parallel_loop3A_292 = tpu.assume_multiple %parallel_loop3A_291, 16 : i32
        %parallel_loop3A_293 = arith.index_cast %parallel_loop3A_292 : i32 to index
        %parallel_loop3A_294 = tpu.vector_load %arg5[%parallel_loop3A_293] {strides = array<i32>} : memref<20352xf32, #tpu.memory_space<vmem>>, vector<16xf32>,
        %parallel_loop3A_295 = vector.shape_cast %parallel_loop3A_294 : vector<16xf32> to vector<16xf32>
        %parallel_loop3A_296 = arith.index_cast %parallel_loop3A_290 : i32 to index
        %parallel_loop3A_297 = tpu.vector_load %arg6[%parallel_loop3A_296] {strides = array<i32>} : memref<16384xf32, #tpu.memory_space<vmem>>, vector<16xf32>,
        %parallel_loop3A_298 = vector.shape_cast %parallel_loop3A_297 : vector<16xf32> to vector<16xf32>
        %parallel_loop3A_299 = arith.addf %parallel_loop3A_295, %parallel_loop3A_298 : vector<16xf32>
        %parallel_loop3A_300 = arith.index_cast %parallel_loop3A_290 : i32 to index
        %parallel_loop3A_301 = tpu.vector_load %arg7[%parallel_loop3A_300] {strides = array<i32>} : memref<16384xf32, #tpu.memory_space<vmem>>, vector<16xf32>,
        %parallel_loop3A_302 = vector.shape_cast %parallel_loop3A_301 : vector<16xf32> to vector<16xf32>
        %parallel_loop3A_303 = vector.shape_cast %parallel_loop3A_299 : vector<16xf32> to vector<16xf32>
        tpu.vector_store %arg7[%parallel_loop3A_300], %parallel_loop3A_303 {strides = array<i32>} : memref<16384xf32, #tpu.memory_space<vmem>>, vector<16xf32>,
      } {sc.loop_unroll_factor = 16 : i64, sc.parallel_access}
      %add3A_260 = arith.addi %mul3A_2, %add3A_251 : i32
      %dma_start3A = arith.constant 65536 : i32
      %dma_start3A_261 = tpu.memref_slice %arg4[%add3A_260, %dma_start3A] : memref<1024x131072xf32, #tpu.memory_space<hbm>> -> memref<1x16384xf32, #tpu.memory_space<hbm>>
      %dma_start3A_262 = tpu.memref_squeeze %dma_start3A_261 : memref<1x16384xf32, #tpu.memory_space<hbm>> -> memref<16384xf32, #tpu.memory_space<hbm>>
      %dma_start3A_263 = arith.constant 65536 : i32
      %dma_start3A_264 = tpu.memref_slice %arg4[%add3A_260, %dma_start3A_263] : memref<1024x131072xf32, #tpu.memory_space<hbm>> -> memref<1x16384xf32, #tpu.memory_space<hbm>>
      %dma_start3A_265 = tpu.memref_squeeze %dma_start3A_264 : memref<1x16384xf32, #tpu.memory_space<hbm>> -> memref<16384xf32, #tpu.memory_space<hbm>>
      tpu.enqueue_dma source(%arg7 : memref<16384xf32, #tpu.memory_space<vmem>>) target(%dma_start3A_265 : memref<16384xf32, #tpu.memory_space<hbm>>) target_semaphore(%arg9 : memref<!tpu.dma_semaphore, #tpu.memory_space<semaphore_mem>>)
      %mul3A_266 = arith.constant 2 : i32
      %mul3A_267 = arith.muli %mul3A_266, %scan3A_247 : i32
      %add3A_268 = arith.constant 1 : i32
      %add3A_269 = arith.addi %mul3A_267, %add3A_268 : i32
      %gt3A_270 = arith.constant 0 : i32
      %gt3A_271 = arith.cmpi sgt, %scan3A_247, %gt3A_270 : i32
      %convert_element_type3A_272 = arith.extui %gt3A_271 : i1 to i32
      %cond3A_273 = arith.constant 0 : i32
      %cond3A_274 = arith.cmpi ne, %convert_element_type3A_272, %cond3A_273 : i32
      scf.if %cond3A_274 {
        %dma_wait3A_289 = arith.constant 0 : i32
        %dma_wait3A_290 = arith.constant 0 : i32
        %dma_wait3A_291 = tpu.memref_slice %arg4[%dma_wait3A_289, %dma_wait3A_290] : memref<1024x131072xf32, #tpu.memory_space<hbm>> -> memref<1x16384xf32, #tpu.memory_space<hbm>>
        %dma_wait3A_292 = tpu.memref_squeeze %dma_wait3A_291 : memref<1x16384xf32, #tpu.memory_space<hbm>> -> memref<16384xf32, #tpu.memory_space<hbm>>
        %dma_wait3A_293 = arith.constant 0 : i32
        %dma_wait3A_294 = tpu.memref_slice %arg4[%dma_wait3A_289, %dma_wait3A_293] : memref<1024x131072xf32, #tpu.memory_space<hbm>> -> memref<1x16384xf32, #tpu.memory_space<hbm>>
        %dma_wait3A_295 = tpu.memref_squeeze %dma_wait3A_294 : memref<1x16384xf32, #tpu.memory_space<hbm>> -> memref<16384xf32, #tpu.memory_space<hbm>>
        tpu.wait_dma2 semaphore(%arg10 : memref<!tpu.dma_semaphore, #tpu.memory_space<semaphore_mem>>) src(%arg8 : memref<16384xf32, #tpu.memory_space<vmem>>) dst(%dma_wait3A_295 : memref<16384xf32, #tpu.memory_space<hbm>>)
      } else {
      }
      %sub3A_275 = arith.constant 31 : i32
      %sub3A_276 = arith.subi %sub3A_275, %add3A_269 : i32
      %mul3A_277 = arith.constant 128 : i32
      %mul3A_278 = arith.muli %sub3A_276, %mul3A_277 : i32
      %parallel_loop3A_279 = arith.constant 0 : i32
      %parallel_loop3A_280 = arith.constant 16384 : i32
      %parallel_loop3A_281 = arith.constant 16 : i32
      scf.for %parallel_loop3A_289 = %parallel_loop3A_279 to %parallel_loop3A_280 step %parallel_loop3A_281  : i32 {
        %parallel_loop3A_290 = tpu.assume_multiple %parallel_loop3A_289, 16 : i32
        %parallel_loop3A_291 = arith.addi %mul3A_278, %parallel_loop3A_289 : i32
        %parallel_loop3A_292 = tpu.assume_multiple %parallel_loop3A_291, 16 : i32
        %parallel_loop3A_293 = arith.index_cast %parallel_loop3A_292 : i32 to index
        %parallel_loop3A_294 = tpu.vector_load %arg5[%parallel_loop3A_293] {strides = array<i32>} : memref<20352xf32, #tpu.memory_space<vmem>>, vector<16xf32>,
        %parallel_loop3A_295 = vector.shape_cast %parallel_loop3A_294 : vector<16xf32> to vector<16xf32>
        %parallel_loop3A_296 = arith.index_cast %parallel_loop3A_290 : i32 to index
        %parallel_loop3A_297 = tpu.vector_load %arg6[%parallel_loop3A_296] {strides = array<i32>} : memref<16384xf32, #tpu.memory_space<vmem>>, vector<16xf32>,
        %parallel_loop3A_298 = vector.shape_cast %parallel_loop3A_297 : vector<16xf32> to vector<16xf32>
        %parallel_loop3A_299 = arith.addf %parallel_loop3A_295, %parallel_loop3A_298 : vector<16xf32>
        %parallel_loop3A_300 = arith.index_cast %parallel_loop3A_290 : i32 to index
        %parallel_loop3A_301 = tpu.vector_load %arg8[%parallel_loop3A_300] {strides = array<i32>} : memref<16384xf32, #tpu.memory_space<vmem>>, vector<16xf32>,
        %parallel_loop3A_302 = vector.shape_cast %parallel_loop3A_301 : vector<16xf32> to vector<16xf32>
        %parallel_loop3A_303 = vector.shape_cast %parallel_loop3A_299 : vector<16xf32> to vector<16xf32>
        tpu.vector_store %arg8[%parallel_loop3A_300], %parallel_loop3A_303 {strides = array<i32>} : memref<16384xf32, #tpu.memory_space<vmem>>, vector<16xf32>,
      } {sc.loop_unroll_factor = 16 : i64, sc.parallel_access}
      %add3A_282 = arith.addi %mul3A_2, %add3A_269 : i32
      %dma_start3A_283 = arith.constant 65536 : i32
      %dma_start3A_284 = tpu.memref_slice %arg4[%add3A_282, %dma_start3A_283] : memref<1024x131072xf32, #tpu.memory_space<hbm>> -> memref<1x16384xf32, #tpu.memory_space<hbm>>
      %dma_start3A_285 = tpu.memref_squeeze %dma_start3A_284 : memref<1x16384xf32, #tpu.memory_space<hbm>> -> memref<16384xf32, #tpu.memory_space<hbm>>
      %dma_start3A_286 = arith.constant 65536 : i32
      %dma_start3A_287 = tpu.memref_slice %arg4[%add3A_282, %dma_start3A_286] : memref<1024x131072xf32, #tpu.memory_space<hbm>> -> memref<1x16384xf32, #tpu.memory_space<hbm>>
      %dma_start3A_288 = tpu.memref_squeeze %dma_start3A_287 : memref<1x16384xf32, #tpu.memory_space<hbm>> -> memref<16384xf32, #tpu.memory_space<hbm>>
      tpu.enqueue_dma source(%arg8 : memref<16384xf32, #tpu.memory_space<vmem>>) target(%dma_start3A_288 : memref<16384xf32, #tpu.memory_space<hbm>>) target_semaphore(%arg10 : memref<!tpu.dma_semaphore, #tpu.memory_space<semaphore_mem>>)
    }
    %scan3A_139 = arith.constant 16 : i32
    %dma_wait3A_140 = arith.constant 0 : i32
    %dma_wait3A_141 = arith.constant 0 : i32
    %dma_wait3A_142 = tpu.memref_slice %arg4[%dma_wait3A_140, %dma_wait3A_141] : memref<1024x131072xf32, #tpu.memory_space<hbm>> -> memref<1x16384xf32, #tpu.memory_space<hbm>>
    %dma_wait3A_143 = tpu.memref_squeeze %dma_wait3A_142 : memref<1x16384xf32, #tpu.memory_space<hbm>> -> memref<16384xf32, #tpu.memory_space<hbm>>
    %dma_wait3A_144 = arith.constant 0 : i32
    %dma_wait3A_145 = tpu.memref_slice %arg4[%dma_wait3A_140, %dma_wait3A_144] : memref<1024x131072xf32, #tpu.memory_space<hbm>> -> memref<1x16384xf32, #tpu.memory_space<hbm>>
    %dma_wait3A_146 = tpu.memref_squeeze %dma_wait3A_145 : memref<1x16384xf32, #tpu.memory_space<hbm>> -> memref<16384xf32, #tpu.memory_space<hbm>>
    tpu.wait_dma2 semaphore(%arg9 : memref<!tpu.dma_semaphore, #tpu.memory_space<semaphore_mem>>) src(%arg7 : memref<16384xf32, #tpu.memory_space<vmem>>) dst(%dma_wait3A_146 : memref<16384xf32, #tpu.memory_space<hbm>>)
    %dma_wait3A_147 = arith.constant 0 : i32
    %dma_wait3A_148 = arith.constant 0 : i32
    %dma_wait3A_149 = tpu.memref_slice %arg4[%dma_wait3A_147, %dma_wait3A_148] : memref<1024x131072xf32, #tpu.memory_space<hbm>> -> memref<1x16384xf32, #tpu.memory_space<hbm>>
    %dma_wait3A_150 = tpu.memref_squeeze %dma_wait3A_149 : memref<1x16384xf32, #tpu.memory_space<hbm>> -> memref<16384xf32, #tpu.memory_space<hbm>>
    %dma_wait3A_151 = arith.constant 0 : i32
    %dma_wait3A_152 = tpu.memref_slice %arg4[%dma_wait3A_147, %dma_wait3A_151] : memref<1024x131072xf32, #tpu.memory_space<hbm>> -> memref<1x16384xf32, #tpu.memory_space<hbm>>
    %dma_wait3A_153 = tpu.memref_squeeze %dma_wait3A_152 : memref<1x16384xf32, #tpu.memory_space<hbm>> -> memref<16384xf32, #tpu.memory_space<hbm>>
    tpu.wait_dma2 semaphore(%arg10 : memref<!tpu.dma_semaphore, #tpu.memory_space<semaphore_mem>>) src(%arg8 : memref<16384xf32, #tpu.memory_space<vmem>>) dst(%dma_wait3A_153 : memref<16384xf32, #tpu.memory_space<hbm>>)
    "tpu.region"() ({
      %run_scoped3A = tpu.sem_alloc : memref<!tpu.dma_semaphore, #tpu.memory_space<semaphore_mem>>
      %dma_start3A = arith.constant 81920 : i32
      %dma_start3A_247 = tpu.memref_slice %arg2[%dma_start3A] : memref<131072xf32, #tpu.memory_space<hbm>> -> memref<16384xf32, #tpu.memory_space<hbm>>
      %dma_start3A_248 = arith.constant 81920 : i32
      %dma_start3A_249 = tpu.memref_slice %arg2[%dma_start3A_248] : memref<131072xf32, #tpu.memory_space<hbm>> -> memref<16384xf32, #tpu.memory_space<hbm>>
      tpu.enqueue_dma source(%dma_start3A_249 : memref<16384xf32, #tpu.memory_space<hbm>>) target(%arg6 : memref<16384xf32, #tpu.memory_space<vmem>>) target_semaphore(%run_scoped3A : memref<!tpu.dma_semaphore, #tpu.memory_space<semaphore_mem>>)
      %dma_wait3A_250 = arith.constant 81920 : i32
      %dma_wait3A_251 = tpu.memref_slice %arg2[%dma_wait3A_250] : memref<131072xf32, #tpu.memory_space<hbm>> -> memref<16384xf32, #tpu.memory_space<hbm>>
      %dma_wait3A_252 = arith.constant 81920 : i32
      %dma_wait3A_253 = tpu.memref_slice %arg2[%dma_wait3A_252] : memref<131072xf32, #tpu.memory_space<hbm>> -> memref<16384xf32, #tpu.memory_space<hbm>>
      tpu.wait_dma2 semaphore(%run_scoped3A : memref<!tpu.dma_semaphore, #tpu.memory_space<semaphore_mem>>) src(%dma_wait3A_253 : memref<16384xf32, #tpu.memory_space<hbm>>) dst(%arg6 : memref<16384xf32, #tpu.memory_space<vmem>>)
      tpu.yield
    }) : () -> ()
    %add3A_154 = arith.constant 32 : i32
    %add3A_155 = arith.addi %mul3A_2, %add3A_154 : i32
    %sub3A_156 = arith.constant 1 : i32
    %sub3A_157 = arith.subi %add3A_155, %sub3A_156 : i32
    %sub3A_158 = arith.constant 1023 : i32
    %sub3A_159 = arith.subi %sub3A_158, %sub3A_157 : i32
    %add3A_160 = arith.constant 640 : i32
    %add3A_161 = arith.addi %sub3A_159, %add3A_160 : i32
    %mul3A_162 = arith.constant 128 : i32
    %mul3A_163 = arith.muli %add3A_161, %mul3A_162 : i32
    %multiple_of3A_164 = tpu.assume_multiple %mul3A_163, 128 : i32
    "tpu.region"() ({
      %run_scoped3A = tpu.sem_alloc : memref<!tpu.dma_semaphore, #tpu.memory_space<semaphore_mem>>
      %dma_start3A = tpu.memref_slice %arg3[%multiple_of3A_164] : memref<262144xf32, #tpu.memory_space<hbm>> -> memref<20352xf32, #tpu.memory_space<hbm>>
      %dma_start3A_247 = tpu.memref_slice %arg3[%multiple_of3A_164] : memref<262144xf32, #tpu.memory_space<hbm>> -> memref<20352xf32, #tpu.memory_space<hbm>>
      tpu.enqueue_dma source(%dma_start3A_247 : memref<20352xf32, #tpu.memory_space<hbm>>) target(%arg5 : memref<20352xf32, #tpu.memory_space<vmem>>) target_semaphore(%run_scoped3A : memref<!tpu.dma_semaphore, #tpu.memory_space<semaphore_mem>>)
      %dma_wait3A_248 = tpu.memref_slice %arg3[%multiple_of3A_164] : memref<262144xf32, #tpu.memory_space<hbm>> -> memref<20352xf32, #tpu.memory_space<hbm>>
      %dma_wait3A_249 = tpu.memref_slice %arg3[%multiple_of3A_164] : memref<262144xf32, #tpu.memory_space<hbm>> -> memref<20352xf32, #tpu.memory_space<hbm>>
      tpu.wait_dma2 semaphore(%run_scoped3A : memref<!tpu.dma_semaphore, #tpu.memory_space<semaphore_mem>>) src(%dma_wait3A_249 : memref<20352xf32, #tpu.memory_space<hbm>>) dst(%arg5 : memref<20352xf32, #tpu.memory_space<vmem>>)
      tpu.yield
    }) : () -> ()
    %scan3A_165 = arith.constant 0 : i32
    %scan3A_166 = arith.constant 0 : i32
    %scan3A_167 = arith.constant 16 : i32
    %scan3A_168 = arith.addi %scan3A_166, %scan3A_167 : i32
    %scan3A_169 = arith.constant 1 : i32
    scf.for %scan3A_247 = %scan3A_166 to %scan3A_168 step %scan3A_169  : i32 {
      %mul3A_248 = arith.constant 2 : i32
      %mul3A_249 = arith.muli %mul3A_248, %scan3A_247 : i32
      %add3A_250 = arith.constant 0 : i32
      %add3A_251 = arith.addi %mul3A_249, %add3A_250 : i32
      %gt3A = arith.constant 0 : i32
      %gt3A_252 = arith.cmpi sgt, %scan3A_247, %gt3A : i32
      %convert_element_type3A = arith.extui %gt3A_252 : i1 to i32
      %cond3A = arith.constant 0 : i32
      %cond3A_253 = arith.cmpi ne, %convert_element_type3A, %cond3A : i32
      scf.if %cond3A_253 {
        %dma_wait3A_289 = arith.constant 0 : i32
        %dma_wait3A_290 = arith.constant 0 : i32
        %dma_wait3A_291 = tpu.memref_slice %arg4[%dma_wait3A_289, %dma_wait3A_290] : memref<1024x131072xf32, #tpu.memory_space<hbm>> -> memref<1x16384xf32, #tpu.memory_space<hbm>>
        %dma_wait3A_292 = tpu.memref_squeeze %dma_wait3A_291 : memref<1x16384xf32, #tpu.memory_space<hbm>> -> memref<16384xf32, #tpu.memory_space<hbm>>
        %dma_wait3A_293 = arith.constant 0 : i32
        %dma_wait3A_294 = tpu.memref_slice %arg4[%dma_wait3A_289, %dma_wait3A_293] : memref<1024x131072xf32, #tpu.memory_space<hbm>> -> memref<1x16384xf32, #tpu.memory_space<hbm>>
        %dma_wait3A_295 = tpu.memref_squeeze %dma_wait3A_294 : memref<1x16384xf32, #tpu.memory_space<hbm>> -> memref<16384xf32, #tpu.memory_space<hbm>>
        tpu.wait_dma2 semaphore(%arg9 : memref<!tpu.dma_semaphore, #tpu.memory_space<semaphore_mem>>) src(%arg7 : memref<16384xf32, #tpu.memory_space<vmem>>) dst(%dma_wait3A_295 : memref<16384xf32, #tpu.memory_space<hbm>>)
      } else {
      }
      %sub3A_254 = arith.constant 31 : i32
      %sub3A_255 = arith.subi %sub3A_254, %add3A_251 : i32
      %mul3A_256 = arith.constant 128 : i32
      %mul3A_257 = arith.muli %sub3A_255, %mul3A_256 : i32
      %parallel_loop3A = arith.constant 0 : i32
      %parallel_loop3A_258 = arith.constant 16384 : i32
      %parallel_loop3A_259 = arith.constant 16 : i32
      scf.for %parallel_loop3A_289 = %parallel_loop3A to %parallel_loop3A_258 step %parallel_loop3A_259  : i32 {
        %parallel_loop3A_290 = tpu.assume_multiple %parallel_loop3A_289, 16 : i32
        %parallel_loop3A_291 = arith.addi %mul3A_257, %parallel_loop3A_289 : i32
        %parallel_loop3A_292 = tpu.assume_multiple %parallel_loop3A_291, 16 : i32
        %parallel_loop3A_293 = arith.index_cast %parallel_loop3A_292 : i32 to index
        %parallel_loop3A_294 = tpu.vector_load %arg5[%parallel_loop3A_293] {strides = array<i32>} : memref<20352xf32, #tpu.memory_space<vmem>>, vector<16xf32>,
        %parallel_loop3A_295 = vector.shape_cast %parallel_loop3A_294 : vector<16xf32> to vector<16xf32>
        %parallel_loop3A_296 = arith.index_cast %parallel_loop3A_290 : i32 to index
        %parallel_loop3A_297 = tpu.vector_load %arg6[%parallel_loop3A_296] {strides = array<i32>} : memref<16384xf32, #tpu.memory_space<vmem>>, vector<16xf32>,
        %parallel_loop3A_298 = vector.shape_cast %parallel_loop3A_297 : vector<16xf32> to vector<16xf32>
        %parallel_loop3A_299 = arith.addf %parallel_loop3A_295, %parallel_loop3A_298 : vector<16xf32>
        %parallel_loop3A_300 = arith.index_cast %parallel_loop3A_290 : i32 to index
        %parallel_loop3A_301 = tpu.vector_load %arg7[%parallel_loop3A_300] {strides = array<i32>} : memref<16384xf32, #tpu.memory_space<vmem>>, vector<16xf32>,
        %parallel_loop3A_302 = vector.shape_cast %parallel_loop3A_301 : vector<16xf32> to vector<16xf32>
        %parallel_loop3A_303 = vector.shape_cast %parallel_loop3A_299 : vector<16xf32> to vector<16xf32>
        tpu.vector_store %arg7[%parallel_loop3A_300], %parallel_loop3A_303 {strides = array<i32>} : memref<16384xf32, #tpu.memory_space<vmem>>, vector<16xf32>,
      } {sc.loop_unroll_factor = 16 : i64, sc.parallel_access}
      %add3A_260 = arith.addi %mul3A_2, %add3A_251 : i32
      %dma_start3A = arith.constant 81920 : i32
      %dma_start3A_261 = tpu.memref_slice %arg4[%add3A_260, %dma_start3A] : memref<1024x131072xf32, #tpu.memory_space<hbm>> -> memref<1x16384xf32, #tpu.memory_space<hbm>>
      %dma_start3A_262 = tpu.memref_squeeze %dma_start3A_261 : memref<1x16384xf32, #tpu.memory_space<hbm>> -> memref<16384xf32, #tpu.memory_space<hbm>>
      %dma_start3A_263 = arith.constant 81920 : i32
      %dma_start3A_264 = tpu.memref_slice %arg4[%add3A_260, %dma_start3A_263] : memref<1024x131072xf32, #tpu.memory_space<hbm>> -> memref<1x16384xf32, #tpu.memory_space<hbm>>
      %dma_start3A_265 = tpu.memref_squeeze %dma_start3A_264 : memref<1x16384xf32, #tpu.memory_space<hbm>> -> memref<16384xf32, #tpu.memory_space<hbm>>
      tpu.enqueue_dma source(%arg7 : memref<16384xf32, #tpu.memory_space<vmem>>) target(%dma_start3A_265 : memref<16384xf32, #tpu.memory_space<hbm>>) target_semaphore(%arg9 : memref<!tpu.dma_semaphore, #tpu.memory_space<semaphore_mem>>)
      %mul3A_266 = arith.constant 2 : i32
      %mul3A_267 = arith.muli %mul3A_266, %scan3A_247 : i32
      %add3A_268 = arith.constant 1 : i32
      %add3A_269 = arith.addi %mul3A_267, %add3A_268 : i32
      %gt3A_270 = arith.constant 0 : i32
      %gt3A_271 = arith.cmpi sgt, %scan3A_247, %gt3A_270 : i32
      %convert_element_type3A_272 = arith.extui %gt3A_271 : i1 to i32
      %cond3A_273 = arith.constant 0 : i32
      %cond3A_274 = arith.cmpi ne, %convert_element_type3A_272, %cond3A_273 : i32
      scf.if %cond3A_274 {
        %dma_wait3A_289 = arith.constant 0 : i32
        %dma_wait3A_290 = arith.constant 0 : i32
        %dma_wait3A_291 = tpu.memref_slice %arg4[%dma_wait3A_289, %dma_wait3A_290] : memref<1024x131072xf32, #tpu.memory_space<hbm>> -> memref<1x16384xf32, #tpu.memory_space<hbm>>
        %dma_wait3A_292 = tpu.memref_squeeze %dma_wait3A_291 : memref<1x16384xf32, #tpu.memory_space<hbm>> -> memref<16384xf32, #tpu.memory_space<hbm>>
        %dma_wait3A_293 = arith.constant 0 : i32
        %dma_wait3A_294 = tpu.memref_slice %arg4[%dma_wait3A_289, %dma_wait3A_293] : memref<1024x131072xf32, #tpu.memory_space<hbm>> -> memref<1x16384xf32, #tpu.memory_space<hbm>>
        %dma_wait3A_295 = tpu.memref_squeeze %dma_wait3A_294 : memref<1x16384xf32, #tpu.memory_space<hbm>> -> memref<16384xf32, #tpu.memory_space<hbm>>
        tpu.wait_dma2 semaphore(%arg10 : memref<!tpu.dma_semaphore, #tpu.memory_space<semaphore_mem>>) src(%arg8 : memref<16384xf32, #tpu.memory_space<vmem>>) dst(%dma_wait3A_295 : memref<16384xf32, #tpu.memory_space<hbm>>)
      } else {
      }
      %sub3A_275 = arith.constant 31 : i32
      %sub3A_276 = arith.subi %sub3A_275, %add3A_269 : i32
      %mul3A_277 = arith.constant 128 : i32
      %mul3A_278 = arith.muli %sub3A_276, %mul3A_277 : i32
      %parallel_loop3A_279 = arith.constant 0 : i32
      %parallel_loop3A_280 = arith.constant 16384 : i32
      %parallel_loop3A_281 = arith.constant 16 : i32
      scf.for %parallel_loop3A_289 = %parallel_loop3A_279 to %parallel_loop3A_280 step %parallel_loop3A_281  : i32 {
        %parallel_loop3A_290 = tpu.assume_multiple %parallel_loop3A_289, 16 : i32
        %parallel_loop3A_291 = arith.addi %mul3A_278, %parallel_loop3A_289 : i32
        %parallel_loop3A_292 = tpu.assume_multiple %parallel_loop3A_291, 16 : i32
        %parallel_loop3A_293 = arith.index_cast %parallel_loop3A_292 : i32 to index
        %parallel_loop3A_294 = tpu.vector_load %arg5[%parallel_loop3A_293] {strides = array<i32>} : memref<20352xf32, #tpu.memory_space<vmem>>, vector<16xf32>,
        %parallel_loop3A_295 = vector.shape_cast %parallel_loop3A_294 : vector<16xf32> to vector<16xf32>
        %parallel_loop3A_296 = arith.index_cast %parallel_loop3A_290 : i32 to index
        %parallel_loop3A_297 = tpu.vector_load %arg6[%parallel_loop3A_296] {strides = array<i32>} : memref<16384xf32, #tpu.memory_space<vmem>>, vector<16xf32>,
        %parallel_loop3A_298 = vector.shape_cast %parallel_loop3A_297 : vector<16xf32> to vector<16xf32>
        %parallel_loop3A_299 = arith.addf %parallel_loop3A_295, %parallel_loop3A_298 : vector<16xf32>
        %parallel_loop3A_300 = arith.index_cast %parallel_loop3A_290 : i32 to index
        %parallel_loop3A_301 = tpu.vector_load %arg8[%parallel_loop3A_300] {strides = array<i32>} : memref<16384xf32, #tpu.memory_space<vmem>>, vector<16xf32>,
        %parallel_loop3A_302 = vector.shape_cast %parallel_loop3A_301 : vector<16xf32> to vector<16xf32>
        %parallel_loop3A_303 = vector.shape_cast %parallel_loop3A_299 : vector<16xf32> to vector<16xf32>
        tpu.vector_store %arg8[%parallel_loop3A_300], %parallel_loop3A_303 {strides = array<i32>} : memref<16384xf32, #tpu.memory_space<vmem>>, vector<16xf32>,
      } {sc.loop_unroll_factor = 16 : i64, sc.parallel_access}
      %add3A_282 = arith.addi %mul3A_2, %add3A_269 : i32
      %dma_start3A_283 = arith.constant 81920 : i32
      %dma_start3A_284 = tpu.memref_slice %arg4[%add3A_282, %dma_start3A_283] : memref<1024x131072xf32, #tpu.memory_space<hbm>> -> memref<1x16384xf32, #tpu.memory_space<hbm>>
      %dma_start3A_285 = tpu.memref_squeeze %dma_start3A_284 : memref<1x16384xf32, #tpu.memory_space<hbm>> -> memref<16384xf32, #tpu.memory_space<hbm>>
      %dma_start3A_286 = arith.constant 81920 : i32
      %dma_start3A_287 = tpu.memref_slice %arg4[%add3A_282, %dma_start3A_286] : memref<1024x131072xf32, #tpu.memory_space<hbm>> -> memref<1x16384xf32, #tpu.memory_space<hbm>>
      %dma_start3A_288 = tpu.memref_squeeze %dma_start3A_287 : memref<1x16384xf32, #tpu.memory_space<hbm>> -> memref<16384xf32, #tpu.memory_space<hbm>>
      tpu.enqueue_dma source(%arg8 : memref<16384xf32, #tpu.memory_space<vmem>>) target(%dma_start3A_288 : memref<16384xf32, #tpu.memory_space<hbm>>) target_semaphore(%arg10 : memref<!tpu.dma_semaphore, #tpu.memory_space<semaphore_mem>>)
    }
    %scan3A_170 = arith.constant 16 : i32
    %dma_wait3A_171 = arith.constant 0 : i32
    %dma_wait3A_172 = arith.constant 0 : i32
    %dma_wait3A_173 = tpu.memref_slice %arg4[%dma_wait3A_171, %dma_wait3A_172] : memref<1024x131072xf32, #tpu.memory_space<hbm>> -> memref<1x16384xf32, #tpu.memory_space<hbm>>
    %dma_wait3A_174 = tpu.memref_squeeze %dma_wait3A_173 : memref<1x16384xf32, #tpu.memory_space<hbm>> -> memref<16384xf32, #tpu.memory_space<hbm>>
    %dma_wait3A_175 = arith.constant 0 : i32
    %dma_wait3A_176 = tpu.memref_slice %arg4[%dma_wait3A_171, %dma_wait3A_175] : memref<1024x131072xf32, #tpu.memory_space<hbm>> -> memref<1x16384xf32, #tpu.memory_space<hbm>>
    %dma_wait3A_177 = tpu.memref_squeeze %dma_wait3A_176 : memref<1x16384xf32, #tpu.memory_space<hbm>> -> memref<16384xf32, #tpu.memory_space<hbm>>
    tpu.wait_dma2 semaphore(%arg9 : memref<!tpu.dma_semaphore, #tpu.memory_space<semaphore_mem>>) src(%arg7 : memref<16384xf32, #tpu.memory_space<vmem>>) dst(%dma_wait3A_177 : memref<16384xf32, #tpu.memory_space<hbm>>)
    %dma_wait3A_178 = arith.constant 0 : i32
    %dma_wait3A_179 = arith.constant 0 : i32
    %dma_wait3A_180 = tpu.memref_slice %arg4[%dma_wait3A_178, %dma_wait3A_179] : memref<1024x131072xf32, #tpu.memory_space<hbm>> -> memref<1x16384xf32, #tpu.memory_space<hbm>>
    %dma_wait3A_181 = tpu.memref_squeeze %dma_wait3A_180 : memref<1x16384xf32, #tpu.memory_space<hbm>> -> memref<16384xf32, #tpu.memory_space<hbm>>
    %dma_wait3A_182 = arith.constant 0 : i32
    %dma_wait3A_183 = tpu.memref_slice %arg4[%dma_wait3A_178, %dma_wait3A_182] : memref<1024x131072xf32, #tpu.memory_space<hbm>> -> memref<1x16384xf32, #tpu.memory_space<hbm>>
    %dma_wait3A_184 = tpu.memref_squeeze %dma_wait3A_183 : memref<1x16384xf32, #tpu.memory_space<hbm>> -> memref<16384xf32, #tpu.memory_space<hbm>>
    tpu.wait_dma2 semaphore(%arg10 : memref<!tpu.dma_semaphore, #tpu.memory_space<semaphore_mem>>) src(%arg8 : memref<16384xf32, #tpu.memory_space<vmem>>) dst(%dma_wait3A_184 : memref<16384xf32, #tpu.memory_space<hbm>>)
    "tpu.region"() ({
      %run_scoped3A = tpu.sem_alloc : memref<!tpu.dma_semaphore, #tpu.memory_space<semaphore_mem>>
      %dma_start3A = arith.constant 98304 : i32
      %dma_start3A_247 = tpu.memref_slice %arg2[%dma_start3A] : memref<131072xf32, #tpu.memory_space<hbm>> -> memref<16384xf32, #tpu.memory_space<hbm>>
      %dma_start3A_248 = arith.constant 98304 : i32
      %dma_start3A_249 = tpu.memref_slice %arg2[%dma_start3A_248] : memref<131072xf32, #tpu.memory_space<hbm>> -> memref<16384xf32, #tpu.memory_space<hbm>>
      tpu.enqueue_dma source(%dma_start3A_249 : memref<16384xf32, #tpu.memory_space<hbm>>) target(%arg6 : memref<16384xf32, #tpu.memory_space<vmem>>) target_semaphore(%run_scoped3A : memref<!tpu.dma_semaphore, #tpu.memory_space<semaphore_mem>>)
      %dma_wait3A_250 = arith.constant 98304 : i32
      %dma_wait3A_251 = tpu.memref_slice %arg2[%dma_wait3A_250] : memref<131072xf32, #tpu.memory_space<hbm>> -> memref<16384xf32, #tpu.memory_space<hbm>>
      %dma_wait3A_252 = arith.constant 98304 : i32
      %dma_wait3A_253 = tpu.memref_slice %arg2[%dma_wait3A_252] : memref<131072xf32, #tpu.memory_space<hbm>> -> memref<16384xf32, #tpu.memory_space<hbm>>
      tpu.wait_dma2 semaphore(%run_scoped3A : memref<!tpu.dma_semaphore, #tpu.memory_space<semaphore_mem>>) src(%dma_wait3A_253 : memref<16384xf32, #tpu.memory_space<hbm>>) dst(%arg6 : memref<16384xf32, #tpu.memory_space<vmem>>)
      tpu.yield
    }) : () -> ()
    %add3A_185 = arith.constant 32 : i32
    %add3A_186 = arith.addi %mul3A_2, %add3A_185 : i32
    %sub3A_187 = arith.constant 1 : i32
    %sub3A_188 = arith.subi %add3A_186, %sub3A_187 : i32
    %sub3A_189 = arith.constant 1023 : i32
    %sub3A_190 = arith.subi %sub3A_189, %sub3A_188 : i32
    %add3A_191 = arith.constant 768 : i32
    %add3A_192 = arith.addi %sub3A_190, %add3A_191 : i32
    %mul3A_193 = arith.constant 128 : i32
    %mul3A_194 = arith.muli %add3A_192, %mul3A_193 : i32
    %multiple_of3A_195 = tpu.assume_multiple %mul3A_194, 128 : i32
    "tpu.region"() ({
      %run_scoped3A = tpu.sem_alloc : memref<!tpu.dma_semaphore, #tpu.memory_space<semaphore_mem>>
      %dma_start3A = tpu.memref_slice %arg3[%multiple_of3A_195] : memref<262144xf32, #tpu.memory_space<hbm>> -> memref<20352xf32, #tpu.memory_space<hbm>>
      %dma_start3A_247 = tpu.memref_slice %arg3[%multiple_of3A_195] : memref<262144xf32, #tpu.memory_space<hbm>> -> memref<20352xf32, #tpu.memory_space<hbm>>
      tpu.enqueue_dma source(%dma_start3A_247 : memref<20352xf32, #tpu.memory_space<hbm>>) target(%arg5 : memref<20352xf32, #tpu.memory_space<vmem>>) target_semaphore(%run_scoped3A : memref<!tpu.dma_semaphore, #tpu.memory_space<semaphore_mem>>)
      %dma_wait3A_248 = tpu.memref_slice %arg3[%multiple_of3A_195] : memref<262144xf32, #tpu.memory_space<hbm>> -> memref<20352xf32, #tpu.memory_space<hbm>>
      %dma_wait3A_249 = tpu.memref_slice %arg3[%multiple_of3A_195] : memref<262144xf32, #tpu.memory_space<hbm>> -> memref<20352xf32, #tpu.memory_space<hbm>>
      tpu.wait_dma2 semaphore(%run_scoped3A : memref<!tpu.dma_semaphore, #tpu.memory_space<semaphore_mem>>) src(%dma_wait3A_249 : memref<20352xf32, #tpu.memory_space<hbm>>) dst(%arg5 : memref<20352xf32, #tpu.memory_space<vmem>>)
      tpu.yield
    }) : () -> ()
    %scan3A_196 = arith.constant 0 : i32
    %scan3A_197 = arith.constant 0 : i32
    %scan3A_198 = arith.constant 16 : i32
    %scan3A_199 = arith.addi %scan3A_197, %scan3A_198 : i32
    %scan3A_200 = arith.constant 1 : i32
    scf.for %scan3A_247 = %scan3A_197 to %scan3A_199 step %scan3A_200  : i32 {
      %mul3A_248 = arith.constant 2 : i32
      %mul3A_249 = arith.muli %mul3A_248, %scan3A_247 : i32
      %add3A_250 = arith.constant 0 : i32
      %add3A_251 = arith.addi %mul3A_249, %add3A_250 : i32
      %gt3A = arith.constant 0 : i32
      %gt3A_252 = arith.cmpi sgt, %scan3A_247, %gt3A : i32
      %convert_element_type3A = arith.extui %gt3A_252 : i1 to i32
      %cond3A = arith.constant 0 : i32
      %cond3A_253 = arith.cmpi ne, %convert_element_type3A, %cond3A : i32
      scf.if %cond3A_253 {
        %dma_wait3A_289 = arith.constant 0 : i32
        %dma_wait3A_290 = arith.constant 0 : i32
        %dma_wait3A_291 = tpu.memref_slice %arg4[%dma_wait3A_289, %dma_wait3A_290] : memref<1024x131072xf32, #tpu.memory_space<hbm>> -> memref<1x16384xf32, #tpu.memory_space<hbm>>
        %dma_wait3A_292 = tpu.memref_squeeze %dma_wait3A_291 : memref<1x16384xf32, #tpu.memory_space<hbm>> -> memref<16384xf32, #tpu.memory_space<hbm>>
        %dma_wait3A_293 = arith.constant 0 : i32
        %dma_wait3A_294 = tpu.memref_slice %arg4[%dma_wait3A_289, %dma_wait3A_293] : memref<1024x131072xf32, #tpu.memory_space<hbm>> -> memref<1x16384xf32, #tpu.memory_space<hbm>>
        %dma_wait3A_295 = tpu.memref_squeeze %dma_wait3A_294 : memref<1x16384xf32, #tpu.memory_space<hbm>> -> memref<16384xf32, #tpu.memory_space<hbm>>
        tpu.wait_dma2 semaphore(%arg9 : memref<!tpu.dma_semaphore, #tpu.memory_space<semaphore_mem>>) src(%arg7 : memref<16384xf32, #tpu.memory_space<vmem>>) dst(%dma_wait3A_295 : memref<16384xf32, #tpu.memory_space<hbm>>)
      } else {
      }
      %sub3A_254 = arith.constant 31 : i32
      %sub3A_255 = arith.subi %sub3A_254, %add3A_251 : i32
      %mul3A_256 = arith.constant 128 : i32
      %mul3A_257 = arith.muli %sub3A_255, %mul3A_256 : i32
      %parallel_loop3A = arith.constant 0 : i32
      %parallel_loop3A_258 = arith.constant 16384 : i32
      %parallel_loop3A_259 = arith.constant 16 : i32
      scf.for %parallel_loop3A_289 = %parallel_loop3A to %parallel_loop3A_258 step %parallel_loop3A_259  : i32 {
        %parallel_loop3A_290 = tpu.assume_multiple %parallel_loop3A_289, 16 : i32
        %parallel_loop3A_291 = arith.addi %mul3A_257, %parallel_loop3A_289 : i32
        %parallel_loop3A_292 = tpu.assume_multiple %parallel_loop3A_291, 16 : i32
        %parallel_loop3A_293 = arith.index_cast %parallel_loop3A_292 : i32 to index
        %parallel_loop3A_294 = tpu.vector_load %arg5[%parallel_loop3A_293] {strides = array<i32>} : memref<20352xf32, #tpu.memory_space<vmem>>, vector<16xf32>,
        %parallel_loop3A_295 = vector.shape_cast %parallel_loop3A_294 : vector<16xf32> to vector<16xf32>
        %parallel_loop3A_296 = arith.index_cast %parallel_loop3A_290 : i32 to index
        %parallel_loop3A_297 = tpu.vector_load %arg6[%parallel_loop3A_296] {strides = array<i32>} : memref<16384xf32, #tpu.memory_space<vmem>>, vector<16xf32>,
        %parallel_loop3A_298 = vector.shape_cast %parallel_loop3A_297 : vector<16xf32> to vector<16xf32>
        %parallel_loop3A_299 = arith.addf %parallel_loop3A_295, %parallel_loop3A_298 : vector<16xf32>
        %parallel_loop3A_300 = arith.index_cast %parallel_loop3A_290 : i32 to index
        %parallel_loop3A_301 = tpu.vector_load %arg7[%parallel_loop3A_300] {strides = array<i32>} : memref<16384xf32, #tpu.memory_space<vmem>>, vector<16xf32>,
        %parallel_loop3A_302 = vector.shape_cast %parallel_loop3A_301 : vector<16xf32> to vector<16xf32>
        %parallel_loop3A_303 = vector.shape_cast %parallel_loop3A_299 : vector<16xf32> to vector<16xf32>
        tpu.vector_store %arg7[%parallel_loop3A_300], %parallel_loop3A_303 {strides = array<i32>} : memref<16384xf32, #tpu.memory_space<vmem>>, vector<16xf32>,
      } {sc.loop_unroll_factor = 16 : i64, sc.parallel_access}
      %add3A_260 = arith.addi %mul3A_2, %add3A_251 : i32
      %dma_start3A = arith.constant 98304 : i32
      %dma_start3A_261 = tpu.memref_slice %arg4[%add3A_260, %dma_start3A] : memref<1024x131072xf32, #tpu.memory_space<hbm>> -> memref<1x16384xf32, #tpu.memory_space<hbm>>
      %dma_start3A_262 = tpu.memref_squeeze %dma_start3A_261 : memref<1x16384xf32, #tpu.memory_space<hbm>> -> memref<16384xf32, #tpu.memory_space<hbm>>
      %dma_start3A_263 = arith.constant 98304 : i32
      %dma_start3A_264 = tpu.memref_slice %arg4[%add3A_260, %dma_start3A_263] : memref<1024x131072xf32, #tpu.memory_space<hbm>> -> memref<1x16384xf32, #tpu.memory_space<hbm>>
      %dma_start3A_265 = tpu.memref_squeeze %dma_start3A_264 : memref<1x16384xf32, #tpu.memory_space<hbm>> -> memref<16384xf32, #tpu.memory_space<hbm>>
      tpu.enqueue_dma source(%arg7 : memref<16384xf32, #tpu.memory_space<vmem>>) target(%dma_start3A_265 : memref<16384xf32, #tpu.memory_space<hbm>>) target_semaphore(%arg9 : memref<!tpu.dma_semaphore, #tpu.memory_space<semaphore_mem>>)
      %mul3A_266 = arith.constant 2 : i32
      %mul3A_267 = arith.muli %mul3A_266, %scan3A_247 : i32
      %add3A_268 = arith.constant 1 : i32
      %add3A_269 = arith.addi %mul3A_267, %add3A_268 : i32
      %gt3A_270 = arith.constant 0 : i32
      %gt3A_271 = arith.cmpi sgt, %scan3A_247, %gt3A_270 : i32
      %convert_element_type3A_272 = arith.extui %gt3A_271 : i1 to i32
      %cond3A_273 = arith.constant 0 : i32
      %cond3A_274 = arith.cmpi ne, %convert_element_type3A_272, %cond3A_273 : i32
      scf.if %cond3A_274 {
        %dma_wait3A_289 = arith.constant 0 : i32
        %dma_wait3A_290 = arith.constant 0 : i32
        %dma_wait3A_291 = tpu.memref_slice %arg4[%dma_wait3A_289, %dma_wait3A_290] : memref<1024x131072xf32, #tpu.memory_space<hbm>> -> memref<1x16384xf32, #tpu.memory_space<hbm>>
        %dma_wait3A_292 = tpu.memref_squeeze %dma_wait3A_291 : memref<1x16384xf32, #tpu.memory_space<hbm>> -> memref<16384xf32, #tpu.memory_space<hbm>>
        %dma_wait3A_293 = arith.constant 0 : i32
        %dma_wait3A_294 = tpu.memref_slice %arg4[%dma_wait3A_289, %dma_wait3A_293] : memref<1024x131072xf32, #tpu.memory_space<hbm>> -> memref<1x16384xf32, #tpu.memory_space<hbm>>
        %dma_wait3A_295 = tpu.memref_squeeze %dma_wait3A_294 : memref<1x16384xf32, #tpu.memory_space<hbm>> -> memref<16384xf32, #tpu.memory_space<hbm>>
        tpu.wait_dma2 semaphore(%arg10 : memref<!tpu.dma_semaphore, #tpu.memory_space<semaphore_mem>>) src(%arg8 : memref<16384xf32, #tpu.memory_space<vmem>>) dst(%dma_wait3A_295 : memref<16384xf32, #tpu.memory_space<hbm>>)
      } else {
      }
      %sub3A_275 = arith.constant 31 : i32
      %sub3A_276 = arith.subi %sub3A_275, %add3A_269 : i32
      %mul3A_277 = arith.constant 128 : i32
      %mul3A_278 = arith.muli %sub3A_276, %mul3A_277 : i32
      %parallel_loop3A_279 = arith.constant 0 : i32
      %parallel_loop3A_280 = arith.constant 16384 : i32
      %parallel_loop3A_281 = arith.constant 16 : i32
      scf.for %parallel_loop3A_289 = %parallel_loop3A_279 to %parallel_loop3A_280 step %parallel_loop3A_281  : i32 {
        %parallel_loop3A_290 = tpu.assume_multiple %parallel_loop3A_289, 16 : i32
        %parallel_loop3A_291 = arith.addi %mul3A_278, %parallel_loop3A_289 : i32
        %parallel_loop3A_292 = tpu.assume_multiple %parallel_loop3A_291, 16 : i32
        %parallel_loop3A_293 = arith.index_cast %parallel_loop3A_292 : i32 to index
        %parallel_loop3A_294 = tpu.vector_load %arg5[%parallel_loop3A_293] {strides = array<i32>} : memref<20352xf32, #tpu.memory_space<vmem>>, vector<16xf32>,
        %parallel_loop3A_295 = vector.shape_cast %parallel_loop3A_294 : vector<16xf32> to vector<16xf32>
        %parallel_loop3A_296 = arith.index_cast %parallel_loop3A_290 : i32 to index
        %parallel_loop3A_297 = tpu.vector_load %arg6[%parallel_loop3A_296] {strides = array<i32>} : memref<16384xf32, #tpu.memory_space<vmem>>, vector<16xf32>,
        %parallel_loop3A_298 = vector.shape_cast %parallel_loop3A_297 : vector<16xf32> to vector<16xf32>
        %parallel_loop3A_299 = arith.addf %parallel_loop3A_295, %parallel_loop3A_298 : vector<16xf32>
        %parallel_loop3A_300 = arith.index_cast %parallel_loop3A_290 : i32 to index
        %parallel_loop3A_301 = tpu.vector_load %arg8[%parallel_loop3A_300] {strides = array<i32>} : memref<16384xf32, #tpu.memory_space<vmem>>, vector<16xf32>,
        %parallel_loop3A_302 = vector.shape_cast %parallel_loop3A_301 : vector<16xf32> to vector<16xf32>
        %parallel_loop3A_303 = vector.shape_cast %parallel_loop3A_299 : vector<16xf32> to vector<16xf32>
        tpu.vector_store %arg8[%parallel_loop3A_300], %parallel_loop3A_303 {strides = array<i32>} : memref<16384xf32, #tpu.memory_space<vmem>>, vector<16xf32>,
      } {sc.loop_unroll_factor = 16 : i64, sc.parallel_access}
      %add3A_282 = arith.addi %mul3A_2, %add3A_269 : i32
      %dma_start3A_283 = arith.constant 98304 : i32
      %dma_start3A_284 = tpu.memref_slice %arg4[%add3A_282, %dma_start3A_283] : memref<1024x131072xf32, #tpu.memory_space<hbm>> -> memref<1x16384xf32, #tpu.memory_space<hbm>>
      %dma_start3A_285 = tpu.memref_squeeze %dma_start3A_284 : memref<1x16384xf32, #tpu.memory_space<hbm>> -> memref<16384xf32, #tpu.memory_space<hbm>>
      %dma_start3A_286 = arith.constant 98304 : i32
      %dma_start3A_287 = tpu.memref_slice %arg4[%add3A_282, %dma_start3A_286] : memref<1024x131072xf32, #tpu.memory_space<hbm>> -> memref<1x16384xf32, #tpu.memory_space<hbm>>
      %dma_start3A_288 = tpu.memref_squeeze %dma_start3A_287 : memref<1x16384xf32, #tpu.memory_space<hbm>> -> memref<16384xf32, #tpu.memory_space<hbm>>
      tpu.enqueue_dma source(%arg8 : memref<16384xf32, #tpu.memory_space<vmem>>) target(%dma_start3A_288 : memref<16384xf32, #tpu.memory_space<hbm>>) target_semaphore(%arg10 : memref<!tpu.dma_semaphore, #tpu.memory_space<semaphore_mem>>)
    }
    %scan3A_201 = arith.constant 16 : i32
    %dma_wait3A_202 = arith.constant 0 : i32
    %dma_wait3A_203 = arith.constant 0 : i32
    %dma_wait3A_204 = tpu.memref_slice %arg4[%dma_wait3A_202, %dma_wait3A_203] : memref<1024x131072xf32, #tpu.memory_space<hbm>> -> memref<1x16384xf32, #tpu.memory_space<hbm>>
    %dma_wait3A_205 = tpu.memref_squeeze %dma_wait3A_204 : memref<1x16384xf32, #tpu.memory_space<hbm>> -> memref<16384xf32, #tpu.memory_space<hbm>>
    %dma_wait3A_206 = arith.constant 0 : i32
    %dma_wait3A_207 = tpu.memref_slice %arg4[%dma_wait3A_202, %dma_wait3A_206] : memref<1024x131072xf32, #tpu.memory_space<hbm>> -> memref<1x16384xf32, #tpu.memory_space<hbm>>
    %dma_wait3A_208 = tpu.memref_squeeze %dma_wait3A_207 : memref<1x16384xf32, #tpu.memory_space<hbm>> -> memref<16384xf32, #tpu.memory_space<hbm>>
    tpu.wait_dma2 semaphore(%arg9 : memref<!tpu.dma_semaphore, #tpu.memory_space<semaphore_mem>>) src(%arg7 : memref<16384xf32, #tpu.memory_space<vmem>>) dst(%dma_wait3A_208 : memref<16384xf32, #tpu.memory_space<hbm>>)
    %dma_wait3A_209 = arith.constant 0 : i32
    %dma_wait3A_210 = arith.constant 0 : i32
    %dma_wait3A_211 = tpu.memref_slice %arg4[%dma_wait3A_209, %dma_wait3A_210] : memref<1024x131072xf32, #tpu.memory_space<hbm>> -> memref<1x16384xf32, #tpu.memory_space<hbm>>
    %dma_wait3A_212 = tpu.memref_squeeze %dma_wait3A_211 : memref<1x16384xf32, #tpu.memory_space<hbm>> -> memref<16384xf32, #tpu.memory_space<hbm>>
    %dma_wait3A_213 = arith.constant 0 : i32
    %dma_wait3A_214 = tpu.memref_slice %arg4[%dma_wait3A_209, %dma_wait3A_213] : memref<1024x131072xf32, #tpu.memory_space<hbm>> -> memref<1x16384xf32, #tpu.memory_space<hbm>>
    %dma_wait3A_215 = tpu.memref_squeeze %dma_wait3A_214 : memref<1x16384xf32, #tpu.memory_space<hbm>> -> memref<16384xf32, #tpu.memory_space<hbm>>
    tpu.wait_dma2 semaphore(%arg10 : memref<!tpu.dma_semaphore, #tpu.memory_space<semaphore_mem>>) src(%arg8 : memref<16384xf32, #tpu.memory_space<vmem>>) dst(%dma_wait3A_215 : memref<16384xf32, #tpu.memory_space<hbm>>)
    "tpu.region"() ({
      %run_scoped3A = tpu.sem_alloc : memref<!tpu.dma_semaphore, #tpu.memory_space<semaphore_mem>>
      %dma_start3A = arith.constant 114688 : i32
      %dma_start3A_247 = tpu.memref_slice %arg2[%dma_start3A] : memref<131072xf32, #tpu.memory_space<hbm>> -> memref<16384xf32, #tpu.memory_space<hbm>>
      %dma_start3A_248 = arith.constant 114688 : i32
      %dma_start3A_249 = tpu.memref_slice %arg2[%dma_start3A_248] : memref<131072xf32, #tpu.memory_space<hbm>> -> memref<16384xf32, #tpu.memory_space<hbm>>
      tpu.enqueue_dma source(%dma_start3A_249 : memref<16384xf32, #tpu.memory_space<hbm>>) target(%arg6 : memref<16384xf32, #tpu.memory_space<vmem>>) target_semaphore(%run_scoped3A : memref<!tpu.dma_semaphore, #tpu.memory_space<semaphore_mem>>)
      %dma_wait3A_250 = arith.constant 114688 : i32
      %dma_wait3A_251 = tpu.memref_slice %arg2[%dma_wait3A_250] : memref<131072xf32, #tpu.memory_space<hbm>> -> memref<16384xf32, #tpu.memory_space<hbm>>
      %dma_wait3A_252 = arith.constant 114688 : i32
      %dma_wait3A_253 = tpu.memref_slice %arg2[%dma_wait3A_252] : memref<131072xf32, #tpu.memory_space<hbm>> -> memref<16384xf32, #tpu.memory_space<hbm>>
      tpu.wait_dma2 semaphore(%run_scoped3A : memref<!tpu.dma_semaphore, #tpu.memory_space<semaphore_mem>>) src(%dma_wait3A_253 : memref<16384xf32, #tpu.memory_space<hbm>>) dst(%arg6 : memref<16384xf32, #tpu.memory_space<vmem>>)
      tpu.yield
    }) : () -> ()
    %add3A_216 = arith.constant 32 : i32
    %add3A_217 = arith.addi %mul3A_2, %add3A_216 : i32
    %sub3A_218 = arith.constant 1 : i32
    %sub3A_219 = arith.subi %add3A_217, %sub3A_218 : i32
    %sub3A_220 = arith.constant 1023 : i32
    %sub3A_221 = arith.subi %sub3A_220, %sub3A_219 : i32
    %add3A_222 = arith.constant 896 : i32
    %add3A_223 = arith.addi %sub3A_221, %add3A_222 : i32
    %mul3A_224 = arith.constant 128 : i32
    %mul3A_225 = arith.muli %add3A_223, %mul3A_224 : i32
    %multiple_of3A_226 = tpu.assume_multiple %mul3A_225, 128 : i32
    "tpu.region"() ({
      %run_scoped3A = tpu.sem_alloc : memref<!tpu.dma_semaphore, #tpu.memory_space<semaphore_mem>>
      %dma_start3A = tpu.memref_slice %arg3[%multiple_of3A_226] : memref<262144xf32, #tpu.memory_space<hbm>> -> memref<20352xf32, #tpu.memory_space<hbm>>
      %dma_start3A_247 = tpu.memref_slice %arg3[%multiple_of3A_226] : memref<262144xf32, #tpu.memory_space<hbm>> -> memref<20352xf32, #tpu.memory_space<hbm>>
      tpu.enqueue_dma source(%dma_start3A_247 : memref<20352xf32, #tpu.memory_space<hbm>>) target(%arg5 : memref<20352xf32, #tpu.memory_space<vmem>>) target_semaphore(%run_scoped3A : memref<!tpu.dma_semaphore, #tpu.memory_space<semaphore_mem>>)
      %dma_wait3A_248 = tpu.memref_slice %arg3[%multiple_of3A_226] : memref<262144xf32, #tpu.memory_space<hbm>> -> memref<20352xf32, #tpu.memory_space<hbm>>
      %dma_wait3A_249 = tpu.memref_slice %arg3[%multiple_of3A_226] : memref<262144xf32, #tpu.memory_space<hbm>> -> memref<20352xf32, #tpu.memory_space<hbm>>
      tpu.wait_dma2 semaphore(%run_scoped3A : memref<!tpu.dma_semaphore, #tpu.memory_space<semaphore_mem>>) src(%dma_wait3A_249 : memref<20352xf32, #tpu.memory_space<hbm>>) dst(%arg5 : memref<20352xf32, #tpu.memory_space<vmem>>)
      tpu.yield
    }) : () -> ()
    %scan3A_227 = arith.constant 0 : i32
    %scan3A_228 = arith.constant 0 : i32
    %scan3A_229 = arith.constant 16 : i32
    %scan3A_230 = arith.addi %scan3A_228, %scan3A_229 : i32
    %scan3A_231 = arith.constant 1 : i32
    scf.for %scan3A_247 = %scan3A_228 to %scan3A_230 step %scan3A_231  : i32 {
      %mul3A_248 = arith.constant 2 : i32
      %mul3A_249 = arith.muli %mul3A_248, %scan3A_247 : i32
      %add3A_250 = arith.constant 0 : i32
      %add3A_251 = arith.addi %mul3A_249, %add3A_250 : i32
      %gt3A = arith.constant 0 : i32
      %gt3A_252 = arith.cmpi sgt, %scan3A_247, %gt3A : i32
      %convert_element_type3A = arith.extui %gt3A_252 : i1 to i32
      %cond3A = arith.constant 0 : i32
      %cond3A_253 = arith.cmpi ne, %convert_element_type3A, %cond3A : i32
      scf.if %cond3A_253 {
        %dma_wait3A_289 = arith.constant 0 : i32
        %dma_wait3A_290 = arith.constant 0 : i32
        %dma_wait3A_291 = tpu.memref_slice %arg4[%dma_wait3A_289, %dma_wait3A_290] : memref<1024x131072xf32, #tpu.memory_space<hbm>> -> memref<1x16384xf32, #tpu.memory_space<hbm>>
        %dma_wait3A_292 = tpu.memref_squeeze %dma_wait3A_291 : memref<1x16384xf32, #tpu.memory_space<hbm>> -> memref<16384xf32, #tpu.memory_space<hbm>>
        %dma_wait3A_293 = arith.constant 0 : i32
        %dma_wait3A_294 = tpu.memref_slice %arg4[%dma_wait3A_289, %dma_wait3A_293] : memref<1024x131072xf32, #tpu.memory_space<hbm>> -> memref<1x16384xf32, #tpu.memory_space<hbm>>
        %dma_wait3A_295 = tpu.memref_squeeze %dma_wait3A_294 : memref<1x16384xf32, #tpu.memory_space<hbm>> -> memref<16384xf32, #tpu.memory_space<hbm>>
        tpu.wait_dma2 semaphore(%arg9 : memref<!tpu.dma_semaphore, #tpu.memory_space<semaphore_mem>>) src(%arg7 : memref<16384xf32, #tpu.memory_space<vmem>>) dst(%dma_wait3A_295 : memref<16384xf32, #tpu.memory_space<hbm>>)
      } else {
      }
      %sub3A_254 = arith.constant 31 : i32
      %sub3A_255 = arith.subi %sub3A_254, %add3A_251 : i32
      %mul3A_256 = arith.constant 128 : i32
      %mul3A_257 = arith.muli %sub3A_255, %mul3A_256 : i32
      %parallel_loop3A = arith.constant 0 : i32
      %parallel_loop3A_258 = arith.constant 16384 : i32
      %parallel_loop3A_259 = arith.constant 16 : i32
      scf.for %parallel_loop3A_289 = %parallel_loop3A to %parallel_loop3A_258 step %parallel_loop3A_259  : i32 {
        %parallel_loop3A_290 = tpu.assume_multiple %parallel_loop3A_289, 16 : i32
        %parallel_loop3A_291 = arith.addi %mul3A_257, %parallel_loop3A_289 : i32
        %parallel_loop3A_292 = tpu.assume_multiple %parallel_loop3A_291, 16 : i32
        %parallel_loop3A_293 = arith.index_cast %parallel_loop3A_292 : i32 to index
        %parallel_loop3A_294 = tpu.vector_load %arg5[%parallel_loop3A_293] {strides = array<i32>} : memref<20352xf32, #tpu.memory_space<vmem>>, vector<16xf32>,
        %parallel_loop3A_295 = vector.shape_cast %parallel_loop3A_294 : vector<16xf32> to vector<16xf32>
        %parallel_loop3A_296 = arith.index_cast %parallel_loop3A_290 : i32 to index
        %parallel_loop3A_297 = tpu.vector_load %arg6[%parallel_loop3A_296] {strides = array<i32>} : memref<16384xf32, #tpu.memory_space<vmem>>, vector<16xf32>,
        %parallel_loop3A_298 = vector.shape_cast %parallel_loop3A_297 : vector<16xf32> to vector<16xf32>
        %parallel_loop3A_299 = arith.addf %parallel_loop3A_295, %parallel_loop3A_298 : vector<16xf32>
        %parallel_loop3A_300 = arith.index_cast %parallel_loop3A_290 : i32 to index
        %parallel_loop3A_301 = tpu.vector_load %arg7[%parallel_loop3A_300] {strides = array<i32>} : memref<16384xf32, #tpu.memory_space<vmem>>, vector<16xf32>,
        %parallel_loop3A_302 = vector.shape_cast %parallel_loop3A_301 : vector<16xf32> to vector<16xf32>
        %parallel_loop3A_303 = vector.shape_cast %parallel_loop3A_299 : vector<16xf32> to vector<16xf32>
        tpu.vector_store %arg7[%parallel_loop3A_300], %parallel_loop3A_303 {strides = array<i32>} : memref<16384xf32, #tpu.memory_space<vmem>>, vector<16xf32>,
      } {sc.loop_unroll_factor = 16 : i64, sc.parallel_access}
      %add3A_260 = arith.addi %mul3A_2, %add3A_251 : i32
      %dma_start3A = arith.constant 114688 : i32
      %dma_start3A_261 = tpu.memref_slice %arg4[%add3A_260, %dma_start3A] : memref<1024x131072xf32, #tpu.memory_space<hbm>> -> memref<1x16384xf32, #tpu.memory_space<hbm>>
      %dma_start3A_262 = tpu.memref_squeeze %dma_start3A_261 : memref<1x16384xf32, #tpu.memory_space<hbm>> -> memref<16384xf32, #tpu.memory_space<hbm>>
      %dma_start3A_263 = arith.constant 114688 : i32
      %dma_start3A_264 = tpu.memref_slice %arg4[%add3A_260, %dma_start3A_263] : memref<1024x131072xf32, #tpu.memory_space<hbm>> -> memref<1x16384xf32, #tpu.memory_space<hbm>>
      %dma_start3A_265 = tpu.memref_squeeze %dma_start3A_264 : memref<1x16384xf32, #tpu.memory_space<hbm>> -> memref<16384xf32, #tpu.memory_space<hbm>>
      tpu.enqueue_dma source(%arg7 : memref<16384xf32, #tpu.memory_space<vmem>>) target(%dma_start3A_265 : memref<16384xf32, #tpu.memory_space<hbm>>) target_semaphore(%arg9 : memref<!tpu.dma_semaphore, #tpu.memory_space<semaphore_mem>>)
      %mul3A_266 = arith.constant 2 : i32
      %mul3A_267 = arith.muli %mul3A_266, %scan3A_247 : i32
      %add3A_268 = arith.constant 1 : i32
      %add3A_269 = arith.addi %mul3A_267, %add3A_268 : i32
      %gt3A_270 = arith.constant 0 : i32
      %gt3A_271 = arith.cmpi sgt, %scan3A_247, %gt3A_270 : i32
      %convert_element_type3A_272 = arith.extui %gt3A_271 : i1 to i32
      %cond3A_273 = arith.constant 0 : i32
      %cond3A_274 = arith.cmpi ne, %convert_element_type3A_272, %cond3A_273 : i32
      scf.if %cond3A_274 {
        %dma_wait3A_289 = arith.constant 0 : i32
        %dma_wait3A_290 = arith.constant 0 : i32
        %dma_wait3A_291 = tpu.memref_slice %arg4[%dma_wait3A_289, %dma_wait3A_290] : memref<1024x131072xf32, #tpu.memory_space<hbm>> -> memref<1x16384xf32, #tpu.memory_space<hbm>>
        %dma_wait3A_292 = tpu.memref_squeeze %dma_wait3A_291 : memref<1x16384xf32, #tpu.memory_space<hbm>> -> memref<16384xf32, #tpu.memory_space<hbm>>
        %dma_wait3A_293 = arith.constant 0 : i32
        %dma_wait3A_294 = tpu.memref_slice %arg4[%dma_wait3A_289, %dma_wait3A_293] : memref<1024x131072xf32, #tpu.memory_space<hbm>> -> memref<1x16384xf32, #tpu.memory_space<hbm>>
        %dma_wait3A_295 = tpu.memref_squeeze %dma_wait3A_294 : memref<1x16384xf32, #tpu.memory_space<hbm>> -> memref<16384xf32, #tpu.memory_space<hbm>>
        tpu.wait_dma2 semaphore(%arg10 : memref<!tpu.dma_semaphore, #tpu.memory_space<semaphore_mem>>) src(%arg8 : memref<16384xf32, #tpu.memory_space<vmem>>) dst(%dma_wait3A_295 : memref<16384xf32, #tpu.memory_space<hbm>>)
      } else {
      }
      %sub3A_275 = arith.constant 31 : i32
      %sub3A_276 = arith.subi %sub3A_275, %add3A_269 : i32
      %mul3A_277 = arith.constant 128 : i32
      %mul3A_278 = arith.muli %sub3A_276, %mul3A_277 : i32
      %parallel_loop3A_279 = arith.constant 0 : i32
      %parallel_loop3A_280 = arith.constant 16384 : i32
      %parallel_loop3A_281 = arith.constant 16 : i32
      scf.for %parallel_loop3A_289 = %parallel_loop3A_279 to %parallel_loop3A_280 step %parallel_loop3A_281  : i32 {
        %parallel_loop3A_290 = tpu.assume_multiple %parallel_loop3A_289, 16 : i32
        %parallel_loop3A_291 = arith.addi %mul3A_278, %parallel_loop3A_289 : i32
        %parallel_loop3A_292 = tpu.assume_multiple %parallel_loop3A_291, 16 : i32
        %parallel_loop3A_293 = arith.index_cast %parallel_loop3A_292 : i32 to index
        %parallel_loop3A_294 = tpu.vector_load %arg5[%parallel_loop3A_293] {strides = array<i32>} : memref<20352xf32, #tpu.memory_space<vmem>>, vector<16xf32>,
        %parallel_loop3A_295 = vector.shape_cast %parallel_loop3A_294 : vector<16xf32> to vector<16xf32>
        %parallel_loop3A_296 = arith.index_cast %parallel_loop3A_290 : i32 to index
        %parallel_loop3A_297 = tpu.vector_load %arg6[%parallel_loop3A_296] {strides = array<i32>} : memref<16384xf32, #tpu.memory_space<vmem>>, vector<16xf32>,
        %parallel_loop3A_298 = vector.shape_cast %parallel_loop3A_297 : vector<16xf32> to vector<16xf32>
        %parallel_loop3A_299 = arith.addf %parallel_loop3A_295, %parallel_loop3A_298 : vector<16xf32>
        %parallel_loop3A_300 = arith.index_cast %parallel_loop3A_290 : i32 to index
        %parallel_loop3A_301 = tpu.vector_load %arg8[%parallel_loop3A_300] {strides = array<i32>} : memref<16384xf32, #tpu.memory_space<vmem>>, vector<16xf32>,
        %parallel_loop3A_302 = vector.shape_cast %parallel_loop3A_301 : vector<16xf32> to vector<16xf32>
        %parallel_loop3A_303 = vector.shape_cast %parallel_loop3A_299 : vector<16xf32> to vector<16xf32>
        tpu.vector_store %arg8[%parallel_loop3A_300], %parallel_loop3A_303 {strides = array<i32>} : memref<16384xf32, #tpu.memory_space<vmem>>, vector<16xf32>,
      } {sc.loop_unroll_factor = 16 : i64, sc.parallel_access}
      %add3A_282 = arith.addi %mul3A_2, %add3A_269 : i32
      %dma_start3A_283 = arith.constant 114688 : i32
      %dma_start3A_284 = tpu.memref_slice %arg4[%add3A_282, %dma_start3A_283] : memref<1024x131072xf32, #tpu.memory_space<hbm>> -> memref<1x16384xf32, #tpu.memory_space<hbm>>
      %dma_start3A_285 = tpu.memref_squeeze %dma_start3A_284 : memref<1x16384xf32, #tpu.memory_space<hbm>> -> memref<16384xf32, #tpu.memory_space<hbm>>
      %dma_start3A_286 = arith.constant 114688 : i32
      %dma_start3A_287 = tpu.memref_slice %arg4[%add3A_282, %dma_start3A_286] : memref<1024x131072xf32, #tpu.memory_space<hbm>> -> memref<1x16384xf32, #tpu.memory_space<hbm>>
      %dma_start3A_288 = tpu.memref_squeeze %dma_start3A_287 : memref<1x16384xf32, #tpu.memory_space<hbm>> -> memref<16384xf32, #tpu.memory_space<hbm>>
      tpu.enqueue_dma source(%arg8 : memref<16384xf32, #tpu.memory_space<vmem>>) target(%dma_start3A_288 : memref<16384xf32, #tpu.memory_space<hbm>>) target_semaphore(%arg10 : memref<!tpu.dma_semaphore, #tpu.memory_space<semaphore_mem>>)
    }
    %scan3A_232 = arith.constant 16 : i32
    %dma_wait3A_233 = arith.constant 0 : i32
    %dma_wait3A_234 = arith.constant 0 : i32
    %dma_wait3A_235 = tpu.memref_slice %arg4[%dma_wait3A_233, %dma_wait3A_234] : memref<1024x131072xf32, #tpu.memory_space<hbm>> -> memref<1x16384xf32, #tpu.memory_space<hbm>>
    %dma_wait3A_236 = tpu.memref_squeeze %dma_wait3A_235 : memref<1x16384xf32, #tpu.memory_space<hbm>> -> memref<16384xf32, #tpu.memory_space<hbm>>
    %dma_wait3A_237 = arith.constant 0 : i32
    %dma_wait3A_238 = tpu.memref_slice %arg4[%dma_wait3A_233, %dma_wait3A_237] : memref<1024x131072xf32, #tpu.memory_space<hbm>> -> memref<1x16384xf32, #tpu.memory_space<hbm>>
    %dma_wait3A_239 = tpu.memref_squeeze %dma_wait3A_238 : memref<1x16384xf32, #tpu.memory_space<hbm>> -> memref<16384xf32, #tpu.memory_space<hbm>>
    tpu.wait_dma2 semaphore(%arg9 : memref<!tpu.dma_semaphore, #tpu.memory_space<semaphore_mem>>) src(%arg7 : memref<16384xf32, #tpu.memory_space<vmem>>) dst(%dma_wait3A_239 : memref<16384xf32, #tpu.memory_space<hbm>>)
    %dma_wait3A_240 = arith.constant 0 : i32
    %dma_wait3A_241 = arith.constant 0 : i32
    %dma_wait3A_242 = tpu.memref_slice %arg4[%dma_wait3A_240, %dma_wait3A_241] : memref<1024x131072xf32, #tpu.memory_space<hbm>> -> memref<1x16384xf32, #tpu.memory_space<hbm>>
    %dma_wait3A_243 = tpu.memref_squeeze %dma_wait3A_242 : memref<1x16384xf32, #tpu.memory_space<hbm>> -> memref<16384xf32, #tpu.memory_space<hbm>>
    %dma_wait3A_244 = arith.constant 0 : i32
    %dma_wait3A_245 = tpu.memref_slice %arg4[%dma_wait3A_240, %dma_wait3A_244] : memref<1024x131072xf32, #tpu.memory_space<hbm>> -> memref<1x16384xf32, #tpu.memory_space<hbm>>
    %dma_wait3A_246 = tpu.memref_squeeze %dma_wait3A_245 : memref<1x16384xf32, #tpu.memory_space<hbm>> -> memref<16384xf32, #tpu.memory_space<hbm>>
    tpu.wait_dma2 semaphore(%arg10 : memref<!tpu.dma_semaphore, #tpu.memory_space<semaphore_mem>>) src(%arg8 : memref<16384xf32, #tpu.memory_space<vmem>>) dst(%dma_wait3A_246 : memref<16384xf32, #tpu.memory_space<hbm>>)
    return
  }
}

</mosaic_0001>

<sc_bundles>
// kernel: kernel.3.cloned.1.call-start
scs
__scs_entry_jumppad:
0x0: {  	(pc) =	sbr.rel $0x88, $3  }
0x1: {  	(tag) =	ssettag $0x0;
	lr =	simm.s32 $0x1  }
0x2: {  	[smem:$0x3F9F] =	sst lr;
	_ =	strace $0xD0000000  }
0x3: {  	_ = 	snop  }
0x4: {  	_ = 	snop  }
0x5: {  	_ = 	snop  }
0x6: {  	_ = 	snop  }
0x7: {  	_ = 	snop  }
__scs_overlays_trampoline_lowered:
0x8: {  	[smem:$0x3FAE] =	sst s0  }
0x9: {  	[smem:$0x3FAF] =	sst s1  }
0xa: {  	[smem:$0x3FB0] =	sst s2  }
0xb: {  	[smem:$0x3FB1] =	sst s3  }
0xc: {  	[smem:$0x3FB2] =	sst s4  }
0xd: {  	[smem:$0x3FB3] =	sst s5  }
0xe: {  	[smem:$0x3FB4] =	sst s6  }
0xf: {  	[smem:$0x3FB5] =	sst s7  }
0x10: {  	[smem:$0x3FB6] =	sst s8  }
0x11: {  	[smem:$0x3FB7] =	sst s9;
	s0 =	simm.s32 @!p0 $0x0  }
0x12: {  	s1 =	sld [smem:$0x3F9D];
	s0 =	simm.s32 @p0 $0x1  }
0x13: {  	[smem:$0x3FB8] =	sst s0;
	s0 =	simm.s32 @!p1 $0x0  }
0x14: {  	s2 =	sld [smem:$0x3F9C];
	s0 =	simm.s32 @p1 $0x1  }
0x15: {  	[smem:$0x3FB9] =	sst s0;
	s0 =	simm.s32 @!p2 $0x0  }
0x16: {  	s3 =	sld [smem:$0x3FDB];
	s0 =	simm.s32 @p2 $0x1  }
0x17: {  	s4 =	simm.s32 $0x1BF5;
	[smem:$0x3FBB] =	sst s0  }
0x18: {  	s0 =	sld [smem:$0x3F9E];
	_ =	swait.ge [sflag:s4], $0x0  }
0x19: {  	s7 =	sld [smem:$0x3F9F]  }
0x1a: {  	s8 =	sadd.s32 $0xFFFFE003, lr  }
0x1b: {  	s9 =	sadd.s32 $0xFFFFFEF7, lr;
	s5 =	simm.s32 $0xFFFFFFFF;
	p2 =	slt.u32 s8, $0xFFFFF086  }
0x1c: {  	p1 =	slt.u32 s9, $0xF7A;
	s5 =	simm.s32 @!p2 $0x0  }
0x1d: {  	s5 =	simm.s32 @p1 $0x1;
	p0 =	seq.s32 s7, s2  }
0x1e: {  	s7 =	smul.u32 @!p0 $0xF7A, s2;
	p2 =	seq.s32 @!p0 s5, $0x0  }
0x1f: {  	s9 =	smul.u32 $0xF7A, s1;
	s8 =	simm.s32 @!p0 $0x1BF5;
	p2 =	por !p2, p0  }
0x20: {  	[sflag:s8] =	ssyncset.s32 @!p0 $0xFFFFF086;
	s6 =	sadd.s32 @!p0 s3, s7;
	s7 =	simm.s32 @!p0 $0x108  }
0x21: {  	s3 =	sadd.s32 s3, s9;
	s6 =	sadd.s32 @!p0 $0x88, s6;
	s7 =	simm.s32 @p2 $0x1082  }
0x22: {  	[simem:s7], [sflag:s8] =	dma.local @!p0 [hbm:s6], $0xF7A  }
0x23: {  	s9 =	sor.u32 $0xD0000000, s2;
	s6 =	simm.s32 $0x108;
	_ =	swait.ge @!p0 [sflag:s8], $0x0  }
0x24: {  	s3 =	sadd.s32 $0x88, s3;
	s6 =	simm.s32 @!p1 $0x1082;
	[sflag:s4] =	ssyncset.s32 $0xFFFFF086  }
0x25: {  	[simem:s6], [sflag:s4] =	dma.local [hbm:s3], $0xF7A  }
0x26: {  	[smem:$0x3F9F] =	sst s1;
	(tag) =	ssettag s2;
	_ =	strace s9  }
0x27: {  	s1 =	sld [smem:$0x3FAF]  }
0x28: {  	s2 =	sld [smem:$0x3FB0]  }
0x29: {  	s4 =	sld [smem:$0x3FB2]  }
0x2a: {  	p0 =	seq.s32 s5, $0x0;
	s5 =	sld [smem:$0x3FB3]  }
0x2b: {  	s6 =	sld [smem:$0x3FB4]  }
0x2c: {  	s7 =	sld [smem:$0x3FB5]  }
0x2d: {  	s3 =	simm.s32 $0x108;
	s8 =	sld [smem:$0x3FB6]  }
0x2e: {  	s3 =	simm.s32 @!p0 $0x1082;
	s9 =	sld [smem:$0x3FB7]  }
0x2f: {  	lr =	sadd.s32 s0, s3;
	s0 =	sld [smem:$0x3FAE]  }
0x30: {  	s3 =	sld [smem:$0x3FB1]  }
0x31: {  	[smem:$0x3FBA] =	sst s10  }
0x32: {  	s10 =	sld [smem:$0x3FB8];
	_ =	sdelay $0x3  }
0x33: {  	p0 =	seq.s32 s10, $0x1;
	s10 =	sld [smem:$0x3FBA];
	_ =	sdelay $0x3  }
0x34: {  	[smem:$0x3FBA] =	sst s10  }
0x35: {  	s10 =	sld [smem:$0x3FB9];
	_ =	sdelay $0x3  }
0x36: {  	p1 =	seq.s32 s10, $0x1;
	s10 =	sld [smem:$0x3FBA];
	_ =	sdelay $0x3  }
0x37: {  	[smem:$0x3FBA] =	sst s10  }
0x38: {  	s10 =	sld [smem:$0x3FBB]  }
0x39: {  	_ = 	snop;
	(pc) =	sbr.ind lr, $3  }
0x3a: {  	_ = 	snop  }
0x3b: {  	_ = 	snop  }
0x3c: {  	p2 =	seq.s32 s10, $0x1;
	s10 =	sld [smem:$0x3FBA]  }
0x3d: {  	_ =	shalt  }
0x3e: {  	_ =	shalt  }
0x3f: {  	_ =	shalt  }
0x40: {  	_ =	shalt  }
0x41: {  	_ =	shalt  }
0x42: {  	_ =	shalt  }
0x43: {  	_ =	shalt  }
0x44: {  	_ =	shalt  }
0x45: {  	_ =	shalt  }
0x46: {  	_ =	shalt  }
0x47: {  	_ =	shalt  }
0x48: {  	_ =	shalt  }
0x49: {  	_ =	shalt  }
0x4a: {  	_ =	shalt  }
0x4b: {  	_ =	shalt  }
0x4c: {  	_ =	shalt  }
0x4d: {  	_ =	shalt  }
0x4e: {  	_ =	shalt  }
0x4f: {  	_ =	shalt  }
0x50: {  	_ =	shalt  }
0x51: {  	_ =	shalt  }
0x52: {  	_ =	shalt  }
0x53: {  	_ =	shalt  }
0x54: {  	_ =	shalt  }
0x55: {  	_ =	shalt  }
0x56: {  	_ =	shalt  }
0x57: {  	_ =	shalt  }
0x58: {  	_ =	shalt  }
0x59: {  	_ =	shalt  }
0x5a: {  	_ =	shalt  }
0x5b: {  	_ =	shalt  }
0x5c: {  	_ =	shalt  }
0x5d: {  	_ =	shalt  }
0x5e: {  	_ =	shalt  }
0x5f: {  	_ =	shalt  }
0x60: {  	_ =	shalt  }
0x61: {  	_ =	shalt  }
0x62: {  	_ =	shalt  }
0x63: {  	_ =	shalt  }
0x64: {  	_ =	shalt  }
0x65: {  	_ =	shalt  }
0x66: {  	_ =	shalt  }
0x67: {  	_ =	shalt  }
0x68: {  	_ =	shalt  }
0x69: {  	_ =	shalt  }
0x6a: {  	_ =	shalt  }
0x6b: {  	_ =	shalt  }
0x6c: {  	_ =	shalt  }
0x6d: {  	_ =	shalt  }
0x6e: {  	_ =	shalt  }
0x6f: {  	_ =	shalt  }
0x70: {  	_ =	shalt  }
0x71: {  	_ =	shalt  }
0x72: {  	_ =	shalt  }
0x73: {  	_ =	shalt  }
0x74: {  	_ =	shalt  }
0x75: {  	_ =	shalt  }
0x76: {  	_ =	shalt  }
0x77: {  	_ =	shalt  }
0x78: {  	_ =	shalt  }
0x79: {  	_ =	shalt  }
0x7a: {  	_ =	shalt  }
0x7b: {  	_ =	shalt  }
0x7c: {  	_ =	shalt  }
0x7d: {  	_ =	shalt  }
0x7e: {  	_ =	shalt  }
0x7f: {  	_ =	shalt  }
0x80: {  	_ =	shalt  }
0x81: {  	_ =	shalt  }
0x82: {  	_ =	shalt  }
0x83: {  	_ =	shalt  }
0x84: {  	_ =	shalt  }
0x85: {  	_ =	shalt  }
0x86: {  	_ =	shalt  }
0x87: {  	_ =	shalt  }
.Lfunc_end0:
.L_simem_size_0:
called_computation.1_lowered:
.L_overlay_start_0:
0x88: {  	s2 =	sld [smem:$0x3FD9]  }
0x89: {  	s3 =	sld [smem:$0x3FFE];
	_ =	sdelay $0x1  }
0x8a: {  	s1 =	srdreg.scid  }
0x8b: {  	s0 =	sand.u32 $0x1, s1  }
0x8c: {  	s17 =	sshll.u32 s0, $0xA;
	s2 =	sadd.s32 s3, s2  }
0x8d: {  	s2 =	sadd.s32 s2, s17  }
0x8e: {  	[smem:$0x3FC6] =	sst s2  }
0x8f: {  	_ = 	snop  }
0x90: {  	s2 =	sld [smem:$0x3FC9]  }
0x91: {  	s18 =	sld [smem:$0x3FD0];
	(tm) =	ssettm $0x1  }
0x92: {  	s4 =	sld [smem:$0x3FFB];
	_ =	sdelay $0x3  }
0x93: {  	_ =	strace s4  }
0x94: {  	s4 =	sld [smem:$0x3FFC];
	_ =	sdelay $0x3  }
0x95: {  	_ =	strace s4  }
0x96: {  	s4 =	sld [smem:$0x3FFD];
	_ =	sdelay $0x3  }
0x97: {  	_ =	strace s4  }
0x98: {  	_ =	strace $0x8FFFFFFF  }
0x99: {  	s19 =	sld [smem:$0x3FDB];
	_ =	sdelay $0x1  }
0x9a: {  	s5 =	simm.s32 $_scs_section_size  }
0x9b: {  	s6 =	simm.s32 $_size__tile_overlayer_lowered;
	s7 =	simm.s32 $_tile_overlayer_lowered  }
0x9c: {  	s22 =	simm.s32 $0x1BFF;
	s21 =	sshll.u32 s7, $0x1;
	s4 =	sadd.s32 s5, s19  }
0x9d: {  	s8 =	simm.s32 $0x0;
	s20 =	sshll.u32 s6, $0x1;
	s6 =	sadd.s32 s21, s4  }
0x9e: {  	[timem:s8], [sflag:s22] =	dma.local [hbm:s6], s20  }
0x9f: {  	_ =	swait.ge [sflag:s22], s20  }
0xa0: {  	s5 =	ssub.s32 $0x0, s20;
	[sflag:s22] =	ssyncset.done $0x0  }
0xa1: {  	[sflag:s22] =	ssyncadd.s32 s5;
	_ =	sdelay $0x1  }
0xa2: {  	s23 =	simm.s32 $0x1B8B  }
0xa3: {  	_ =	swait.ge [sflag:s23], $0x1  }
0xa4: {  	[sflag:s23] =	ssyncset.done $0x0  }
0xa5: {  	s25 =	simm.s32 $0x1B8E;
	s24 =	sld [smem:$0x3FFE];
	[sflag:s23] =	ssyncadd.s32 $0xFFFFFFFF  }
0xa6: {  	s26 =	simm.s32 $execute0_lowered;
	[smem:$0x3FD2] =	sst s25  }
0xa7: {  	s6 =	sshll.u32 s26, $0x1;
	_ =	strace $0x80000046;
	[dreg:$0x1] =	wrdreg $0xFFFFFFFF  }
0xa8: {  	s28 =	simm.s32 $_size_execute0_lowered;
	s4 =	sadd.s32 s4, s6;
	[dreg:$0x0] =	wrdreg $0x0  }
0xa9: {  	s6 =	sshll.u32 s28, $0x1;
	[dreg:$0x2] =	wrdreg s4  }
0xaa: {  	[dreg:$0x3] =	wrdreg s6  }
0xab: {  	[dreg:$0x4] =	wrdreg $0xC0  }
0xac: {  	_ =	task [dreg:s8], $0x5FFFF  }
0xad: {  	[dreg:$0x1] =	wrdreg $0xFFFFFFFF  }
0xae: {  	[dreg:$0x0] =	wrdreg $0x60  }
0xaf: {  	[dreg:$0x2] =	wrdreg s2  }
0xb0: {  	[dreg:$0x3] =	wrdreg s18  }
0xb1: {  	[dreg:$0x4] =	wrdreg s24  }
0xb2: {  	[dreg:$0x5] =	wrdreg $0x9  }
0xb3: {  	_ =	task.clear_ibuf [dreg:s8], $0x6FFFF;
	_ =	strace $0x90000046  }
0xb4: {  	s29 =	simm.s32 $0x9;
	_ =	strace $0x80000048  }
0xb5: {  	_ =	swait.ge [sflag:s29], $0x1  }
0xb6: {  	[sflag:s29] =	ssyncadd.s32 $0xFFFFFFFF  }
0xb7: {  	_ =	strace $0x90000048  }
0xb8: {  	_ =	sfence  }
0xb9: {  	s30 =	sld [smem:$0x0];
	_ =	sdelay $0x2  }
0xba: {  	s31 =	sshll.u32 s1, $0xD;
	s1 =	sshrl.u32 s1, $0x2  }
0xbb: {  	s3 =	sand.u32 $0x4000, s31;
	s1 =	sadd.s32 s1, s30  }
0xbc: {  	s0 =	sor.u32 s3, s0;
	s1 =	sshll.u32 s1, $0x11  }
0xbd: {  	s0 =	sor.u32 s1, s0  }
0xbe: {  	s0 =	sadd.s32 $0x8F2B, s0  }
0xbf: {  	[sflag:s0] =	ssyncadd.remote.s32 $0x1  }
0xc0: {  	_ =	sfence.sel $0xFFFF  }
0xc1: {  	[dreg:$0x0] =	wrdreg $0xFFFFFFFF;
	(pc) =	sbr.abs _section_cstart, $3  }
0xc2: {  	[dreg:$0x1] =	wrdreg $0xFFFFFFFF  }
0xc3: {  	_ =	task.clear_ibuf [dreg:s8], $0x2FFFF;
	_ =	strace $0x9FFFFFFF  }
0xc4: {  	(tm) =	ssettm $0x7FFFFFFF  }
0xc5: {  	_ =	shalt  }
tec
execute0_lowered:
.L_overlay_start_1:
0x0: {  	(tag) =	ssettag $0x1  }
0x1: {  	s10 =	rddreg [dreg:$0x0];
	s0 =	srdreg.scid  }
0x2: {  	s1 =	rddreg [dreg:$0x1];
	s3 =	stileid.u32  }
0x3: {  	s2 =	rddreg [dreg:$0x2];
	s5 =	simm.s32 $0x0;
	s13 =	simm.s32 $0xCF80  }
0x4: {  	s0 =	sand.u32 $0x1, s0;
	s3 =	sshll.u32 s3, $0x6;
	[smem:$0x7FF] =	sst s5  }
0x5: {  	s5 =	sadd.s32 $0x800, s2;
	s9 =	sadd.s32 $0x4800, s2;
	s11 =	sadd.s32 $0x8800, s2  }
0x6: {  	s12 =	sadd.s32 $0x8810, s2;
	s14 =	sadd.s32 $0xC800, s2;
	s22 =	sadd.s32 $0x800, s10  }
0x7: {  	s25 =	sadd.s32 $0x1000, s10;
	_ =	strace $0x80000047;
	[dreg:$0xd] =	wrdreg s22  }
0x8: {  	s23 =	sadd.s32 $0x14810, s2;
	s26 =	sadd.s32 $0x1800, s10;
	[dreg:$0xe] =	wrdreg s25  }
0x9: {  	s24 =	sadd.s32 $0x18810, s2;
	s28 =	sadd.s32 $0x2000, s10;
	[dreg:$0xf] =	wrdreg s26  }
0xa: {  	s29 =	sadd.s32 $0x2800, s10;
	s30 =	sadd.s32 $0x3000, s10;
	[dreg:$0x10] =	wrdreg s28  }
0xb: {  	s31 =	sadd.s32 $0x3800, s10;
	s10 =	simm.s32 $0x8F80;
	[dreg:$0x11] =	wrdreg s29  }
0xc: {  	s4 =	sshll.u32 s0, $0x5;
	s0 =	ssub.s32 $0x2, s0;
	[dreg:$0x12] =	wrdreg s30  }
0xd: {  	[dreg:$0x13] =	wrdreg s31;
	s4 =	sor.u32 s4, s3;
	s7 =	sshrl.u32 s0, $0x1  }
0xe: {  	s3 =	sshll.u32 s4, $0x7;
	s0 =	ssub.s32 s0, s7;
	s7 =	sshll.u32 s4, $0xE  }
0xf: {  	s6 =	sshrl.u32 s3, $0x3;
	s15 =	ssub.s32 $0x23000, s3;
	s8 =	ssub.s32 $0x27000, s3  }
0x10: {  	s17 =	ssub.s32 $0x2B000, s3;
	s18 =	ssub.s32 $0x2F000, s3;
	s6 =	sxor.u32 $0x3E00, s6  }
0x11: {  	s20 =	ssub.s32 $0x33000, s3;
	s21 =	ssub.s32 $0x37000, s3;
	s6 =	sadd.s32 s1, s6  }
0x12: {  	s3 =	ssub.s32 $0x3B000, s3;
	[dreg:$0x4] =	wrdreg s6;
	s6 =	sshrl.u32 s15, $0x3  }
0x13: {  	s0 =	smax.u32 s0, $0x1;
	s16 =	sshrl.u32 s8, $0x3;
	s6 =	sadd.s32 s1, s6  }
0x14: {  	s19 =	sshrl.u32 s18, $0x3;
	[dreg:$0x5] =	wrdreg s6;
	s6 =	sadd.s32 s1, s16  }
0x15: {  	s18 =	sadd.s32 $0x10810, s2;
	[dreg:$0x6] =	wrdreg s6;
	s6 =	sshrl.u32 s17, $0x3  }
0x16: {  	s3 =	sshrl.u32 s3, $0x3;
	[dreg:$0xc] =	wrdreg s0;
	s6 =	sadd.s32 s1, s6  }
0x17: {  	s8 =	simm.s32 $0x400;
	[dreg:$0x7] =	wrdreg s6;
	s6 =	sadd.s32 s1, s19  }
0x18: {  	s15 =	sadd.s32 $0xC810, s2;
	[dreg:$0x8] =	wrdreg s6;
	s6 =	sshrl.u32 s20, $0x3  }
0x19: {  	s16 =	simm.s32 $0x1;
	s17 =	sadd.s32 $0x10800, s2;
	s6 =	sadd.s32 s1, s6  }
0x1a: {  	s19 =	simm.s32 $0x2;
	[dreg:$0x9] =	wrdreg s6;
	s6 =	sshrl.u32 s21, $0x3  }
0x1b: {  	s20 =	sadd.s32 $0x14800, s2;
	s21 =	simm.s32 $0x0;
	s6 =	sadd.s32 s1, s6  }
0x1c: {  	s1 =	sadd.s32 s1, s3;
	s3 =	simm.s32 $0x3;
	[dreg:$0xa] =	wrdreg s6  }
0x1d: {  	[dreg:$0xb] =	wrdreg s1;
	s1 =	simm.s32 $0x4F80;
	s6 =	simm.s32 $0x80  }
.LBB2_1:
0x1e: {  	s0 =	rddreg [dreg:$0x0];
	s2 =	simm.s32 $0x0  }
0x1f: {  	[tilespmem:s1], [sflag:$0x3] =	stream.linear.gather [hbm4b:s0+s2], $0x4000, $0x38;
	[tilespmem:$0x10F80] =	vst v63  }
0x20: {  	_ =	swait.ge [sflag:s3], $0x4000  }
0x21: {  	[sflag:s3] =	ssyncset.done $0x0  }
0x22: {  	s31 =	rddreg [dreg:$0x4];
	[sflag:s3] =	ssyncadd.s32 $0xFFFFC000  }
0x23: {  	[tilespmem:s2], [sflag:$0x3] =	stream.linear.gather [hbm4b:s31+s2], $0x4F80, $0x38;
	[tilespmem:$0x10F80] =	vst v63  }
0x24: {  	_ =	swait.ge [sflag:s3], $0x4F80  }
0x25: {  	s22 =	simm.s32 $0x1070;
	[sflag:s3] =	ssyncset.done $0x0  }
0x26: {  	s25 =	simm.s32 $0xFF0;
	s26 =	simm.s32 $0x0;
	[sflag:s3] =	ssyncadd.s32 $0xFFFFB080  }
.LBB2_2:
0x27: {  	p0 =	seq.s32 s26, $0x0  }
0x28: {  	s0 =	simm.s32 @!p0 $0x1  }
0x29: {  	_ =	swait.ge @!p0 [sflag:s0], $0x4000  }
0x2a: {  	[sflag:s0] =	ssyncset.done @!p0 $0x0  }
0x2b: {  	[sflag:s0] =	ssyncadd.s32 @!p0 $0xFFFFC000  }
0x2c: {  	s28 =	simm.s32 $0x5000;
	v1 =	vld [tilespmem:s22+$0x0]  }
0x2d: {  	v2 =	vld [tilespmem:s28+$0x70]  }
0x2e: {  	v0 =	vld [tilespmem:s28+$0xFFFFFF80]  }
0x2f: {  	v3 =	vld [tilespmem:s22+$0xFFFFFF20]  }
0x30: {  	v4 =	vld [tilespmem:s28+$0xFFFFFF90]  }
0x31: {  	v5 =	vld [tilespmem:s22+$0xFFFFFF30]  }
0x32: {  	v6 =	vld [tilespmem:s28+$0xFFFFFFA0]  }
0x33: {  	v7 =	vld [tilespmem:s22+$0xFFFFFF40]  }
0x34: {  	v8 =	vld [tilespmem:s28+$0xFFFFFFB0]  }
0x35: {  	v9 =	vld [tilespmem:s22+$0xFFFFFF50]  }
0x36: {  	v10 =	vld [tilespmem:s28+$0xFFFFFFC0]  }
0x37: {  	v11 =	vld [tilespmem:s22+$0xFFFFFF60]  }
0x38: {  	v12 =	vld [tilespmem:s28+$0xFFFFFFD0]  }
0x39: {  	v13 =	vld [tilespmem:s22+$0xFFFFFF70]  }
0x3a: {  	v14 =	vld [tilespmem:s28+$0xFFFFFFE0]  }
0x3b: {  	v15 =	vld [tilespmem:s22+$0xFFFFFF80]  }
0x3c: {  	v16 =	vld [tilespmem:s28+$0xFFFFFFF0]  }
0x3d: {  	v17 =	vld [tilespmem:s22+$0xFFFFFF90]  }
0x3e: {  	v61 =	vld [tilespmem:s28+$0x30];
	v1 =	vadd.f32 v2, v1  }
0x3f: {  	s30 =	simm.s32 $0x9000;
	v2 =	vld [tilespmem:s28+$0x0];
	v3 =	vadd.f32 v4, v3  }
0x40: {  	v4 =	vld [tilespmem:s22+$0xFFFFFFA0];
	[tilespmem:s30+$0x70] =	vst v1;
	v1 =	vadd.f32 v6, v5  }
0x41: {  	v5 =	vld [tilespmem:s28+$0x10];
	[tilespmem:s30+$0xFFFFFF90] =	vst v3;
	v3 =	vadd.f32 v8, v7  }
0x42: {  	v6 =	vld [tilespmem:s22+$0xFFFFFFB0];
	[tilespmem:s30+$0xFFFFFFA0] =	vst v1;
	v1 =	vadd.f32 v10, v9  }
0x43: {  	v7 =	vld [tilespmem:s28+$0x20];
	[tilespmem:s30+$0xFFFFFFB0] =	vst v3;
	v3 =	vadd.f32 v12, v11  }
0x44: {  	v8 =	vld [tilespmem:s22+$0xFFFFFFC0];
	[tilespmem:s30+$0xFFFFFFC0] =	vst v1;
	v1 =	vadd.f32 v14, v13  }
0x45: {  	v62 =	vld [tilespmem:s22+$0xFFFFFFD0];
	[tilespmem:s30+$0xFFFFFFD0] =	vst v3;
	v3 =	vadd.f32 v16, v15  }
0x46: {  	v63 =	vld [tilespmem:s28+$0x40];
	v2 =	vadd.f32 v2, v17;
	[tilespmem:s30+$0xFFFFFFE0] =	vst v1  }
0x47: {  	[tilespmem:s30+$0xFFFFFFF0] =	vst v3;
	v3 =	vadd.f32 v5, v4;
	v1 =	vld [tilespmem:s22+$0xFFFFFFE0]  }
0x48: {  	[tilespmem:s30+$0x0] =	vst v2;
	v5 =	vadd.f32 v7, v6;
	v4 =	vld [tilespmem:s28+$0x50]  }
0x49: {  	v2 =	vld [tilespmem:s22+$0xFFFFFFF0];
	v6 =	vadd.f32 v61, v8;
	[tilespmem:s30+$0x10] =	vst v3  }
0x4a: {  	[tilespmem:s30+$0x20] =	vst v5;
	v5 =	vld [tilespmem:s28+$0x60]  }
0x4b: {  	s29 =	simm.s32 $0x0;
	s2 =	sadd.s32 $0x100, s22;
	v3 =	vld [tilespmem:s22+$0xFFFFFF10];
	[tilespmem:s30+$0x30] =	vst v6;
	v6 =	vadd.f32 v63, v62  }
.LBB2_3:
0x4c: {  	v7 =	vld [tilespmem:s2+$0x0];
	s28 =	sadd.s32 $0x100, s28  }
0x4d: {  	s29 =	sadd.s32 $0x100, s29;
	v8 =	vld [tilespmem:s28+$0x70];
	[tilespmem:s30+$0x40] =	vst v6;
	v1 =	vadd.f32 v4, v1  }
0x4e: {  	p1 =	slt.u32 s29, $0x3F00;
	v4 =	vld [tilespmem:s28+$0xFFFFFF80]  }
0x4f: {  	v6 =	vld [tilespmem:s2+$0xFFFFFF20];
	[tilespmem:s30+$0x50] =	vst v1;
	v1 =	vadd.f32 v5, v2  }
0x50: {  	v2 =	vld [tilespmem:s28+$0xFFFFFF90];
	v9 =	vadd.f32 v0, v3  }
0x51: {  	v3 =	vld [tilespmem:s2+$0xFFFFFF30];
	[tilespmem:s30+$0x60] =	vst v1  }
0x52: {  	v1 =	vld [tilespmem:s28+$0xFFFFFFA0];
	v5 =	vadd.f32 v8, v7;
	[tilespmem:s30+$0xFFFFFF80] =	vst v9  }
0x53: {  	s30 =	sadd.s32 $0x100, s30;
	v7 =	vld [tilespmem:s2+$0xFFFFFF40];
	v0 =	vmov v4  }
0x54: {  	v4 =	vld [tilespmem:s28+$0xFFFFFFB0];
	[tilespmem:s30+$0x70] =	vst v5  }
0x55: {  	v2 =	vadd.f32 v2, v6;
	v5 =	vld [tilespmem:s2+$0xFFFFFF50]  }
0x56: {  	v6 =	vld [tilespmem:s28+$0xFFFFFFC0]  }
0x57: {  	[tilespmem:s30+$0xFFFFFF90] =	vst v2;
	v1 =	vadd.f32 v1, v3;
	v2 =	vld [tilespmem:s2+$0xFFFFFF60]  }
0x58: {  	v3 =	vld [tilespmem:s28+$0xFFFFFFD0]  }
0x59: {  	[tilespmem:s30+$0xFFFFFFA0] =	vst v1;
	v1 =	vadd.f32 v4, v7;
	v4 =	vld [tilespmem:s2+$0xFFFFFF70]  }
0x5a: {  	v7 =	vld [tilespmem:s28+$0xFFFFFFE0]  }
0x5b: {  	[tilespmem:s30+$0xFFFFFFB0] =	vst v1;
	v1 =	vadd.f32 v6, v5;
	v5 =	vld [tilespmem:s2+$0xFFFFFF80]  }
0x5c: {  	v6 =	vld [tilespmem:s28+$0xFFFFFFF0]  }
0x5d: {  	[tilespmem:s30+$0xFFFFFFC0] =	vst v1;
	v1 =	vadd.f32 v3, v2;
	v2 =	vld [tilespmem:s2+$0xFFFFFF90]  }
0x5e: {  	v3 =	vld [tilespmem:s28+$0x0]  }
0x5f: {  	[tilespmem:s30+$0xFFFFFFD0] =	vst v1;
	v1 =	vadd.f32 v7, v4;
	v4 =	vld [tilespmem:s2+$0xFFFFFFA0]  }
0x60: {  	v7 =	vld [tilespmem:s28+$0x10]  }
0x61: {  	[tilespmem:s30+$0xFFFFFFE0] =	vst v1;
	v1 =	vadd.f32 v6, v5;
	v5 =	vld [tilespmem:s2+$0xFFFFFFB0]  }
0x62: {  	v6 =	vld [tilespmem:s28+$0x20]  }
0x63: {  	[tilespmem:s30+$0xFFFFFFF0] =	vst v1;
	v1 =	vadd.f32 v3, v2;
	v2 =	vld [tilespmem:s2+$0xFFFFFFC0]  }
0x64: {  	v3 =	vld [tilespmem:s28+$0x30]  }
0x65: {  	[tilespmem:s30+$0x0] =	vst v1;
	v1 =	vadd.f32 v7, v4;
	v7 =	vld [tilespmem:s2+$0xFFFFFFD0]  }
0x66: {  	v8 =	vld [tilespmem:s28+$0x40]  }
.Ltmp0:
0x67: {  	[tilespmem:s30+$0x10] =	vst v1;
	v5 =	vadd.f32 v6, v5;
	v1 =	vld [tilespmem:s2+$0xFFFFFFE0];
	(pc) =	sbr.rel @p1 .LBB2_3-.Ltmp0, $4  }
0x68: {  	v4 =	vld [tilespmem:s28+$0x50]  }
0x69: {  	[tilespmem:s30+$0x20] =	vst v5;
	v6 =	vadd.f32 v3, v2;
	v2 =	vld [tilespmem:s2+$0xFFFFFFF0]  }
0x6a: {  	v5 =	vld [tilespmem:s28+$0x60]  }
0x6b: {  	v3 =	vld [tilespmem:s2+$0xFFFFFF10];
	[tilespmem:s30+$0x30] =	vst v6;
	v6 =	vadd.f32 v8, v7;
	s2 =	sadd.s32 $0x100, s2  }
0x6c: {  	_ =	sdelay $0x1  }
0x6d: {  	v1 =	vadd.f32 v4, v1  }
0x6e: {  	s0 =	sshll.u32 s26, $0xF;
	s2 =	sshll.u32 s26, $0x5;
	[tilespmem:s30+$0x40] =	vst v6;
	v2 =	vadd.f32 v5, v2  }
0x6f: {  	s0 =	sand.u32 $0x60000, s0;
	s29 =	sand.u32 $0x60, s2;
	[tilespmem:s30+$0x50] =	vst v1;
	v0 =	vadd.f32 v0, v3  }
0x70: {  	s28 =	sor.u32 s7, s0;
	s2 =	sadd.s32 s5, s29;
	[tilespmem:s30+$0x60] =	vst v2  }
0x71: {  	s0 =	sadd.s32 s28, s2;
	[tilespmem:s30+$0xFFFFFF80] =	vst v0  }
0x72: {  	[hbm4b:s0+s6] =	stream.strided.scatter [tilespmem:s10], [sflag:$0x1], $0x4000, s8, s6, $0x38;
	[tilespmem:$0x10F80] =	vst v63  }
0x73: {  	s0 =	simm.s32 @!p0 $0x2  }
0x74: {  	_ =	swait.ge @!p0 [sflag:s0], $0x4000  }
0x75: {  	[sflag:s0] =	ssyncset.done @!p0 $0x0  }
0x76: {  	[sflag:s0] =	ssyncadd.s32 @!p0 $0xFFFFC000  }
0x77: {  	s30 =	simm.s32 $0x5000;
	v1 =	vld [tilespmem:s25+$0x0]  }
0x78: {  	v2 =	vld [tilespmem:s30+$0x70]  }
0x79: {  	v0 =	vld [tilespmem:s30+$0xFFFFFF80]  }
0x7a: {  	v3 =	vld [tilespmem:s25+$0xFFFFFF20]  }
0x7b: {  	v4 =	vld [tilespmem:s30+$0xFFFFFF90]  }
0x7c: {  	v5 =	vld [tilespmem:s25+$0xFFFFFF30]  }
0x7d: {  	v6 =	vld [tilespmem:s30+$0xFFFFFFA0]  }
0x7e: {  	v7 =	vld [tilespmem:s25+$0xFFFFFF40]  }
0x7f: {  	v8 =	vld [tilespmem:s30+$0xFFFFFFB0]  }
0x80: {  	v9 =	vld [tilespmem:s25+$0xFFFFFF50]  }
0x81: {  	v10 =	vld [tilespmem:s30+$0xFFFFFFC0]  }
0x82: {  	v11 =	vld [tilespmem:s25+$0xFFFFFF60]  }
0x83: {  	v12 =	vld [tilespmem:s30+$0xFFFFFFD0]  }
0x84: {  	v13 =	vld [tilespmem:s25+$0xFFFFFF70]  }
0x85: {  	v14 =	vld [tilespmem:s30+$0xFFFFFFE0]  }
0x86: {  	v15 =	vld [tilespmem:s25+$0xFFFFFF80]  }
0x87: {  	v16 =	vld [tilespmem:s30+$0xFFFFFFF0]  }
0x88: {  	v17 =	vld [tilespmem:s25+$0xFFFFFF90]  }
0x89: {  	v61 =	vld [tilespmem:s30+$0x30];
	v1 =	vadd.f32 v2, v1  }
0x8a: {  	s31 =	simm.s32 $0xD000;
	v2 =	vld [tilespmem:s30+$0x0];
	v3 =	vadd.f32 v4, v3  }
0x8b: {  	v4 =	vld [tilespmem:s25+$0xFFFFFFA0];
	[tilespmem:s31+$0x70] =	vst v1;
	v1 =	vadd.f32 v6, v5  }
0x8c: {  	v5 =	vld [tilespmem:s30+$0x10];
	[tilespmem:s31+$0xFFFFFF90] =	vst v3;
	v3 =	vadd.f32 v8, v7  }
0x8d: {  	v6 =	vld [tilespmem:s25+$0xFFFFFFB0];
	[tilespmem:s31+$0xFFFFFFA0] =	vst v1;
	v1 =	vadd.f32 v10, v9  }
0x8e: {  	v7 =	vld [tilespmem:s30+$0x20];
	[tilespmem:s31+$0xFFFFFFB0] =	vst v3;
	v3 =	vadd.f32 v12, v11  }
0x8f: {  	v8 =	vld [tilespmem:s25+$0xFFFFFFC0];
	v2 =	vadd.f32 v2, v17;
	[tilespmem:s31+$0xFFFFFFC0] =	vst v1  }
0x90: {  	v62 =	vld [tilespmem:s25+$0xFFFFFFD0];
	v1 =	vadd.f32 v14, v13;
	[tilespmem:s31+$0xFFFFFFD0] =	vst v3  }
0x91: {  	v63 =	vld [tilespmem:s30+$0x40];
	v3 =	vadd.f32 v16, v15;
	[tilespmem:s31+$0x0] =	vst v2  }
0x92: {  	v4 =	vadd.f32 v5, v4;
	[tilespmem:s31+$0xFFFFFFE0] =	vst v1;
	v1 =	vld [tilespmem:s25+$0xFFFFFFE0]  }
0x93: {  	v5 =	vadd.f32 v7, v6;
	[tilespmem:s31+$0xFFFFFFF0] =	vst v3;
	v3 =	vld [tilespmem:s30+$0x50]  }
0x94: {  	v6 =	vadd.f32 v61, v8;
	v2 =	vld [tilespmem:s25+$0xFFFFFFF0];
	[tilespmem:s31+$0x10] =	vst v4  }
0x95: {  	[tilespmem:s31+$0x20] =	vst v5;
	v5 =	vld [tilespmem:s30+$0x60]  }
0x96: {  	s2 =	simm.s32 $0x0;
	s0 =	sadd.s32 $0x100, s25;
	v4 =	vld [tilespmem:s25+$0xFFFFFF10];
	[tilespmem:s31+$0x30] =	vst v6;
	v6 =	vadd.f32 v63, v62  }
.LBB2_5:
0x97: {  	v7 =	vld [tilespmem:s0+$0x0];
	s30 =	sadd.s32 $0x100, s30  }
0x98: {  	s2 =	sadd.s32 $0x100, s2;
	v8 =	vld [tilespmem:s30+$0x70];
	[tilespmem:s31+$0x40] =	vst v6;
	v1 =	vadd.f32 v3, v1  }
0x99: {  	p0 =	slt.u32 s2, $0x3F00;
	v3 =	vld [tilespmem:s30+$0xFFFFFF80]  }
0x9a: {  	v6 =	vld [tilespmem:s0+$0xFFFFFF20];
	[tilespmem:s31+$0x50] =	vst v1;
	v1 =	vadd.f32 v5, v2  }
0x9b: {  	v2 =	vld [tilespmem:s30+$0xFFFFFF90];
	v9 =	vadd.f32 v0, v4  }
0x9c: {  	v4 =	vld [tilespmem:s0+$0xFFFFFF30];
	[tilespmem:s31+$0x60] =	vst v1  }
0x9d: {  	v1 =	vld [tilespmem:s30+$0xFFFFFFA0];
	v5 =	vadd.f32 v8, v7;
	[tilespmem:s31+$0xFFFFFF80] =	vst v9  }
0x9e: {  	s31 =	sadd.s32 $0x100, s31;
	v7 =	vld [tilespmem:s0+$0xFFFFFF40];
	v0 =	vmov v3  }
0x9f: {  	v3 =	vld [tilespmem:s30+$0xFFFFFFB0];
	[tilespmem:s31+$0x70] =	vst v5  }
0xa0: {  	v2 =	vadd.f32 v2, v6;
	v5 =	vld [tilespmem:s0+$0xFFFFFF50]  }
0xa1: {  	v6 =	vld [tilespmem:s30+$0xFFFFFFC0]  }
0xa2: {  	[tilespmem:s31+$0xFFFFFF90] =	vst v2;
	v1 =	vadd.f32 v1, v4;
	v2 =	vld [tilespmem:s0+$0xFFFFFF60]  }
0xa3: {  	v4 =	vld [tilespmem:s30+$0xFFFFFFD0]  }
0xa4: {  	[tilespmem:s31+$0xFFFFFFA0] =	vst v1;
	v1 =	vadd.f32 v3, v7;
	v3 =	vld [tilespmem:s0+$0xFFFFFF70]  }
0xa5: {  	v7 =	vld [tilespmem:s30+$0xFFFFFFE0]  }
0xa6: {  	[tilespmem:s31+$0xFFFFFFB0] =	vst v1;
	v1 =	vadd.f32 v6, v5;
	v5 =	vld [tilespmem:s0+$0xFFFFFF80]  }
0xa7: {  	v6 =	vld [tilespmem:s30+$0xFFFFFFF0]  }
0xa8: {  	[tilespmem:s31+$0xFFFFFFC0] =	vst v1;
	v1 =	vadd.f32 v4, v2;
	v2 =	vld [tilespmem:s0+$0xFFFFFF90]  }
0xa9: {  	v4 =	vld [tilespmem:s30+$0x0]  }
0xaa: {  	[tilespmem:s31+$0xFFFFFFD0] =	vst v1;
	v1 =	vadd.f32 v7, v3;
	v3 =	vld [tilespmem:s0+$0xFFFFFFA0]  }
0xab: {  	v7 =	vld [tilespmem:s30+$0x10]  }
0xac: {  	[tilespmem:s31+$0xFFFFFFE0] =	vst v1;
	v1 =	vadd.f32 v6, v5;
	v5 =	vld [tilespmem:s0+$0xFFFFFFB0]  }
0xad: {  	v6 =	vld [tilespmem:s30+$0x20]  }
0xae: {  	[tilespmem:s31+$0xFFFFFFF0] =	vst v1;
	v1 =	vadd.f32 v4, v2;
	v2 =	vld [tilespmem:s0+$0xFFFFFFC0]  }
0xaf: {  	v4 =	vld [tilespmem:s30+$0x30]  }
0xb0: {  	[tilespmem:s31+$0x0] =	vst v1;
	v1 =	vadd.f32 v7, v3;
	v7 =	vld [tilespmem:s0+$0xFFFFFFD0]  }
0xb1: {  	v8 =	vld [tilespmem:s30+$0x40]  }
.Ltmp1:
0xb2: {  	[tilespmem:s31+$0x10] =	vst v1;
	v5 =	vadd.f32 v6, v5;
	v1 =	vld [tilespmem:s0+$0xFFFFFFE0];
	(pc) =	sbr.rel @p0 .LBB2_5-.Ltmp1, $4  }
0xb3: {  	v3 =	vld [tilespmem:s30+$0x50]  }
0xb4: {  	[tilespmem:s31+$0x20] =	vst v5;
	v6 =	vadd.f32 v4, v2;
	v2 =	vld [tilespmem:s0+$0xFFFFFFF0]  }
0xb5: {  	v5 =	vld [tilespmem:s30+$0x60]  }
0xb6: {  	v4 =	vld [tilespmem:s0+$0xFFFFFF10];
	[tilespmem:s31+$0x30] =	vst v6;
	v6 =	vadd.f32 v8, v7;
	s0 =	sadd.s32 $0x100, s0  }
0xb7: {  	_ = 	snop  }
0xb8: {  	s26 =	sadd.s32 $0x1, s26  }
0xb9: {  	v1 =	vadd.f32 v3, v1;
	p0 =	sne.s32 s26, $0x10  }
.Ltmp2:
0xba: {  	[tilespmem:s31+$0x40] =	vst v6;
	v2 =	vadd.f32 v5, v2;
	(pc) =	sbr.rel @p0 .LBB2_2-.Ltmp2, $4  }
0xbb: {  	s0 =	sadd.s32 s29, s5;
	[tilespmem:s31+$0x50] =	vst v1;
	v0 =	vadd.f32 v0, v4  }
0xbc: {  	s0 =	sadd.s32 s28, s0;
	[tilespmem:s31+$0x60] =	vst v2  }
0xbd: {  	s22 =	sadd.s32 $0xFFFFFF00, s22;
	s25 =	sadd.s32 $0xFFFFFF00, s25;
	s0 =	sadd.s32 $0x10, s0;
	[tilespmem:s31+$0xFFFFFF80] =	vst v0  }
0xbe: {  	[hbm4b:s0+s6] =	stream.strided.scatter [tilespmem:s13], [sflag:$0x2], $0x4000, s8, s6, $0x38;
	[tilespmem:$0x10F80] =	vst v63  }
0xbf: {  	_ =	swait.ge [sflag:s16], $0x4000  }
0xc0: {  	[sflag:s16] =	ssyncset.done $0x0  }
0xc1: {  	[sflag:s16] =	ssyncadd.s32 $0xFFFFC000  }
0xc2: {  	_ =	swait.ge [sflag:s19], $0x4000  }
0xc3: {  	[sflag:s19] =	ssyncset.done $0x0  }
0xc4: {  	s22 =	simm.s32 $0x0;
	s0 =	rddreg [dreg:$0xd];
	[sflag:s19] =	ssyncadd.s32 $0xFFFFC000  }
0xc5: {  	[tilespmem:s1], [sflag:$0x3] =	stream.linear.gather [hbm4b:s0+s22], $0x4000, $0x38;
	[tilespmem:$0x10F80] =	vst v63  }
0xc6: {  	_ =	swait.ge [sflag:s3], $0x4000  }
0xc7: {  	[sflag:s3] =	ssyncset.done $0x0  }
0xc8: {  	s31 =	rddreg [dreg:$0x5];
	[sflag:s3] =	ssyncadd.s32 $0xFFFFC000  }
0xc9: {  	[tilespmem:s22], [sflag:$0x3] =	stream.linear.gather [hbm4b:s31+s22], $0x4F80, $0x38;
	[tilespmem:$0x10F80] =	vst v63  }
0xca: {  	_ =	swait.ge [sflag:s3], $0x4F80  }
0xcb: {  	[sflag:s3] =	ssyncset.done $0x0  }
0xcc: {  	s25 =	simm.s32 $0x1070;
	s26 =	simm.s32 $0xFF0;
	[sflag:s3] =	ssyncadd.s32 $0xFFFFB080  }
.LBB2_8:
0xcd: {  	p0 =	seq.s32 s22, $0x0  }
0xce: {  	s0 =	simm.s32 @!p0 $0x1  }
0xcf: {  	_ =	swait.ge @!p0 [sflag:s0], $0x4000  }
0xd0: {  	[sflag:s0] =	ssyncset.done @!p0 $0x0  }
0xd1: {  	[sflag:s0] =	ssyncadd.s32 @!p0 $0xFFFFC000  }
0xd2: {  	s29 =	simm.s32 $0x5000;
	v1 =	vld [tilespmem:s25+$0x0]  }
0xd3: {  	v2 =	vld [tilespmem:s29+$0x70]  }
0xd4: {  	v0 =	vld [tilespmem:s29+$0xFFFFFF80]  }
0xd5: {  	v3 =	vld [tilespmem:s25+$0xFFFFFF20]  }
0xd6: {  	v4 =	vld [tilespmem:s29+$0xFFFFFF90]  }
0xd7: {  	v5 =	vld [tilespmem:s25+$0xFFFFFF30]  }
0xd8: {  	v6 =	vld [tilespmem:s29+$0xFFFFFFA0]  }
0xd9: {  	v7 =	vld [tilespmem:s25+$0xFFFFFF40]  }
0xda: {  	v8 =	vld [tilespmem:s29+$0xFFFFFFB0]  }
0xdb: {  	v9 =	vld [tilespmem:s25+$0xFFFFFF50]  }
0xdc: {  	v10 =	vld [tilespmem:s29+$0xFFFFFFC0]  }
0xdd: {  	v11 =	vld [tilespmem:s25+$0xFFFFFF60]  }
0xde: {  	v12 =	vld [tilespmem:s29+$0xFFFFFFD0]  }
0xdf: {  	v13 =	vld [tilespmem:s25+$0xFFFFFF70]  }
0xe0: {  	v14 =	vld [tilespmem:s29+$0xFFFFFFE0]  }
0xe1: {  	v15 =	vld [tilespmem:s25+$0xFFFFFF80]  }
0xe2: {  	v16 =	vld [tilespmem:s29+$0xFFFFFFF0]  }
0xe3: {  	v17 =	vld [tilespmem:s25+$0xFFFFFF90]  }
0xe4: {  	v61 =	vld [tilespmem:s29+$0x30];
	v1 =	vadd.f32 v2, v1  }
0xe5: {  	s30 =	simm.s32 $0x9000;
	v2 =	vld [tilespmem:s29+$0x0];
	v3 =	vadd.f32 v4, v3  }
0xe6: {  	v4 =	vld [tilespmem:s25+$0xFFFFFFA0];
	[tilespmem:s30+$0x70] =	vst v1;
	v1 =	vadd.f32 v6, v5  }
0xe7: {  	v5 =	vld [tilespmem:s29+$0x10];
	[tilespmem:s30+$0xFFFFFF90] =	vst v3;
	v3 =	vadd.f32 v8, v7  }
0xe8: {  	v6 =	vld [tilespmem:s25+$0xFFFFFFB0];
	[tilespmem:s30+$0xFFFFFFA0] =	vst v1;
	v1 =	vadd.f32 v10, v9  }
0xe9: {  	v7 =	vld [tilespmem:s29+$0x20];
	[tilespmem:s30+$0xFFFFFFB0] =	vst v3;
	v3 =	vadd.f32 v12, v11  }
0xea: {  	v8 =	vld [tilespmem:s25+$0xFFFFFFC0];
	[tilespmem:s30+$0xFFFFFFC0] =	vst v1;
	v1 =	vadd.f32 v14, v13  }
0xeb: {  	v62 =	vld [tilespmem:s25+$0xFFFFFFD0];
	[tilespmem:s30+$0xFFFFFFD0] =	vst v3;
	v3 =	vadd.f32 v16, v15  }
0xec: {  	v63 =	vld [tilespmem:s29+$0x40];
	v2 =	vadd.f32 v2, v17;
	[tilespmem:s30+$0xFFFFFFE0] =	vst v1  }
0xed: {  	[tilespmem:s30+$0xFFFFFFF0] =	vst v3;
	v3 =	vadd.f32 v5, v4;
	v1 =	vld [tilespmem:s25+$0xFFFFFFE0]  }
0xee: {  	[tilespmem:s30+$0x0] =	vst v2;
	v5 =	vadd.f32 v7, v6;
	v4 =	vld [tilespmem:s29+$0x50]  }
0xef: {  	v2 =	vld [tilespmem:s25+$0xFFFFFFF0];
	v6 =	vadd.f32 v61, v8;
	[tilespmem:s30+$0x10] =	vst v3  }
0xf0: {  	[tilespmem:s30+$0x20] =	vst v5;
	v5 =	vld [tilespmem:s29+$0x60]  }
0xf1: {  	s28 =	sshll.u32 s22, $0x1;
	s2 =	simm.s32 $0x0;
	s0 =	sadd.s32 $0x100, s25;
	v3 =	vld [tilespmem:s25+$0xFFFFFF10];
	[tilespmem:s30+$0x30] =	vst v6;
	v6 =	vadd.f32 v63, v62  }
.LBB2_9:
0xf2: {  	v7 =	vld [tilespmem:s0+$0x0];
	s29 =	sadd.s32 $0x100, s29  }
0xf3: {  	s2 =	sadd.s32 $0x100, s2;
	v8 =	vld [tilespmem:s29+$0x70];
	[tilespmem:s30+$0x40] =	vst v6;
	v1 =	vadd.f32 v4, v1  }
0xf4: {  	p1 =	slt.u32 s2, $0x3F00;
	v4 =	vld [tilespmem:s29+$0xFFFFFF80]  }
0xf5: {  	v6 =	vld [tilespmem:s0+$0xFFFFFF20];
	[tilespmem:s30+$0x50] =	vst v1;
	v1 =	vadd.f32 v5, v2  }
0xf6: {  	v2 =	vld [tilespmem:s29+$0xFFFFFF90];
	v9 =	vadd.f32 v0, v3  }
0xf7: {  	v3 =	vld [tilespmem:s0+$0xFFFFFF30];
	[tilespmem:s30+$0x60] =	vst v1  }
0xf8: {  	v1 =	vld [tilespmem:s29+$0xFFFFFFA0];
	v5 =	vadd.f32 v8, v7;
	[tilespmem:s30+$0xFFFFFF80] =	vst v9  }
0xf9: {  	s30 =	sadd.s32 $0x100, s30;
	v7 =	vld [tilespmem:s0+$0xFFFFFF40];
	v0 =	vmov v4  }
0xfa: {  	v4 =	vld [tilespmem:s29+$0xFFFFFFB0];
	[tilespmem:s30+$0x70] =	vst v5  }
0xfb: {  	v2 =	vadd.f32 v2, v6;
	v5 =	vld [tilespmem:s0+$0xFFFFFF50]  }
0xfc: {  	v6 =	vld [tilespmem:s29+$0xFFFFFFC0]  }
0xfd: {  	[tilespmem:s30+$0xFFFFFF90] =	vst v2;
	v1 =	vadd.f32 v1, v3;
	v2 =	vld [tilespmem:s0+$0xFFFFFF60]  }
0xfe: {  	v3 =	vld [tilespmem:s29+$0xFFFFFFD0]  }
0xff: {  	[tilespmem:s30+$0xFFFFFFA0] =	vst v1;
	v1 =	vadd.f32 v4, v7;
	v4 =	vld [tilespmem:s0+$0xFFFFFF70]  }
0x100: {  	v7 =	vld [tilespmem:s29+$0xFFFFFFE0]  }
0x101: {  	[tilespmem:s30+$0xFFFFFFB0] =	vst v1;
	v1 =	vadd.f32 v6, v5;
	v5 =	vld [tilespmem:s0+$0xFFFFFF80]  }
0x102: {  	v6 =	vld [tilespmem:s29+$0xFFFFFFF0]  }
0x103: {  	[tilespmem:s30+$0xFFFFFFC0] =	vst v1;
	v1 =	vadd.f32 v3, v2;
	v2 =	vld [tilespmem:s0+$0xFFFFFF90]  }
0x104: {  	v3 =	vld [tilespmem:s29+$0x0]  }
0x105: {  	[tilespmem:s30+$0xFFFFFFD0] =	vst v1;
	v1 =	vadd.f32 v7, v4;
	v4 =	vld [tilespmem:s0+$0xFFFFFFA0]  }
0x106: {  	v7 =	vld [tilespmem:s29+$0x10]  }
0x107: {  	[tilespmem:s30+$0xFFFFFFE0] =	vst v1;
	v1 =	vadd.f32 v6, v5;
	v5 =	vld [tilespmem:s0+$0xFFFFFFB0]  }
0x108: {  	v6 =	vld [tilespmem:s29+$0x20]  }
0x109: {  	[tilespmem:s30+$0xFFFFFFF0] =	vst v1;
	v1 =	vadd.f32 v3, v2;
	v2 =	vld [tilespmem:s0+$0xFFFFFFC0]  }
0x10a: {  	v3 =	vld [tilespmem:s29+$0x30]  }
0x10b: {  	[tilespmem:s30+$0x0] =	vst v1;
	v1 =	vadd.f32 v7, v4;
	v7 =	vld [tilespmem:s0+$0xFFFFFFD0]  }
0x10c: {  	v8 =	vld [tilespmem:s29+$0x40]  }
.Ltmp3:
0x10d: {  	[tilespmem:s30+$0x10] =	vst v1;
	v5 =	vadd.f32 v6, v5;
	v1 =	vld [tilespmem:s0+$0xFFFFFFE0];
	(pc) =	sbr.rel @p1 .LBB2_9-.Ltmp3, $4  }
0x10e: {  	v4 =	vld [tilespmem:s29+$0x50]  }
0x10f: {  	[tilespmem:s30+$0x20] =	vst v5;
	v6 =	vadd.f32 v3, v2;
	v2 =	vld [tilespmem:s0+$0xFFFFFFF0]  }
0x110: {  	v5 =	vld [tilespmem:s29+$0x60]  }
0x111: {  	v3 =	vld [tilespmem:s0+$0xFFFFFF10];
	[tilespmem:s30+$0x30] =	vst v6;
	v6 =	vadd.f32 v8, v7;
	s0 =	sadd.s32 $0x100, s0  }
0x112: {  	_ =	sdelay $0x1  }
0x113: {  	s0 =	sadd.s32 s4, s28;
	v1 =	vadd.f32 v4, v1  }
0x114: {  	s2 =	sshll.u32 s22, $0x5;
	[tilespmem:s30+$0x40] =	vst v6;
	s0 =	sshll.u32 s0, $0xE;
	v2 =	vadd.f32 v5, v2  }
0x115: {  	s2 =	sand.u32 $0x60, s2;
	s0 =	sand.u32 $0xFE0000, s0;
	[tilespmem:s30+$0x50] =	vst v1;
	v0 =	vadd.f32 v0, v3  }
0x116: {  	s0 =	sor.u32 s0, s2;
	[tilespmem:s30+$0x60] =	vst v2  }
0x117: {  	s0 =	sadd.s32 s0, s9;
	[tilespmem:s30+$0xFFFFFF80] =	vst v0  }
0x118: {  	[hbm4b:s0+s6] =	stream.strided.scatter [tilespmem:s10], [sflag:$0x1], $0x4000, s8, s6, $0x38;
	[tilespmem:$0x10F80] =	vst v63  }
0x119: {  	s0 =	simm.s32 @!p0 $0x2  }
0x11a: {  	_ =	swait.ge @!p0 [sflag:s0], $0x4000  }
0x11b: {  	[sflag:s0] =	ssyncset.done @!p0 $0x0  }
0x11c: {  	[sflag:s0] =	ssyncadd.s32 @!p0 $0xFFFFC000  }
0x11d: {  	s29 =	simm.s32 $0x5000;
	v1 =	vld [tilespmem:s26+$0x0]  }
0x11e: {  	v2 =	vld [tilespmem:s29+$0x70]  }
0x11f: {  	v0 =	vld [tilespmem:s29+$0xFFFFFF80]  }
0x120: {  	v3 =	vld [tilespmem:s26+$0xFFFFFF20]  }
0x121: {  	v4 =	vld [tilespmem:s29+$0xFFFFFF90]  }
0x122: {  	v5 =	vld [tilespmem:s26+$0xFFFFFF30]  }
0x123: {  	v6 =	vld [tilespmem:s29+$0xFFFFFFA0]  }
0x124: {  	v7 =	vld [tilespmem:s26+$0xFFFFFF40]  }
0x125: {  	v8 =	vld [tilespmem:s29+$0xFFFFFFB0]  }
0x126: {  	v9 =	vld [tilespmem:s26+$0xFFFFFF50]  }
0x127: {  	v10 =	vld [tilespmem:s29+$0xFFFFFFC0]  }
0x128: {  	v11 =	vld [tilespmem:s26+$0xFFFFFF60]  }
0x129: {  	v12 =	vld [tilespmem:s29+$0xFFFFFFD0]  }
0x12a: {  	v13 =	vld [tilespmem:s26+$0xFFFFFF70]  }
0x12b: {  	v14 =	vld [tilespmem:s29+$0xFFFFFFE0]  }
0x12c: {  	v15 =	vld [tilespmem:s26+$0xFFFFFF80]  }
0x12d: {  	v16 =	vld [tilespmem:s29+$0xFFFFFFF0]  }
0x12e: {  	v17 =	vld [tilespmem:s26+$0xFFFFFF90]  }
0x12f: {  	v61 =	vld [tilespmem:s29+$0x30];
	v1 =	vadd.f32 v2, v1  }
0x130: {  	s30 =	simm.s32 $0xD000;
	v2 =	vld [tilespmem:s29+$0x0];
	v3 =	vadd.f32 v4, v3  }
0x131: {  	v4 =	vld [tilespmem:s26+$0xFFFFFFA0];
	[tilespmem:s30+$0x70] =	vst v1;
	v1 =	vadd.f32 v6, v5  }
0x132: {  	v5 =	vld [tilespmem:s29+$0x10];
	[tilespmem:s30+$0xFFFFFF90] =	vst v3;
	v3 =	vadd.f32 v8, v7  }
0x133: {  	v6 =	vld [tilespmem:s26+$0xFFFFFFB0];
	[tilespmem:s30+$0xFFFFFFA0] =	vst v1;
	v1 =	vadd.f32 v10, v9  }
0x134: {  	v7 =	vld [tilespmem:s29+$0x20];
	[tilespmem:s30+$0xFFFFFFB0] =	vst v3;
	v3 =	vadd.f32 v12, v11  }
0x135: {  	v8 =	vld [tilespmem:s26+$0xFFFFFFC0];
	v2 =	vadd.f32 v2, v17;
	[tilespmem:s30+$0xFFFFFFC0] =	vst v1  }
0x136: {  	v62 =	vld [tilespmem:s26+$0xFFFFFFD0];
	v1 =	vadd.f32 v14, v13;
	[tilespmem:s30+$0xFFFFFFD0] =	vst v3  }
0x137: {  	v63 =	vld [tilespmem:s29+$0x40];
	v3 =	vadd.f32 v16, v15;
	[tilespmem:s30+$0x0] =	vst v2  }
0x138: {  	v4 =	vadd.f32 v5, v4;
	[tilespmem:s30+$0xFFFFFFE0] =	vst v1;
	v1 =	vld [tilespmem:s26+$0xFFFFFFE0]  }
0x139: {  	v5 =	vadd.f32 v7, v6;
	[tilespmem:s30+$0xFFFFFFF0] =	vst v3;
	v3 =	vld [tilespmem:s29+$0x50]  }
0x13a: {  	v6 =	vadd.f32 v61, v8;
	v2 =	vld [tilespmem:s26+$0xFFFFFFF0];
	[tilespmem:s30+$0x10] =	vst v4  }
0x13b: {  	[tilespmem:s30+$0x20] =	vst v5;
	v5 =	vld [tilespmem:s29+$0x60]  }
0x13c: {  	s28 =	sor.u32 $0x1, s28;
	s2 =	simm.s32 $0x0;
	s0 =	sadd.s32 $0x100, s26;
	v4 =	vld [tilespmem:s26+$0xFFFFFF10];
	[tilespmem:s30+$0x30] =	vst v6;
	v6 =	vadd.f32 v63, v62  }
.LBB2_11:
0x13d: {  	v7 =	vld [tilespmem:s0+$0x0];
	s29 =	sadd.s32 $0x100, s29  }
0x13e: {  	s2 =	sadd.s32 $0x100, s2;
	v8 =	vld [tilespmem:s29+$0x70];
	[tilespmem:s30+$0x40] =	vst v6;
	v1 =	vadd.f32 v3, v1  }
0x13f: {  	p0 =	slt.u32 s2, $0x3F00;
	v3 =	vld [tilespmem:s29+$0xFFFFFF80]  }
0x140: {  	v6 =	vld [tilespmem:s0+$0xFFFFFF20];
	[tilespmem:s30+$0x50] =	vst v1;
	v1 =	vadd.f32 v5, v2  }
0x141: {  	v2 =	vld [tilespmem:s29+$0xFFFFFF90];
	v9 =	vadd.f32 v0, v4  }
0x142: {  	v4 =	vld [tilespmem:s0+$0xFFFFFF30];
	[tilespmem:s30+$0x60] =	vst v1  }
0x143: {  	v1 =	vld [tilespmem:s29+$0xFFFFFFA0];
	v5 =	vadd.f32 v8, v7;
	[tilespmem:s30+$0xFFFFFF80] =	vst v9  }
0x144: {  	s30 =	sadd.s32 $0x100, s30;
	v7 =	vld [tilespmem:s0+$0xFFFFFF40];
	v0 =	vmov v3  }
0x145: {  	v3 =	vld [tilespmem:s29+$0xFFFFFFB0];
	[tilespmem:s30+$0x70] =	vst v5  }
0x146: {  	v2 =	vadd.f32 v2, v6;
	v5 =	vld [tilespmem:s0+$0xFFFFFF50]  }
0x147: {  	v6 =	vld [tilespmem:s29+$0xFFFFFFC0]  }
0x148: {  	[tilespmem:s30+$0xFFFFFF90] =	vst v2;
	v1 =	vadd.f32 v1, v4;
	v2 =	vld [tilespmem:s0+$0xFFFFFF60]  }
0x149: {  	v4 =	vld [tilespmem:s29+$0xFFFFFFD0]  }
0x14a: {  	[tilespmem:s30+$0xFFFFFFA0] =	vst v1;
	v1 =	vadd.f32 v3, v7;
	v3 =	vld [tilespmem:s0+$0xFFFFFF70]  }
0x14b: {  	v7 =	vld [tilespmem:s29+$0xFFFFFFE0]  }
0x14c: {  	[tilespmem:s30+$0xFFFFFFB0] =	vst v1;
	v1 =	vadd.f32 v6, v5;
	v5 =	vld [tilespmem:s0+$0xFFFFFF80]  }
0x14d: {  	v6 =	vld [tilespmem:s29+$0xFFFFFFF0]  }
0x14e: {  	[tilespmem:s30+$0xFFFFFFC0] =	vst v1;
	v1 =	vadd.f32 v4, v2;
	v2 =	vld [tilespmem:s0+$0xFFFFFF90]  }
0x14f: {  	v4 =	vld [tilespmem:s29+$0x0]  }
0x150: {  	[tilespmem:s30+$0xFFFFFFD0] =	vst v1;
	v1 =	vadd.f32 v7, v3;
	v3 =	vld [tilespmem:s0+$0xFFFFFFA0]  }
0x151: {  	v7 =	vld [tilespmem:s29+$0x10]  }
0x152: {  	[tilespmem:s30+$0xFFFFFFE0] =	vst v1;
	v1 =	vadd.f32 v6, v5;
	v5 =	vld [tilespmem:s0+$0xFFFFFFB0]  }
0x153: {  	v6 =	vld [tilespmem:s29+$0x20]  }
0x154: {  	[tilespmem:s30+$0xFFFFFFF0] =	vst v1;
	v1 =	vadd.f32 v4, v2;
	v2 =	vld [tilespmem:s0+$0xFFFFFFC0]  }
0x155: {  	v4 =	vld [tilespmem:s29+$0x30]  }
0x156: {  	[tilespmem:s30+$0x0] =	vst v1;
	v1 =	vadd.f32 v7, v3;
	v7 =	vld [tilespmem:s0+$0xFFFFFFD0]  }
0x157: {  	v8 =	vld [tilespmem:s29+$0x40]  }
.Ltmp4:
0x158: {  	[tilespmem:s30+$0x10] =	vst v1;
	v5 =	vadd.f32 v6, v5;
	v1 =	vld [tilespmem:s0+$0xFFFFFFE0];
	(pc) =	sbr.rel @p0 .LBB2_11-.Ltmp4, $4  }
0x159: {  	v3 =	vld [tilespmem:s29+$0x50]  }
0x15a: {  	[tilespmem:s30+$0x20] =	vst v5;
	v6 =	vadd.f32 v4, v2;
	v2 =	vld [tilespmem:s0+$0xFFFFFFF0]  }
0x15b: {  	v5 =	vld [tilespmem:s29+$0x60]  }
0x15c: {  	v4 =	vld [tilespmem:s0+$0xFFFFFF10];
	[tilespmem:s30+$0x30] =	vst v6;
	v6 =	vadd.f32 v8, v7;
	s0 =	sadd.s32 $0x100, s0  }
0x15d: {  	_ = 	snop  }
0x15e: {  	s22 =	sadd.s32 $0x1, s22  }
0x15f: {  	v1 =	vadd.f32 v3, v1;
	p0 =	sne.s32 s22, $0x10  }
.Ltmp5:
0x160: {  	s0 =	sadd.s32 s4, s28;
	s2 =	sshll.u32 s28, $0x4;
	[tilespmem:s30+$0x40] =	vst v6;
	v2 =	vadd.f32 v5, v2;
	(pc) =	sbr.rel @p0 .LBB2_8-.Ltmp5, $4  }
0x161: {  	s0 =	sshll.u32 s0, $0xE;
	s2 =	sand.u32 $0x70, s2;
	[tilespmem:s30+$0x50] =	vst v1;
	v0 =	vadd.f32 v0, v4  }
0x162: {  	s0 =	sand.u32 $0xFE4000, s0;
	s2 =	sadd.s32 s5, s2;
	[tilespmem:s30+$0x60] =	vst v2  }
0x163: {  	s25 =	sadd.s32 $0xFFFFFF00, s25;
	s26 =	sadd.s32 $0xFFFFFF00, s26;
	s0 =	sadd.s32 s0, s2;
	[tilespmem:s30+$0xFFFFFF80] =	vst v0  }
0x164: {  	[hbm4b:s0+s6] =	stream.strided.scatter [tilespmem:s13], [sflag:$0x2], $0x4000, s8, s6, $0x38;
	[tilespmem:$0x10F80] =	vst v63  }
0x165: {  	_ =	swait.ge [sflag:s16], $0x4000  }
0x166: {  	[sflag:s16] =	ssyncset.done $0x0  }
0x167: {  	[sflag:s16] =	ssyncadd.s32 $0xFFFFC000  }
0x168: {  	_ =	swait.ge [sflag:s19], $0x4000  }
0x169: {  	[sflag:s19] =	ssyncset.done $0x0  }
0x16a: {  	s22 =	simm.s32 $0x0;
	s0 =	rddreg [dreg:$0xe];
	[sflag:s19] =	ssyncadd.s32 $0xFFFFC000  }
0x16b: {  	[tilespmem:s1], [sflag:$0x3] =	stream.linear.gather [hbm4b:s0+s22], $0x4000, $0x38;
	[tilespmem:$0x10F80] =	vst v63  }
0x16c: {  	_ =	swait.ge [sflag:s3], $0x4000  }
0x16d: {  	[sflag:s3] =	ssyncset.done $0x0  }
0x16e: {  	s31 =	rddreg [dreg:$0x6];
	[sflag:s3] =	ssyncadd.s32 $0xFFFFC000  }
0x16f: {  	[tilespmem:s22], [sflag:$0x3] =	stream.linear.gather [hbm4b:s31+s22], $0x4F80, $0x38;
	[tilespmem:$0x10F80] =	vst v63  }
0x170: {  	_ =	swait.ge [sflag:s3], $0x4F80  }
0x171: {  	[sflag:s3] =	ssyncset.done $0x0  }
0x172: {  	s25 =	simm.s32 $0x1070;
	s26 =	simm.s32 $0xFF0;
	[sflag:s3] =	ssyncadd.s32 $0xFFFFB080  }
.LBB2_14:
0x173: {  	p0 =	seq.s32 s22, $0x0  }
0x174: {  	s0 =	simm.s32 @!p0 $0x1  }
0x175: {  	_ =	swait.ge @!p0 [sflag:s0], $0x4000  }
0x176: {  	[sflag:s0] =	ssyncset.done @!p0 $0x0  }
0x177: {  	[sflag:s0] =	ssyncadd.s32 @!p0 $0xFFFFC000  }
0x178: {  	s28 =	simm.s32 $0x5000;
	v1 =	vld [tilespmem:s25+$0x0]  }
0x179: {  	v2 =	vld [tilespmem:s28+$0x70]  }
0x17a: {  	v0 =	vld [tilespmem:s28+$0xFFFFFF80]  }
0x17b: {  	v3 =	vld [tilespmem:s25+$0xFFFFFF20]  }
0x17c: {  	v4 =	vld [tilespmem:s28+$0xFFFFFF90]  }
0x17d: {  	v5 =	vld [tilespmem:s25+$0xFFFFFF30]  }
0x17e: {  	v6 =	vld [tilespmem:s28+$0xFFFFFFA0]  }
0x17f: {  	v7 =	vld [tilespmem:s25+$0xFFFFFF40]  }
0x180: {  	v8 =	vld [tilespmem:s28+$0xFFFFFFB0]  }
0x181: {  	v9 =	vld [tilespmem:s25+$0xFFFFFF50]  }
0x182: {  	v10 =	vld [tilespmem:s28+$0xFFFFFFC0]  }
0x183: {  	v11 =	vld [tilespmem:s25+$0xFFFFFF60]  }
0x184: {  	v12 =	vld [tilespmem:s28+$0xFFFFFFD0]  }
0x185: {  	v13 =	vld [tilespmem:s25+$0xFFFFFF70]  }
0x186: {  	v14 =	vld [tilespmem:s28+$0xFFFFFFE0]  }
0x187: {  	v15 =	vld [tilespmem:s25+$0xFFFFFF80]  }
0x188: {  	v16 =	vld [tilespmem:s28+$0xFFFFFFF0]  }
0x189: {  	v17 =	vld [tilespmem:s25+$0xFFFFFF90]  }
0x18a: {  	v61 =	vld [tilespmem:s28+$0x30];
	v1 =	vadd.f32 v2, v1  }
0x18b: {  	s30 =	simm.s32 $0x9000;
	v2 =	vld [tilespmem:s28+$0x0];
	v3 =	vadd.f32 v4, v3  }
0x18c: {  	v4 =	vld [tilespmem:s25+$0xFFFFFFA0];
	[tilespmem:s30+$0x70] =	vst v1;
	v1 =	vadd.f32 v6, v5  }
0x18d: {  	v5 =	vld [tilespmem:s28+$0x10];
	[tilespmem:s30+$0xFFFFFF90] =	vst v3;
	v3 =	vadd.f32 v8, v7  }
0x18e: {  	v6 =	vld [tilespmem:s25+$0xFFFFFFB0];
	[tilespmem:s30+$0xFFFFFFA0] =	vst v1;
	v1 =	vadd.f32 v10, v9  }
0x18f: {  	v7 =	vld [tilespmem:s28+$0x20];
	[tilespmem:s30+$0xFFFFFFB0] =	vst v3;
	v3 =	vadd.f32 v12, v11  }
0x190: {  	v8 =	vld [tilespmem:s25+$0xFFFFFFC0];
	[tilespmem:s30+$0xFFFFFFC0] =	vst v1;
	v1 =	vadd.f32 v14, v13  }
0x191: {  	v62 =	vld [tilespmem:s25+$0xFFFFFFD0];
	[tilespmem:s30+$0xFFFFFFD0] =	vst v3;
	v3 =	vadd.f32 v16, v15  }
0x192: {  	v63 =	vld [tilespmem:s28+$0x40];
	v2 =	vadd.f32 v2, v17;
	[tilespmem:s30+$0xFFFFFFE0] =	vst v1  }
0x193: {  	[tilespmem:s30+$0xFFFFFFF0] =	vst v3;
	v3 =	vadd.f32 v5, v4;
	v1 =	vld [tilespmem:s25+$0xFFFFFFE0]  }
0x194: {  	[tilespmem:s30+$0x0] =	vst v2;
	v5 =	vadd.f32 v7, v6;
	v4 =	vld [tilespmem:s28+$0x50]  }
0x195: {  	v2 =	vld [tilespmem:s25+$0xFFFFFFF0];
	v6 =	vadd.f32 v61, v8;
	[tilespmem:s30+$0x10] =	vst v3  }
0x196: {  	[tilespmem:s30+$0x20] =	vst v5;
	v5 =	vld [tilespmem:s28+$0x60]  }
0x197: {  	s2 =	simm.s32 $0x0;
	s0 =	sadd.s32 $0x100, s25;
	v3 =	vld [tilespmem:s25+$0xFFFFFF10];
	[tilespmem:s30+$0x30] =	vst v6;
	v6 =	vadd.f32 v63, v62  }
.LBB2_15:
0x198: {  	v7 =	vld [tilespmem:s0+$0x0];
	s28 =	sadd.s32 $0x100, s28  }
0x199: {  	s2 =	sadd.s32 $0x100, s2;
	v8 =	vld [tilespmem:s28+$0x70];
	[tilespmem:s30+$0x40] =	vst v6;
	v1 =	vadd.f32 v4, v1  }
0x19a: {  	p1 =	slt.u32 s2, $0x3F00;
	v4 =	vld [tilespmem:s28+$0xFFFFFF80]  }
0x19b: {  	v6 =	vld [tilespmem:s0+$0xFFFFFF20];
	[tilespmem:s30+$0x50] =	vst v1;
	v1 =	vadd.f32 v5, v2  }
0x19c: {  	v2 =	vld [tilespmem:s28+$0xFFFFFF90];
	v9 =	vadd.f32 v0, v3  }
0x19d: {  	v3 =	vld [tilespmem:s0+$0xFFFFFF30];
	[tilespmem:s30+$0x60] =	vst v1  }
0x19e: {  	v1 =	vld [tilespmem:s28+$0xFFFFFFA0];
	v5 =	vadd.f32 v8, v7;
	[tilespmem:s30+$0xFFFFFF80] =	vst v9  }
0x19f: {  	s30 =	sadd.s32 $0x100, s30;
	v7 =	vld [tilespmem:s0+$0xFFFFFF40];
	v0 =	vmov v4  }
0x1a0: {  	v4 =	vld [tilespmem:s28+$0xFFFFFFB0];
	[tilespmem:s30+$0x70] =	vst v5  }
0x1a1: {  	v2 =	vadd.f32 v2, v6;
	v5 =	vld [tilespmem:s0+$0xFFFFFF50]  }
0x1a2: {  	v6 =	vld [tilespmem:s28+$0xFFFFFFC0]  }
0x1a3: {  	[tilespmem:s30+$0xFFFFFF90] =	vst v2;
	v1 =	vadd.f32 v1, v3;
	v2 =	vld [tilespmem:s0+$0xFFFFFF60]  }
0x1a4: {  	v3 =	vld [tilespmem:s28+$0xFFFFFFD0]  }
0x1a5: {  	[tilespmem:s30+$0xFFFFFFA0] =	vst v1;
	v1 =	vadd.f32 v4, v7;
	v4 =	vld [tilespmem:s0+$0xFFFFFF70]  }
0x1a6: {  	v7 =	vld [tilespmem:s28+$0xFFFFFFE0]  }
0x1a7: {  	[tilespmem:s30+$0xFFFFFFB0] =	vst v1;
	v1 =	vadd.f32 v6, v5;
	v5 =	vld [tilespmem:s0+$0xFFFFFF80]  }
0x1a8: {  	v6 =	vld [tilespmem:s28+$0xFFFFFFF0]  }
0x1a9: {  	[tilespmem:s30+$0xFFFFFFC0] =	vst v1;
	v1 =	vadd.f32 v3, v2;
	v2 =	vld [tilespmem:s0+$0xFFFFFF90]  }
0x1aa: {  	v3 =	vld [tilespmem:s28+$0x0]  }
0x1ab: {  	[tilespmem:s30+$0xFFFFFFD0] =	vst v1;
	v1 =	vadd.f32 v7, v4;
	v4 =	vld [tilespmem:s0+$0xFFFFFFA0]  }
0x1ac: {  	v7 =	vld [tilespmem:s28+$0x10]  }
0x1ad: {  	[tilespmem:s30+$0xFFFFFFE0] =	vst v1;
	v1 =	vadd.f32 v6, v5;
	v5 =	vld [tilespmem:s0+$0xFFFFFFB0]  }
0x1ae: {  	v6 =	vld [tilespmem:s28+$0x20]  }
0x1af: {  	[tilespmem:s30+$0xFFFFFFF0] =	vst v1;
	v1 =	vadd.f32 v3, v2;
	v2 =	vld [tilespmem:s0+$0xFFFFFFC0]  }
0x1b0: {  	v3 =	vld [tilespmem:s28+$0x30]  }
0x1b1: {  	[tilespmem:s30+$0x0] =	vst v1;
	v1 =	vadd.f32 v7, v4;
	v7 =	vld [tilespmem:s0+$0xFFFFFFD0]  }
0x1b2: {  	v8 =	vld [tilespmem:s28+$0x40]  }
.Ltmp6:
0x1b3: {  	[tilespmem:s30+$0x10] =	vst v1;
	v5 =	vadd.f32 v6, v5;
	v1 =	vld [tilespmem:s0+$0xFFFFFFE0];
	(pc) =	sbr.rel @p1 .LBB2_15-.Ltmp6, $4  }
0x1b4: {  	v4 =	vld [tilespmem:s28+$0x50]  }
0x1b5: {  	[tilespmem:s30+$0x20] =	vst v5;
	v6 =	vadd.f32 v3, v2;
	v2 =	vld [tilespmem:s0+$0xFFFFFFF0]  }
0x1b6: {  	v5 =	vld [tilespmem:s28+$0x60]  }
0x1b7: {  	v3 =	vld [tilespmem:s0+$0xFFFFFF10];
	[tilespmem:s30+$0x30] =	vst v6;
	v6 =	vadd.f32 v8, v7;
	s0 =	sadd.s32 $0x100, s0  }
0x1b8: {  	_ =	sdelay $0x1  }
0x1b9: {  	s0 =	sshll.u32 s22, $0xF;
	v1 =	vadd.f32 v4, v1  }
0x1ba: {  	s2 =	sshll.u32 s22, $0x5;
	[tilespmem:s30+$0x40] =	vst v6;
	s0 =	sand.u32 $0x60000, s0;
	v2 =	vadd.f32 v5, v2  }
0x1bb: {  	s29 =	sand.u32 $0x60, s2;
	s28 =	sor.u32 s7, s0;
	[tilespmem:s30+$0x50] =	vst v1;
	v0 =	vadd.f32 v0, v3  }
0x1bc: {  	s0 =	sor.u32 s28, s29;
	[tilespmem:s30+$0x60] =	vst v2  }
0x1bd: {  	s0 =	sadd.s32 s0, s11;
	[tilespmem:s30+$0xFFFFFF80] =	vst v0  }
0x1be: {  	[hbm4b:s0+s6] =	stream.strided.scatter [tilespmem:s10], [sflag:$0x1], $0x4000, s8, s6, $0x38;
	[tilespmem:$0x10F80] =	vst v63  }
0x1bf: {  	s0 =	simm.s32 @!p0 $0x2  }
0x1c0: {  	_ =	swait.ge @!p0 [sflag:s0], $0x4000  }
0x1c1: {  	[sflag:s0] =	ssyncset.done @!p0 $0x0  }
0x1c2: {  	[sflag:s0] =	ssyncadd.s32 @!p0 $0xFFFFC000  }
0x1c3: {  	s30 =	simm.s32 $0x5000;
	v1 =	vld [tilespmem:s26+$0x0]  }
0x1c4: {  	v2 =	vld [tilespmem:s30+$0x70]  }
0x1c5: {  	v0 =	vld [tilespmem:s30+$0xFFFFFF80]  }
0x1c6: {  	v3 =	vld [tilespmem:s26+$0xFFFFFF20]  }
0x1c7: {  	v4 =	vld [tilespmem:s30+$0xFFFFFF90]  }
0x1c8: {  	v5 =	vld [tilespmem:s26+$0xFFFFFF30]  }
0x1c9: {  	v6 =	vld [tilespmem:s30+$0xFFFFFFA0]  }
0x1ca: {  	v7 =	vld [tilespmem:s26+$0xFFFFFF40]  }
0x1cb: {  	v8 =	vld [tilespmem:s30+$0xFFFFFFB0]  }
0x1cc: {  	v9 =	vld [tilespmem:s26+$0xFFFFFF50]  }
0x1cd: {  	v10 =	vld [tilespmem:s30+$0xFFFFFFC0]  }
0x1ce: {  	v11 =	vld [tilespmem:s26+$0xFFFFFF60]  }
0x1cf: {  	v12 =	vld [tilespmem:s30+$0xFFFFFFD0]  }
0x1d0: {  	v13 =	vld [tilespmem:s26+$0xFFFFFF70]  }
0x1d1: {  	v14 =	vld [tilespmem:s30+$0xFFFFFFE0]  }
0x1d2: {  	v15 =	vld [tilespmem:s26+$0xFFFFFF80]  }
0x1d3: {  	v16 =	vld [tilespmem:s30+$0xFFFFFFF0]  }
0x1d4: {  	v17 =	vld [tilespmem:s26+$0xFFFFFF90]  }
0x1d5: {  	v61 =	vld [tilespmem:s30+$0x30];
	v1 =	vadd.f32 v2, v1  }
0x1d6: {  	s31 =	simm.s32 $0xD000;
	v2 =	vld [tilespmem:s30+$0x0];
	v3 =	vadd.f32 v4, v3  }
0x1d7: {  	v4 =	vld [tilespmem:s26+$0xFFFFFFA0];
	[tilespmem:s31+$0x70] =	vst v1;
	v1 =	vadd.f32 v6, v5  }
0x1d8: {  	v5 =	vld [tilespmem:s30+$0x10];
	[tilespmem:s31+$0xFFFFFF90] =	vst v3;
	v3 =	vadd.f32 v8, v7  }
0x1d9: {  	v6 =	vld [tilespmem:s26+$0xFFFFFFB0];
	[tilespmem:s31+$0xFFFFFFA0] =	vst v1;
	v1 =	vadd.f32 v10, v9  }
0x1da: {  	v7 =	vld [tilespmem:s30+$0x20];
	[tilespmem:s31+$0xFFFFFFB0] =	vst v3;
	v3 =	vadd.f32 v12, v11  }
0x1db: {  	v8 =	vld [tilespmem:s26+$0xFFFFFFC0];
	v2 =	vadd.f32 v2, v17;
	[tilespmem:s31+$0xFFFFFFC0] =	vst v1  }
0x1dc: {  	v62 =	vld [tilespmem:s26+$0xFFFFFFD0];
	v1 =	vadd.f32 v14, v13;
	[tilespmem:s31+$0xFFFFFFD0] =	vst v3  }
0x1dd: {  	v63 =	vld [tilespmem:s30+$0x40];
	v3 =	vadd.f32 v16, v15;
	[tilespmem:s31+$0x0] =	vst v2  }
0x1de: {  	v4 =	vadd.f32 v5, v4;
	[tilespmem:s31+$0xFFFFFFE0] =	vst v1;
	v1 =	vld [tilespmem:s26+$0xFFFFFFE0]  }
0x1df: {  	v5 =	vadd.f32 v7, v6;
	[tilespmem:s31+$0xFFFFFFF0] =	vst v3;
	v3 =	vld [tilespmem:s30+$0x50]  }
0x1e0: {  	v6 =	vadd.f32 v61, v8;
	v2 =	vld [tilespmem:s26+$0xFFFFFFF0];
	[tilespmem:s31+$0x10] =	vst v4  }
0x1e1: {  	[tilespmem:s31+$0x20] =	vst v5;
	v5 =	vld [tilespmem:s30+$0x60]  }
0x1e2: {  	s2 =	simm.s32 $0x0;
	s0 =	sadd.s32 $0x100, s26;
	v4 =	vld [tilespmem:s26+$0xFFFFFF10];
	[tilespmem:s31+$0x30] =	vst v6;
	v6 =	vadd.f32 v63, v62  }
.LBB2_17:
0x1e3: {  	v7 =	vld [tilespmem:s0+$0x0];
	s30 =	sadd.s32 $0x100, s30  }
0x1e4: {  	s2 =	sadd.s32 $0x100, s2;
	v8 =	vld [tilespmem:s30+$0x70];
	[tilespmem:s31+$0x40] =	vst v6;
	v1 =	vadd.f32 v3, v1  }
0x1e5: {  	p0 =	slt.u32 s2, $0x3F00;
	v3 =	vld [tilespmem:s30+$0xFFFFFF80]  }
0x1e6: {  	v6 =	vld [tilespmem:s0+$0xFFFFFF20];
	[tilespmem:s31+$0x50] =	vst v1;
	v1 =	vadd.f32 v5, v2  }
0x1e7: {  	v2 =	vld [tilespmem:s30+$0xFFFFFF90];
	v9 =	vadd.f32 v0, v4  }
0x1e8: {  	v4 =	vld [tilespmem:s0+$0xFFFFFF30];
	[tilespmem:s31+$0x60] =	vst v1  }
0x1e9: {  	v1 =	vld [tilespmem:s30+$0xFFFFFFA0];
	v5 =	vadd.f32 v8, v7;
	[tilespmem:s31+$0xFFFFFF80] =	vst v9  }
0x1ea: {  	s31 =	sadd.s32 $0x100, s31;
	v7 =	vld [tilespmem:s0+$0xFFFFFF40];
	v0 =	vmov v3  }
0x1eb: {  	v3 =	vld [tilespmem:s30+$0xFFFFFFB0];
	[tilespmem:s31+$0x70] =	vst v5  }
0x1ec: {  	v2 =	vadd.f32 v2, v6;
	v5 =	vld [tilespmem:s0+$0xFFFFFF50]  }
0x1ed: {  	v6 =	vld [tilespmem:s30+$0xFFFFFFC0]  }
0x1ee: {  	[tilespmem:s31+$0xFFFFFF90] =	vst v2;
	v1 =	vadd.f32 v1, v4;
	v2 =	vld [tilespmem:s0+$0xFFFFFF60]  }
0x1ef: {  	v4 =	vld [tilespmem:s30+$0xFFFFFFD0]  }
0x1f0: {  	[tilespmem:s31+$0xFFFFFFA0] =	vst v1;
	v1 =	vadd.f32 v3, v7;
	v3 =	vld [tilespmem:s0+$0xFFFFFF70]  }
0x1f1: {  	v7 =	vld [tilespmem:s30+$0xFFFFFFE0]  }
0x1f2: {  	[tilespmem:s31+$0xFFFFFFB0] =	vst v1;
	v1 =	vadd.f32 v6, v5;
	v5 =	vld [tilespmem:s0+$0xFFFFFF80]  }
0x1f3: {  	v6 =	vld [tilespmem:s30+$0xFFFFFFF0]  }
0x1f4: {  	[tilespmem:s31+$0xFFFFFFC0] =	vst v1;
	v1 =	vadd.f32 v4, v2;
	v2 =	vld [tilespmem:s0+$0xFFFFFF90]  }
0x1f5: {  	v4 =	vld [tilespmem:s30+$0x0]  }
0x1f6: {  	[tilespmem:s31+$0xFFFFFFD0] =	vst v1;
	v1 =	vadd.f32 v7, v3;
	v3 =	vld [tilespmem:s0+$0xFFFFFFA0]  }
0x1f7: {  	v7 =	vld [tilespmem:s30+$0x10]  }
0x1f8: {  	[tilespmem:s31+$0xFFFFFFE0] =	vst v1;
	v1 =	vadd.f32 v6, v5;
	v5 =	vld [tilespmem:s0+$0xFFFFFFB0]  }
0x1f9: {  	v6 =	vld [tilespmem:s30+$0x20]  }
0x1fa: {  	[tilespmem:s31+$0xFFFFFFF0] =	vst v1;
	v1 =	vadd.f32 v4, v2;
	v2 =	vld [tilespmem:s0+$0xFFFFFFC0]  }
0x1fb: {  	v4 =	vld [tilespmem:s30+$0x30]  }
0x1fc: {  	[tilespmem:s31+$0x0] =	vst v1;
	v1 =	vadd.f32 v7, v3;
	v7 =	vld [tilespmem:s0+$0xFFFFFFD0]  }
0x1fd: {  	v8 =	vld [tilespmem:s30+$0x40]  }
.Ltmp7:
0x1fe: {  	[tilespmem:s31+$0x10] =	vst v1;
	v5 =	vadd.f32 v6, v5;
	v1 =	vld [tilespmem:s0+$0xFFFFFFE0];
	(pc) =	sbr.rel @p0 .LBB2_17-.Ltmp7, $4  }
0x1ff: {  	v3 =	vld [tilespmem:s30+$0x50]  }
0x200: {  	[tilespmem:s31+$0x20] =	vst v5;
	v6 =	vadd.f32 v4, v2;
	v2 =	vld [tilespmem:s0+$0xFFFFFFF0]  }
0x201: {  	v5 =	vld [tilespmem:s30+$0x60]  }
0x202: {  	v4 =	vld [tilespmem:s0+$0xFFFFFF10];
	[tilespmem:s31+$0x30] =	vst v6;
	v6 =	vadd.f32 v8, v7;
	s0 =	sadd.s32 $0x100, s0  }
0x203: {  	_ = 	snop  }
0x204: {  	s22 =	sadd.s32 $0x1, s22  }
0x205: {  	v1 =	vadd.f32 v3, v1;
	p0 =	sne.s32 s22, $0x10  }
.Ltmp8:
0x206: {  	[tilespmem:s31+$0x40] =	vst v6;
	v2 =	vadd.f32 v5, v2;
	(pc) =	sbr.rel @p0 .LBB2_14-.Ltmp8, $4  }
0x207: {  	[tilespmem:s31+$0x50] =	vst v1;
	v0 =	vadd.f32 v0, v4  }
0x208: {  	s0 =	sadd.s32 s29, s12;
	[tilespmem:s31+$0x60] =	vst v2  }
0x209: {  	s25 =	sadd.s32 $0xFFFFFF00, s25;
	s26 =	sadd.s32 $0xFFFFFF00, s26;
	s0 =	sadd.s32 s28, s0;
	[tilespmem:s31+$0xFFFFFF80] =	vst v0  }
0x20a: {  	[hbm4b:s0+s6] =	stream.strided.scatter [tilespmem:s13], [sflag:$0x2], $0x4000, s8, s6, $0x38;
	[tilespmem:$0x10F80] =	vst v63  }
0x20b: {  	_ =	swait.ge [sflag:s16], $0x4000  }
0x20c: {  	[sflag:s16] =	ssyncset.done $0x0  }
0x20d: {  	[sflag:s16] =	ssyncadd.s32 $0xFFFFC000  }
0x20e: {  	_ =	swait.ge [sflag:s19], $0x4000  }
0x20f: {  	[sflag:s19] =	ssyncset.done $0x0  }
0x210: {  	s22 =	simm.s32 $0x0;
	s0 =	rddreg [dreg:$0xf];
	[sflag:s19] =	ssyncadd.s32 $0xFFFFC000  }
0x211: {  	[tilespmem:s1], [sflag:$0x3] =	stream.linear.gather [hbm4b:s0+s22], $0x4000, $0x38;
	[tilespmem:$0x10F80] =	vst v63  }
0x212: {  	_ =	swait.ge [sflag:s3], $0x4000  }
0x213: {  	[sflag:s3] =	ssyncset.done $0x0  }
0x214: {  	s31 =	rddreg [dreg:$0x7];
	[sflag:s3] =	ssyncadd.s32 $0xFFFFC000  }
0x215: {  	[tilespmem:s22], [sflag:$0x3] =	stream.linear.gather [hbm4b:s31+s22], $0x4F80, $0x38;
	[tilespmem:$0x10F80] =	vst v63  }
0x216: {  	_ =	swait.ge [sflag:s3], $0x4F80  }
0x217: {  	[sflag:s3] =	ssyncset.done $0x0  }
0x218: {  	s25 =	simm.s32 $0x1070;
	s26 =	simm.s32 $0xFF0;
	[sflag:s3] =	ssyncadd.s32 $0xFFFFB080  }
.LBB2_20:
0x219: {  	p0 =	seq.s32 s22, $0x0  }
0x21a: {  	s0 =	simm.s32 @!p0 $0x1  }
0x21b: {  	_ =	swait.ge @!p0 [sflag:s0], $0x4000  }
0x21c: {  	[sflag:s0] =	ssyncset.done @!p0 $0x0  }
0x21d: {  	[sflag:s0] =	ssyncadd.s32 @!p0 $0xFFFFC000  }
0x21e: {  	s28 =	simm.s32 $0x5000;
	v1 =	vld [tilespmem:s25+$0x0]  }
0x21f: {  	v2 =	vld [tilespmem:s28+$0x70]  }
0x220: {  	v0 =	vld [tilespmem:s28+$0xFFFFFF80]  }
0x221: {  	v3 =	vld [tilespmem:s25+$0xFFFFFF20]  }
0x222: {  	v4 =	vld [tilespmem:s28+$0xFFFFFF90]  }
0x223: {  	v5 =	vld [tilespmem:s25+$0xFFFFFF30]  }
0x224: {  	v6 =	vld [tilespmem:s28+$0xFFFFFFA0]  }
0x225: {  	v7 =	vld [tilespmem:s25+$0xFFFFFF40]  }
0x226: {  	v8 =	vld [tilespmem:s28+$0xFFFFFFB0]  }
0x227: {  	v9 =	vld [tilespmem:s25+$0xFFFFFF50]  }
0x228: {  	v10 =	vld [tilespmem:s28+$0xFFFFFFC0]  }
0x229: {  	v11 =	vld [tilespmem:s25+$0xFFFFFF60]  }
0x22a: {  	v12 =	vld [tilespmem:s28+$0xFFFFFFD0]  }
0x22b: {  	v13 =	vld [tilespmem:s25+$0xFFFFFF70]  }
0x22c: {  	v14 =	vld [tilespmem:s28+$0xFFFFFFE0]  }
0x22d: {  	v15 =	vld [tilespmem:s25+$0xFFFFFF80]  }
0x22e: {  	v16 =	vld [tilespmem:s28+$0xFFFFFFF0]  }
0x22f: {  	v17 =	vld [tilespmem:s25+$0xFFFFFF90]  }
0x230: {  	v61 =	vld [tilespmem:s28+$0x30];
	v1 =	vadd.f32 v2, v1  }
0x231: {  	s30 =	simm.s32 $0x9000;
	v2 =	vld [tilespmem:s28+$0x0];
	v3 =	vadd.f32 v4, v3  }
0x232: {  	v4 =	vld [tilespmem:s25+$0xFFFFFFA0];
	[tilespmem:s30+$0x70] =	vst v1;
	v1 =	vadd.f32 v6, v5  }
0x233: {  	v5 =	vld [tilespmem:s28+$0x10];
	[tilespmem:s30+$0xFFFFFF90] =	vst v3;
	v3 =	vadd.f32 v8, v7  }
0x234: {  	v6 =	vld [tilespmem:s25+$0xFFFFFFB0];
	[tilespmem:s30+$0xFFFFFFA0] =	vst v1;
	v1 =	vadd.f32 v10, v9  }
0x235: {  	v7 =	vld [tilespmem:s28+$0x20];
	[tilespmem:s30+$0xFFFFFFB0] =	vst v3;
	v3 =	vadd.f32 v12, v11  }
0x236: {  	v8 =	vld [tilespmem:s25+$0xFFFFFFC0];
	[tilespmem:s30+$0xFFFFFFC0] =	vst v1;
	v1 =	vadd.f32 v14, v13  }
0x237: {  	v62 =	vld [tilespmem:s25+$0xFFFFFFD0];
	[tilespmem:s30+$0xFFFFFFD0] =	vst v3;
	v3 =	vadd.f32 v16, v15  }
0x238: {  	v63 =	vld [tilespmem:s28+$0x40];
	v2 =	vadd.f32 v2, v17;
	[tilespmem:s30+$0xFFFFFFE0] =	vst v1  }
0x239: {  	[tilespmem:s30+$0xFFFFFFF0] =	vst v3;
	v3 =	vadd.f32 v5, v4;
	v1 =	vld [tilespmem:s25+$0xFFFFFFE0]  }
0x23a: {  	[tilespmem:s30+$0x0] =	vst v2;
	v5 =	vadd.f32 v7, v6;
	v4 =	vld [tilespmem:s28+$0x50]  }
0x23b: {  	v2 =	vld [tilespmem:s25+$0xFFFFFFF0];
	v6 =	vadd.f32 v61, v8;
	[tilespmem:s30+$0x10] =	vst v3  }
0x23c: {  	[tilespmem:s30+$0x20] =	vst v5;
	v5 =	vld [tilespmem:s28+$0x60]  }
0x23d: {  	s2 =	simm.s32 $0x0;
	s0 =	sadd.s32 $0x100, s25;
	v3 =	vld [tilespmem:s25+$0xFFFFFF10];
	[tilespmem:s30+$0x30] =	vst v6;
	v6 =	vadd.f32 v63, v62  }
.LBB2_21:
0x23e: {  	v7 =	vld [tilespmem:s0+$0x0];
	s28 =	sadd.s32 $0x100, s28  }
0x23f: {  	s2 =	sadd.s32 $0x100, s2;
	v8 =	vld [tilespmem:s28+$0x70];
	[tilespmem:s30+$0x40] =	vst v6;
	v1 =	vadd.f32 v4, v1  }
0x240: {  	p1 =	slt.u32 s2, $0x3F00;
	v4 =	vld [tilespmem:s28+$0xFFFFFF80]  }
0x241: {  	v6 =	vld [tilespmem:s0+$0xFFFFFF20];
	[tilespmem:s30+$0x50] =	vst v1;
	v1 =	vadd.f32 v5, v2  }
0x242: {  	v2 =	vld [tilespmem:s28+$0xFFFFFF90];
	v9 =	vadd.f32 v0, v3  }
0x243: {  	v3 =	vld [tilespmem:s0+$0xFFFFFF30];
	[tilespmem:s30+$0x60] =	vst v1  }
0x244: {  	v1 =	vld [tilespmem:s28+$0xFFFFFFA0];
	v5 =	vadd.f32 v8, v7;
	[tilespmem:s30+$0xFFFFFF80] =	vst v9  }
0x245: {  	s30 =	sadd.s32 $0x100, s30;
	v7 =	vld [tilespmem:s0+$0xFFFFFF40];
	v0 =	vmov v4  }
0x246: {  	v4 =	vld [tilespmem:s28+$0xFFFFFFB0];
	[tilespmem:s30+$0x70] =	vst v5  }
0x247: {  	v2 =	vadd.f32 v2, v6;
	v5 =	vld [tilespmem:s0+$0xFFFFFF50]  }
0x248: {  	v6 =	vld [tilespmem:s28+$0xFFFFFFC0]  }
0x249: {  	[tilespmem:s30+$0xFFFFFF90] =	vst v2;
	v1 =	vadd.f32 v1, v3;
	v2 =	vld [tilespmem:s0+$0xFFFFFF60]  }
0x24a: {  	v3 =	vld [tilespmem:s28+$0xFFFFFFD0]  }
0x24b: {  	[tilespmem:s30+$0xFFFFFFA0] =	vst v1;
	v1 =	vadd.f32 v4, v7;
	v4 =	vld [tilespmem:s0+$0xFFFFFF70]  }
0x24c: {  	v7 =	vld [tilespmem:s28+$0xFFFFFFE0]  }
0x24d: {  	[tilespmem:s30+$0xFFFFFFB0] =	vst v1;
	v1 =	vadd.f32 v6, v5;
	v5 =	vld [tilespmem:s0+$0xFFFFFF80]  }
0x24e: {  	v6 =	vld [tilespmem:s28+$0xFFFFFFF0]  }
0x24f: {  	[tilespmem:s30+$0xFFFFFFC0] =	vst v1;
	v1 =	vadd.f32 v3, v2;
	v2 =	vld [tilespmem:s0+$0xFFFFFF90]  }
0x250: {  	v3 =	vld [tilespmem:s28+$0x0]  }
0x251: {  	[tilespmem:s30+$0xFFFFFFD0] =	vst v1;
	v1 =	vadd.f32 v7, v4;
	v4 =	vld [tilespmem:s0+$0xFFFFFFA0]  }
0x252: {  	v7 =	vld [tilespmem:s28+$0x10]  }
0x253: {  	[tilespmem:s30+$0xFFFFFFE0] =	vst v1;
	v1 =	vadd.f32 v6, v5;
	v5 =	vld [tilespmem:s0+$0xFFFFFFB0]  }
0x254: {  	v6 =	vld [tilespmem:s28+$0x20]  }
0x255: {  	[tilespmem:s30+$0xFFFFFFF0] =	vst v1;
	v1 =	vadd.f32 v3, v2;
	v2 =	vld [tilespmem:s0+$0xFFFFFFC0]  }
0x256: {  	v3 =	vld [tilespmem:s28+$0x30]  }
0x257: {  	[tilespmem:s30+$0x0] =	vst v1;
	v1 =	vadd.f32 v7, v4;
	v7 =	vld [tilespmem:s0+$0xFFFFFFD0]  }
0x258: {  	v8 =	vld [tilespmem:s28+$0x40]  }
.Ltmp9:
0x259: {  	[tilespmem:s30+$0x10] =	vst v1;
	v5 =	vadd.f32 v6, v5;
	v1 =	vld [tilespmem:s0+$0xFFFFFFE0];
	(pc) =	sbr.rel @p1 .LBB2_21-.Ltmp9, $4  }
0x25a: {  	v4 =	vld [tilespmem:s28+$0x50]  }
0x25b: {  	[tilespmem:s30+$0x20] =	vst v5;
	v6 =	vadd.f32 v3, v2;
	v2 =	vld [tilespmem:s0+$0xFFFFFFF0]  }
0x25c: {  	v5 =	vld [tilespmem:s28+$0x60]  }
0x25d: {  	v3 =	vld [tilespmem:s0+$0xFFFFFF10];
	[tilespmem:s30+$0x30] =	vst v6;
	v6 =	vadd.f32 v8, v7;
	s0 =	sadd.s32 $0x100, s0  }
0x25e: {  	_ =	sdelay $0x1  }
0x25f: {  	s0 =	sshll.u32 s22, $0xF;
	v1 =	vadd.f32 v4, v1  }
0x260: {  	s2 =	sshll.u32 s22, $0x5;
	[tilespmem:s30+$0x40] =	vst v6;
	s0 =	sand.u32 $0x60000, s0;
	v2 =	vadd.f32 v5, v2  }
0x261: {  	s29 =	sand.u32 $0x60, s2;
	s28 =	sor.u32 s7, s0;
	[tilespmem:s30+$0x50] =	vst v1;
	v0 =	vadd.f32 v0, v3  }
0x262: {  	s0 =	sor.u32 s28, s29;
	[tilespmem:s30+$0x60] =	vst v2  }
0x263: {  	s0 =	sadd.s32 s0, s14;
	[tilespmem:s30+$0xFFFFFF80] =	vst v0  }
0x264: {  	[hbm4b:s0+s6] =	stream.strided.scatter [tilespmem:s10], [sflag:$0x1], $0x4000, s8, s6, $0x38;
	[tilespmem:$0x10F80] =	vst v63  }
0x265: {  	s0 =	simm.s32 @!p0 $0x2  }
0x266: {  	_ =	swait.ge @!p0 [sflag:s0], $0x4000  }
0x267: {  	[sflag:s0] =	ssyncset.done @!p0 $0x0  }
0x268: {  	[sflag:s0] =	ssyncadd.s32 @!p0 $0xFFFFC000  }
0x269: {  	s30 =	simm.s32 $0x5000;
	v1 =	vld [tilespmem:s26+$0x0]  }
0x26a: {  	v2 =	vld [tilespmem:s30+$0x70]  }
0x26b: {  	v0 =	vld [tilespmem:s30+$0xFFFFFF80]  }
0x26c: {  	v3 =	vld [tilespmem:s26+$0xFFFFFF20]  }
0x26d: {  	v4 =	vld [tilespmem:s30+$0xFFFFFF90]  }
0x26e: {  	v5 =	vld [tilespmem:s26+$0xFFFFFF30]  }
0x26f: {  	v6 =	vld [tilespmem:s30+$0xFFFFFFA0]  }
0x270: {  	v7 =	vld [tilespmem:s26+$0xFFFFFF40]  }
0x271: {  	v8 =	vld [tilespmem:s30+$0xFFFFFFB0]  }
0x272: {  	v9 =	vld [tilespmem:s26+$0xFFFFFF50]  }
0x273: {  	v10 =	vld [tilespmem:s30+$0xFFFFFFC0]  }
0x274: {  	v11 =	vld [tilespmem:s26+$0xFFFFFF60]  }
0x275: {  	v12 =	vld [tilespmem:s30+$0xFFFFFFD0]  }
0x276: {  	v13 =	vld [tilespmem:s26+$0xFFFFFF70]  }
0x277: {  	v14 =	vld [tilespmem:s30+$0xFFFFFFE0]  }
0x278: {  	v15 =	vld [tilespmem:s26+$0xFFFFFF80]  }
0x279: {  	v16 =	vld [tilespmem:s30+$0xFFFFFFF0]  }
0x27a: {  	v17 =	vld [tilespmem:s26+$0xFFFFFF90]  }
0x27b: {  	v61 =	vld [tilespmem:s30+$0x30];
	v1 =	vadd.f32 v2, v1  }
0x27c: {  	s31 =	simm.s32 $0xD000;
	v2 =	vld [tilespmem:s30+$0x0];
	v3 =	vadd.f32 v4, v3  }
0x27d: {  	v4 =	vld [tilespmem:s26+$0xFFFFFFA0];
	[tilespmem:s31+$0x70] =	vst v1;
	v1 =	vadd.f32 v6, v5  }
0x27e: {  	v5 =	vld [tilespmem:s30+$0x10];
	[tilespmem:s31+$0xFFFFFF90] =	vst v3;
	v3 =	vadd.f32 v8, v7  }
0x27f: {  	v6 =	vld [tilespmem:s26+$0xFFFFFFB0];
	[tilespmem:s31+$0xFFFFFFA0] =	vst v1;
	v1 =	vadd.f32 v10, v9  }
0x280: {  	v7 =	vld [tilespmem:s30+$0x20];
	[tilespmem:s31+$0xFFFFFFB0] =	vst v3;
	v3 =	vadd.f32 v12, v11  }
0x281: {  	v8 =	vld [tilespmem:s26+$0xFFFFFFC0];
	v2 =	vadd.f32 v2, v17;
	[tilespmem:s31+$0xFFFFFFC0] =	vst v1  }
0x282: {  	v62 =	vld [tilespmem:s26+$0xFFFFFFD0];
	v1 =	vadd.f32 v14, v13;
	[tilespmem:s31+$0xFFFFFFD0] =	vst v3  }
0x283: {  	v63 =	vld [tilespmem:s30+$0x40];
	v3 =	vadd.f32 v16, v15;
	[tilespmem:s31+$0x0] =	vst v2  }
0x284: {  	v4 =	vadd.f32 v5, v4;
	[tilespmem:s31+$0xFFFFFFE0] =	vst v1;
	v1 =	vld [tilespmem:s26+$0xFFFFFFE0]  }
0x285: {  	v5 =	vadd.f32 v7, v6;
	[tilespmem:s31+$0xFFFFFFF0] =	vst v3;
	v3 =	vld [tilespmem:s30+$0x50]  }
0x286: {  	v6 =	vadd.f32 v61, v8;
	v2 =	vld [tilespmem:s26+$0xFFFFFFF0];
	[tilespmem:s31+$0x10] =	vst v4  }
0x287: {  	[tilespmem:s31+$0x20] =	vst v5;
	v5 =	vld [tilespmem:s30+$0x60]  }
0x288: {  	s2 =	simm.s32 $0x0;
	s0 =	sadd.s32 $0x100, s26;
	v4 =	vld [tilespmem:s26+$0xFFFFFF10];
	[tilespmem:s31+$0x30] =	vst v6;
	v6 =	vadd.f32 v63, v62  }
.LBB2_23:
0x289: {  	v7 =	vld [tilespmem:s0+$0x0];
	s30 =	sadd.s32 $0x100, s30  }
0x28a: {  	s2 =	sadd.s32 $0x100, s2;
	v8 =	vld [tilespmem:s30+$0x70];
	[tilespmem:s31+$0x40] =	vst v6;
	v1 =	vadd.f32 v3, v1  }
0x28b: {  	p0 =	slt.u32 s2, $0x3F00;
	v3 =	vld [tilespmem:s30+$0xFFFFFF80]  }
0x28c: {  	v6 =	vld [tilespmem:s0+$0xFFFFFF20];
	[tilespmem:s31+$0x50] =	vst v1;
	v1 =	vadd.f32 v5, v2  }
0x28d: {  	v2 =	vld [tilespmem:s30+$0xFFFFFF90];
	v9 =	vadd.f32 v0, v4  }
0x28e: {  	v4 =	vld [tilespmem:s0+$0xFFFFFF30];
	[tilespmem:s31+$0x60] =	vst v1  }
0x28f: {  	v1 =	vld [tilespmem:s30+$0xFFFFFFA0];
	v5 =	vadd.f32 v8, v7;
	[tilespmem:s31+$0xFFFFFF80] =	vst v9  }
0x290: {  	s31 =	sadd.s32 $0x100, s31;
	v7 =	vld [tilespmem:s0+$0xFFFFFF40];
	v0 =	vmov v3  }
0x291: {  	v3 =	vld [tilespmem:s30+$0xFFFFFFB0];
	[tilespmem:s31+$0x70] =	vst v5  }
0x292: {  	v2 =	vadd.f32 v2, v6;
	v5 =	vld [tilespmem:s0+$0xFFFFFF50]  }
0x293: {  	v6 =	vld [tilespmem:s30+$0xFFFFFFC0]  }
0x294: {  	[tilespmem:s31+$0xFFFFFF90] =	vst v2;
	v1 =	vadd.f32 v1, v4;
	v2 =	vld [tilespmem:s0+$0xFFFFFF60]  }
0x295: {  	v4 =	vld [tilespmem:s30+$0xFFFFFFD0]  }
0x296: {  	[tilespmem:s31+$0xFFFFFFA0] =	vst v1;
	v1 =	vadd.f32 v3, v7;
	v3 =	vld [tilespmem:s0+$0xFFFFFF70]  }
0x297: {  	v7 =	vld [tilespmem:s30+$0xFFFFFFE0]  }
0x298: {  	[tilespmem:s31+$0xFFFFFFB0] =	vst v1;
	v1 =	vadd.f32 v6, v5;
	v5 =	vld [tilespmem:s0+$0xFFFFFF80]  }
0x299: {  	v6 =	vld [tilespmem:s30+$0xFFFFFFF0]  }
0x29a: {  	[tilespmem:s31+$0xFFFFFFC0] =	vst v1;
	v1 =	vadd.f32 v4, v2;
	v2 =	vld [tilespmem:s0+$0xFFFFFF90]  }
0x29b: {  	v4 =	vld [tilespmem:s30+$0x0]  }
0x29c: {  	[tilespmem:s31+$0xFFFFFFD0] =	vst v1;
	v1 =	vadd.f32 v7, v3;
	v3 =	vld [tilespmem:s0+$0xFFFFFFA0]  }
0x29d: {  	v7 =	vld [tilespmem:s30+$0x10]  }
0x29e: {  	[tilespmem:s31+$0xFFFFFFE0] =	vst v1;
	v1 =	vadd.f32 v6, v5;
	v5 =	vld [tilespmem:s0+$0xFFFFFFB0]  }
0x29f: {  	v6 =	vld [tilespmem:s30+$0x20]  }
0x2a0: {  	[tilespmem:s31+$0xFFFFFFF0] =	vst v1;
	v1 =	vadd.f32 v4, v2;
	v2 =	vld [tilespmem:s0+$0xFFFFFFC0]  }
0x2a1: {  	v4 =	vld [tilespmem:s30+$0x30]  }
0x2a2: {  	[tilespmem:s31+$0x0] =	vst v1;
	v1 =	vadd.f32 v7, v3;
	v7 =	vld [tilespmem:s0+$0xFFFFFFD0]  }
0x2a3: {  	v8 =	vld [tilespmem:s30+$0x40]  }
.Ltmp10:
0x2a4: {  	[tilespmem:s31+$0x10] =	vst v1;
	v5 =	vadd.f32 v6, v5;
	v1 =	vld [tilespmem:s0+$0xFFFFFFE0];
	(pc) =	sbr.rel @p0 .LBB2_23-.Ltmp10, $4  }
0x2a5: {  	v3 =	vld [tilespmem:s30+$0x50]  }
0x2a6: {  	[tilespmem:s31+$0x20] =	vst v5;
	v6 =	vadd.f32 v4, v2;
	v2 =	vld [tilespmem:s0+$0xFFFFFFF0]  }
0x2a7: {  	v5 =	vld [tilespmem:s30+$0x60]  }
0x2a8: {  	v4 =	vld [tilespmem:s0+$0xFFFFFF10];
	[tilespmem:s31+$0x30] =	vst v6;
	v6 =	vadd.f32 v8, v7;
	s0 =	sadd.s32 $0x100, s0  }
0x2a9: {  	_ = 	snop  }
0x2aa: {  	s22 =	sadd.s32 $0x1, s22  }
0x2ab: {  	v1 =	vadd.f32 v3, v1;
	p0 =	sne.s32 s22, $0x10  }
.Ltmp11:
0x2ac: {  	[tilespmem:s31+$0x40] =	vst v6;
	v2 =	vadd.f32 v5, v2;
	(pc) =	sbr.rel @p0 .LBB2_20-.Ltmp11, $4  }
0x2ad: {  	[tilespmem:s31+$0x50] =	vst v1;
	v0 =	vadd.f32 v0, v4  }
0x2ae: {  	s0 =	sadd.s32 s29, s15;
	[tilespmem:s31+$0x60] =	vst v2  }
0x2af: {  	s25 =	sadd.s32 $0xFFFFFF00, s25;
	s26 =	sadd.s32 $0xFFFFFF00, s26;
	s0 =	sadd.s32 s28, s0;
	[tilespmem:s31+$0xFFFFFF80] =	vst v0  }
0x2b0: {  	[hbm4b:s0+s6] =	stream.strided.scatter [tilespmem:s13], [sflag:$0x2], $0x4000, s8, s6, $0x38;
	[tilespmem:$0x10F80] =	vst v63  }
0x2b1: {  	_ =	swait.ge [sflag:s16], $0x4000  }
0x2b2: {  	[sflag:s16] =	ssyncset.done $0x0  }
0x2b3: {  	[sflag:s16] =	ssyncadd.s32 $0xFFFFC000  }
0x2b4: {  	_ =	swait.ge [sflag:s19], $0x4000  }
0x2b5: {  	[sflag:s19] =	ssyncset.done $0x0  }
0x2b6: {  	s22 =	simm.s32 $0x0;
	s0 =	rddreg [dreg:$0x10];
	[sflag:s19] =	ssyncadd.s32 $0xFFFFC000  }
0x2b7: {  	[tilespmem:s1], [sflag:$0x3] =	stream.linear.gather [hbm4b:s0+s22], $0x4000, $0x38;
	[tilespmem:$0x10F80] =	vst v63  }
0x2b8: {  	_ =	swait.ge [sflag:s3], $0x4000  }
0x2b9: {  	[sflag:s3] =	ssyncset.done $0x0  }
0x2ba: {  	s31 =	rddreg [dreg:$0x8];
	[sflag:s3] =	ssyncadd.s32 $0xFFFFC000  }
0x2bb: {  	[tilespmem:s22], [sflag:$0x3] =	stream.linear.gather [hbm4b:s31+s22], $0x4F80, $0x38;
	[tilespmem:$0x10F80] =	vst v63  }
0x2bc: {  	_ =	swait.ge [sflag:s3], $0x4F80  }
0x2bd: {  	[sflag:s3] =	ssyncset.done $0x0  }
0x2be: {  	s25 =	simm.s32 $0x1070;
	s26 =	simm.s32 $0xFF0;
	[sflag:s3] =	ssyncadd.s32 $0xFFFFB080  }
.LBB2_26:
0x2bf: {  	p0 =	seq.s32 s22, $0x0  }
0x2c0: {  	s0 =	simm.s32 @!p0 $0x1  }
0x2c1: {  	_ =	swait.ge @!p0 [sflag:s0], $0x4000  }
0x2c2: {  	[sflag:s0] =	ssyncset.done @!p0 $0x0  }
0x2c3: {  	[sflag:s0] =	ssyncadd.s32 @!p0 $0xFFFFC000  }
0x2c4: {  	s28 =	simm.s32 $0x5000;
	v1 =	vld [tilespmem:s25+$0x0]  }
0x2c5: {  	v2 =	vld [tilespmem:s28+$0x70]  }
0x2c6: {  	v0 =	vld [tilespmem:s28+$0xFFFFFF80]  }
0x2c7: {  	v3 =	vld [tilespmem:s25+$0xFFFFFF20]  }
0x2c8: {  	v4 =	vld [tilespmem:s28+$0xFFFFFF90]  }
0x2c9: {  	v5 =	vld [tilespmem:s25+$0xFFFFFF30]  }
0x2ca: {  	v6 =	vld [tilespmem:s28+$0xFFFFFFA0]  }
0x2cb: {  	v7 =	vld [tilespmem:s25+$0xFFFFFF40]  }
0x2cc: {  	v8 =	vld [tilespmem:s28+$0xFFFFFFB0]  }
0x2cd: {  	v9 =	vld [tilespmem:s25+$0xFFFFFF50]  }
0x2ce: {  	v10 =	vld [tilespmem:s28+$0xFFFFFFC0]  }
0x2cf: {  	v11 =	vld [tilespmem:s25+$0xFFFFFF60]  }
0x2d0: {  	v12 =	vld [tilespmem:s28+$0xFFFFFFD0]  }
0x2d1: {  	v13 =	vld [tilespmem:s25+$0xFFFFFF70]  }
0x2d2: {  	v14 =	vld [tilespmem:s28+$0xFFFFFFE0]  }
0x2d3: {  	v15 =	vld [tilespmem:s25+$0xFFFFFF80]  }
0x2d4: {  	v16 =	vld [tilespmem:s28+$0xFFFFFFF0]  }
0x2d5: {  	v17 =	vld [tilespmem:s25+$0xFFFFFF90]  }
0x2d6: {  	v61 =	vld [tilespmem:s28+$0x30];
	v1 =	vadd.f32 v2, v1  }
0x2d7: {  	s30 =	simm.s32 $0x9000;
	v2 =	vld [tilespmem:s28+$0x0];
	v3 =	vadd.f32 v4, v3  }
0x2d8: {  	v4 =	vld [tilespmem:s25+$0xFFFFFFA0];
	[tilespmem:s30+$0x70] =	vst v1;
	v1 =	vadd.f32 v6, v5  }
0x2d9: {  	v5 =	vld [tilespmem:s28+$0x10];
	[tilespmem:s30+$0xFFFFFF90] =	vst v3;
	v3 =	vadd.f32 v8, v7  }
0x2da: {  	v6 =	vld [tilespmem:s25+$0xFFFFFFB0];
	[tilespmem:s30+$0xFFFFFFA0] =	vst v1;
	v1 =	vadd.f32 v10, v9  }
0x2db: {  	v7 =	vld [tilespmem:s28+$0x20];
	[tilespmem:s30+$0xFFFFFFB0] =	vst v3;
	v3 =	vadd.f32 v12, v11  }
0x2dc: {  	v8 =	vld [tilespmem:s25+$0xFFFFFFC0];
	[tilespmem:s30+$0xFFFFFFC0] =	vst v1;
	v1 =	vadd.f32 v14, v13  }
0x2dd: {  	v62 =	vld [tilespmem:s25+$0xFFFFFFD0];
	[tilespmem:s30+$0xFFFFFFD0] =	vst v3;
	v3 =	vadd.f32 v16, v15  }
0x2de: {  	v63 =	vld [tilespmem:s28+$0x40];
	v2 =	vadd.f32 v2, v17;
	[tilespmem:s30+$0xFFFFFFE0] =	vst v1  }
0x2df: {  	[tilespmem:s30+$0xFFFFFFF0] =	vst v3;
	v3 =	vadd.f32 v5, v4;
	v1 =	vld [tilespmem:s25+$0xFFFFFFE0]  }
0x2e0: {  	[tilespmem:s30+$0x0] =	vst v2;
	v5 =	vadd.f32 v7, v6;
	v4 =	vld [tilespmem:s28+$0x50]  }
0x2e1: {  	v2 =	vld [tilespmem:s25+$0xFFFFFFF0];
	v6 =	vadd.f32 v61, v8;
	[tilespmem:s30+$0x10] =	vst v3  }
0x2e2: {  	[tilespmem:s30+$0x20] =	vst v5;
	v5 =	vld [tilespmem:s28+$0x60]  }
0x2e3: {  	s2 =	simm.s32 $0x0;
	s0 =	sadd.s32 $0x100, s25;
	v3 =	vld [tilespmem:s25+$0xFFFFFF10];
	[tilespmem:s30+$0x30] =	vst v6;
	v6 =	vadd.f32 v63, v62  }
.LBB2_27:
0x2e4: {  	v7 =	vld [tilespmem:s0+$0x0];
	s28 =	sadd.s32 $0x100, s28  }
0x2e5: {  	s2 =	sadd.s32 $0x100, s2;
	v8 =	vld [tilespmem:s28+$0x70];
	[tilespmem:s30+$0x40] =	vst v6;
	v1 =	vadd.f32 v4, v1  }
0x2e6: {  	p1 =	slt.u32 s2, $0x3F00;
	v4 =	vld [tilespmem:s28+$0xFFFFFF80]  }
0x2e7: {  	v6 =	vld [tilespmem:s0+$0xFFFFFF20];
	[tilespmem:s30+$0x50] =	vst v1;
	v1 =	vadd.f32 v5, v2  }
0x2e8: {  	v2 =	vld [tilespmem:s28+$0xFFFFFF90];
	v9 =	vadd.f32 v0, v3  }
0x2e9: {  	v3 =	vld [tilespmem:s0+$0xFFFFFF30];
	[tilespmem:s30+$0x60] =	vst v1  }
0x2ea: {  	v1 =	vld [tilespmem:s28+$0xFFFFFFA0];
	v5 =	vadd.f32 v8, v7;
	[tilespmem:s30+$0xFFFFFF80] =	vst v9  }
0x2eb: {  	s30 =	sadd.s32 $0x100, s30;
	v7 =	vld [tilespmem:s0+$0xFFFFFF40];
	v0 =	vmov v4  }
0x2ec: {  	v4 =	vld [tilespmem:s28+$0xFFFFFFB0];
	[tilespmem:s30+$0x70] =	vst v5  }
0x2ed: {  	v2 =	vadd.f32 v2, v6;
	v5 =	vld [tilespmem:s0+$0xFFFFFF50]  }
0x2ee: {  	v6 =	vld [tilespmem:s28+$0xFFFFFFC0]  }
0x2ef: {  	[tilespmem:s30+$0xFFFFFF90] =	vst v2;
	v1 =	vadd.f32 v1, v3;
	v2 =	vld [tilespmem:s0+$0xFFFFFF60]  }
0x2f0: {  	v3 =	vld [tilespmem:s28+$0xFFFFFFD0]  }
0x2f1: {  	[tilespmem:s30+$0xFFFFFFA0] =	vst v1;
	v1 =	vadd.f32 v4, v7;
	v4 =	vld [tilespmem:s0+$0xFFFFFF70]  }
0x2f2: {  	v7 =	vld [tilespmem:s28+$0xFFFFFFE0]  }
0x2f3: {  	[tilespmem:s30+$0xFFFFFFB0] =	vst v1;
	v1 =	vadd.f32 v6, v5;
	v5 =	vld [tilespmem:s0+$0xFFFFFF80]  }
0x2f4: {  	v6 =	vld [tilespmem:s28+$0xFFFFFFF0]  }
0x2f5: {  	[tilespmem:s30+$0xFFFFFFC0] =	vst v1;
	v1 =	vadd.f32 v3, v2;
	v2 =	vld [tilespmem:s0+$0xFFFFFF90]  }
0x2f6: {  	v3 =	vld [tilespmem:s28+$0x0]  }
0x2f7: {  	[tilespmem:s30+$0xFFFFFFD0] =	vst v1;
	v1 =	vadd.f32 v7, v4;
	v4 =	vld [tilespmem:s0+$0xFFFFFFA0]  }
0x2f8: {  	v7 =	vld [tilespmem:s28+$0x10]  }
0x2f9: {  	[tilespmem:s30+$0xFFFFFFE0] =	vst v1;
	v1 =	vadd.f32 v6, v5;
	v5 =	vld [tilespmem:s0+$0xFFFFFFB0]  }
0x2fa: {  	v6 =	vld [tilespmem:s28+$0x20]  }
0x2fb: {  	[tilespmem:s30+$0xFFFFFFF0] =	vst v1;
	v1 =	vadd.f32 v3, v2;
	v2 =	vld [tilespmem:s0+$0xFFFFFFC0]  }
0x2fc: {  	v3 =	vld [tilespmem:s28+$0x30]  }
0x2fd: {  	[tilespmem:s30+$0x0] =	vst v1;
	v1 =	vadd.f32 v7, v4;
	v7 =	vld [tilespmem:s0+$0xFFFFFFD0]  }
0x2fe: {  	v8 =	vld [tilespmem:s28+$0x40]  }
.Ltmp12:
0x2ff: {  	[tilespmem:s30+$0x10] =	vst v1;
	v5 =	vadd.f32 v6, v5;
	v1 =	vld [tilespmem:s0+$0xFFFFFFE0];
	(pc) =	sbr.rel @p1 .LBB2_27-.Ltmp12, $4  }
0x300: {  	v4 =	vld [tilespmem:s28+$0x50]  }
0x301: {  	[tilespmem:s30+$0x20] =	vst v5;
	v6 =	vadd.f32 v3, v2;
	v2 =	vld [tilespmem:s0+$0xFFFFFFF0]  }
0x302: {  	v5 =	vld [tilespmem:s28+$0x60]  }
0x303: {  	v3 =	vld [tilespmem:s0+$0xFFFFFF10];
	[tilespmem:s30+$0x30] =	vst v6;
	v6 =	vadd.f32 v8, v7;
	s0 =	sadd.s32 $0x100, s0  }
0x304: {  	_ =	sdelay $0x1  }
0x305: {  	s0 =	sshll.u32 s22, $0xF;
	v1 =	vadd.f32 v4, v1  }
0x306: {  	s2 =	sshll.u32 s22, $0x5;
	[tilespmem:s30+$0x40] =	vst v6;
	s0 =	sand.u32 $0x60000, s0;
	v2 =	vadd.f32 v5, v2  }
0x307: {  	s29 =	sand.u32 $0x60, s2;
	s28 =	sor.u32 s7, s0;
	[tilespmem:s30+$0x50] =	vst v1;
	v0 =	vadd.f32 v0, v3  }
0x308: {  	s0 =	sor.u32 s28, s29;
	[tilespmem:s30+$0x60] =	vst v2  }
0x309: {  	s0 =	sadd.s32 s0, s17;
	[tilespmem:s30+$0xFFFFFF80] =	vst v0  }
0x30a: {  	[hbm4b:s0+s6] =	stream.strided.scatter [tilespmem:s10], [sflag:$0x1], $0x4000, s8, s6, $0x38;
	[tilespmem:$0x10F80] =	vst v63  }
0x30b: {  	s0 =	simm.s32 @!p0 $0x2  }
0x30c: {  	_ =	swait.ge @!p0 [sflag:s0], $0x4000  }
0x30d: {  	[sflag:s0] =	ssyncset.done @!p0 $0x0  }
0x30e: {  	[sflag:s0] =	ssyncadd.s32 @!p0 $0xFFFFC000  }
0x30f: {  	s30 =	simm.s32 $0x5000;
	v1 =	vld [tilespmem:s26+$0x0]  }
0x310: {  	v2 =	vld [tilespmem:s30+$0x70]  }
0x311: {  	v0 =	vld [tilespmem:s30+$0xFFFFFF80]  }
0x312: {  	v3 =	vld [tilespmem:s26+$0xFFFFFF20]  }
0x313: {  	v4 =	vld [tilespmem:s30+$0xFFFFFF90]  }
0x314: {  	v5 =	vld [tilespmem:s26+$0xFFFFFF30]  }
0x315: {  	v6 =	vld [tilespmem:s30+$0xFFFFFFA0]  }
0x316: {  	v7 =	vld [tilespmem:s26+$0xFFFFFF40]  }
0x317: {  	v8 =	vld [tilespmem:s30+$0xFFFFFFB0]  }
0x318: {  	v9 =	vld [tilespmem:s26+$0xFFFFFF50]  }
0x319: {  	v10 =	vld [tilespmem:s30+$0xFFFFFFC0]  }
0x31a: {  	v11 =	vld [tilespmem:s26+$0xFFFFFF60]  }
0x31b: {  	v12 =	vld [tilespmem:s30+$0xFFFFFFD0]  }
0x31c: {  	v13 =	vld [tilespmem:s26+$0xFFFFFF70]  }
0x31d: {  	v14 =	vld [tilespmem:s30+$0xFFFFFFE0]  }
0x31e: {  	v15 =	vld [tilespmem:s26+$0xFFFFFF80]  }
0x31f: {  	v16 =	vld [tilespmem:s30+$0xFFFFFFF0]  }
0x320: {  	v17 =	vld [tilespmem:s26+$0xFFFFFF90]  }
0x321: {  	v61 =	vld [tilespmem:s30+$0x30];
	v1 =	vadd.f32 v2, v1  }
0x322: {  	s31 =	simm.s32 $0xD000;
	v2 =	vld [tilespmem:s30+$0x0];
	v3 =	vadd.f32 v4, v3  }
0x323: {  	v4 =	vld [tilespmem:s26+$0xFFFFFFA0];
	[tilespmem:s31+$0x70] =	vst v1;
	v1 =	vadd.f32 v6, v5  }
0x324: {  	v5 =	vld [tilespmem:s30+$0x10];
	[tilespmem:s31+$0xFFFFFF90] =	vst v3;
	v3 =	vadd.f32 v8, v7  }
0x325: {  	v6 =	vld [tilespmem:s26+$0xFFFFFFB0];
	[tilespmem:s31+$0xFFFFFFA0] =	vst v1;
	v1 =	vadd.f32 v10, v9  }
0x326: {  	v7 =	vld [tilespmem:s30+$0x20];
	[tilespmem:s31+$0xFFFFFFB0] =	vst v3;
	v3 =	vadd.f32 v12, v11  }
0x327: {  	v8 =	vld [tilespmem:s26+$0xFFFFFFC0];
	v2 =	vadd.f32 v2, v17;
	[tilespmem:s31+$0xFFFFFFC0] =	vst v1  }
0x328: {  	v62 =	vld [tilespmem:s26+$0xFFFFFFD0];
	v1 =	vadd.f32 v14, v13;
	[tilespmem:s31+$0xFFFFFFD0] =	vst v3  }
0x329: {  	v63 =	vld [tilespmem:s30+$0x40];
	v3 =	vadd.f32 v16, v15;
	[tilespmem:s31+$0x0] =	vst v2  }
0x32a: {  	v4 =	vadd.f32 v5, v4;
	[tilespmem:s31+$0xFFFFFFE0] =	vst v1;
	v1 =	vld [tilespmem:s26+$0xFFFFFFE0]  }
0x32b: {  	v5 =	vadd.f32 v7, v6;
	[tilespmem:s31+$0xFFFFFFF0] =	vst v3;
	v3 =	vld [tilespmem:s30+$0x50]  }
0x32c: {  	v6 =	vadd.f32 v61, v8;
	v2 =	vld [tilespmem:s26+$0xFFFFFFF0];
	[tilespmem:s31+$0x10] =	vst v4  }
0x32d: {  	[tilespmem:s31+$0x20] =	vst v5;
	v5 =	vld [tilespmem:s30+$0x60]  }
0x32e: {  	s2 =	simm.s32 $0x0;
	s0 =	sadd.s32 $0x100, s26;
	v4 =	vld [tilespmem:s26+$0xFFFFFF10];
	[tilespmem:s31+$0x30] =	vst v6;
	v6 =	vadd.f32 v63, v62  }
.LBB2_29:
0x32f: {  	v7 =	vld [tilespmem:s0+$0x0];
	s30 =	sadd.s32 $0x100, s30  }
0x330: {  	s2 =	sadd.s32 $0x100, s2;
	v8 =	vld [tilespmem:s30+$0x70];
	[tilespmem:s31+$0x40] =	vst v6;
	v1 =	vadd.f32 v3, v1  }
0x331: {  	p0 =	slt.u32 s2, $0x3F00;
	v3 =	vld [tilespmem:s30+$0xFFFFFF80]  }
0x332: {  	v6 =	vld [tilespmem:s0+$0xFFFFFF20];
	[tilespmem:s31+$0x50] =	vst v1;
	v1 =	vadd.f32 v5, v2  }
0x333: {  	v2 =	vld [tilespmem:s30+$0xFFFFFF90];
	v9 =	vadd.f32 v0, v4  }
0x334: {  	v4 =	vld [tilespmem:s0+$0xFFFFFF30];
	[tilespmem:s31+$0x60] =	vst v1  }
0x335: {  	v1 =	vld [tilespmem:s30+$0xFFFFFFA0];
	v5 =	vadd.f32 v8, v7;
	[tilespmem:s31+$0xFFFFFF80] =	vst v9  }
0x336: {  	s31 =	sadd.s32 $0x100, s31;
	v7 =	vld [tilespmem:s0+$0xFFFFFF40];
	v0 =	vmov v3  }
0x337: {  	v3 =	vld [tilespmem:s30+$0xFFFFFFB0];
	[tilespmem:s31+$0x70] =	vst v5  }
0x338: {  	v2 =	vadd.f32 v2, v6;
	v5 =	vld [tilespmem:s0+$0xFFFFFF50]  }
0x339: {  	v6 =	vld [tilespmem:s30+$0xFFFFFFC0]  }
0x33a: {  	[tilespmem:s31+$0xFFFFFF90] =	vst v2;
	v1 =	vadd.f32 v1, v4;
	v2 =	vld [tilespmem:s0+$0xFFFFFF60]  }
0x33b: {  	v4 =	vld [tilespmem:s30+$0xFFFFFFD0]  }
0x33c: {  	[tilespmem:s31+$0xFFFFFFA0] =	vst v1;
	v1 =	vadd.f32 v3, v7;
	v3 =	vld [tilespmem:s0+$0xFFFFFF70]  }
0x33d: {  	v7 =	vld [tilespmem:s30+$0xFFFFFFE0]  }
0x33e: {  	[tilespmem:s31+$0xFFFFFFB0] =	vst v1;
	v1 =	vadd.f32 v6, v5;
	v5 =	vld [tilespmem:s0+$0xFFFFFF80]  }
0x33f: {  	v6 =	vld [tilespmem:s30+$0xFFFFFFF0]  }
0x340: {  	[tilespmem:s31+$0xFFFFFFC0] =	vst v1;
	v1 =	vadd.f32 v4, v2;
	v2 =	vld [tilespmem:s0+$0xFFFFFF90]  }
0x341: {  	v4 =	vld [tilespmem:s30+$0x0]  }
0x342: {  	[tilespmem:s31+$0xFFFFFFD0] =	vst v1;
	v1 =	vadd.f32 v7, v3;
	v3 =	vld [tilespmem:s0+$0xFFFFFFA0]  }
0x343: {  	v7 =	vld [tilespmem:s30+$0x10]  }
0x344: {  	[tilespmem:s31+$0xFFFFFFE0] =	vst v1;
	v1 =	vadd.f32 v6, v5;
	v5 =	vld [tilespmem:s0+$0xFFFFFFB0]  }
0x345: {  	v6 =	vld [tilespmem:s30+$0x20]  }
0x346: {  	[tilespmem:s31+$0xFFFFFFF0] =	vst v1;
	v1 =	vadd.f32 v4, v2;
	v2 =	vld [tilespmem:s0+$0xFFFFFFC0]  }
0x347: {  	v4 =	vld [tilespmem:s30+$0x30]  }
0x348: {  	[tilespmem:s31+$0x0] =	vst v1;
	v1 =	vadd.f32 v7, v3;
	v7 =	vld [tilespmem:s0+$0xFFFFFFD0]  }
0x349: {  	v8 =	vld [tilespmem:s30+$0x40]  }
.Ltmp13:
0x34a: {  	[tilespmem:s31+$0x10] =	vst v1;
	v5 =	vadd.f32 v6, v5;
	v1 =	vld [tilespmem:s0+$0xFFFFFFE0];
	(pc) =	sbr.rel @p0 .LBB2_29-.Ltmp13, $4  }
0x34b: {  	v3 =	vld [tilespmem:s30+$0x50]  }
0x34c: {  	[tilespmem:s31+$0x20] =	vst v5;
	v6 =	vadd.f32 v4, v2;
	v2 =	vld [tilespmem:s0+$0xFFFFFFF0]  }
0x34d: {  	v5 =	vld [tilespmem:s30+$0x60]  }
0x34e: {  	v4 =	vld [tilespmem:s0+$0xFFFFFF10];
	[tilespmem:s31+$0x30] =	vst v6;
	v6 =	vadd.f32 v8, v7;
	s0 =	sadd.s32 $0x100, s0  }
0x34f: {  	_ = 	snop  }
0x350: {  	s22 =	sadd.s32 $0x1, s22  }
0x351: {  	v1 =	vadd.f32 v3, v1;
	p0 =	sne.s32 s22, $0x10  }
.Ltmp14:
0x352: {  	[tilespmem:s31+$0x40] =	vst v6;
	v2 =	vadd.f32 v5, v2;
	(pc) =	sbr.rel @p0 .LBB2_26-.Ltmp14, $4  }
0x353: {  	[tilespmem:s31+$0x50] =	vst v1;
	v0 =	vadd.f32 v0, v4  }
0x354: {  	s0 =	sadd.s32 s29, s18;
	[tilespmem:s31+$0x60] =	vst v2  }
0x355: {  	s25 =	sadd.s32 $0xFFFFFF00, s25;
	s26 =	sadd.s32 $0xFFFFFF00, s26;
	s0 =	sadd.s32 s28, s0;
	[tilespmem:s31+$0xFFFFFF80] =	vst v0  }
0x356: {  	[hbm4b:s0+s6] =	stream.strided.scatter [tilespmem:s13], [sflag:$0x2], $0x4000, s8, s6, $0x38;
	[tilespmem:$0x10F80] =	vst v63  }
0x357: {  	_ =	swait.ge [sflag:s16], $0x4000  }
0x358: {  	[sflag:s16] =	ssyncset.done $0x0  }
0x359: {  	[sflag:s16] =	ssyncadd.s32 $0xFFFFC000  }
0x35a: {  	_ =	swait.ge [sflag:s19], $0x4000  }
0x35b: {  	[sflag:s19] =	ssyncset.done $0x0  }
0x35c: {  	s22 =	simm.s32 $0x0;
	s0 =	rddreg [dreg:$0x11];
	[sflag:s19] =	ssyncadd.s32 $0xFFFFC000  }
0x35d: {  	[tilespmem:s1], [sflag:$0x3] =	stream.linear.gather [hbm4b:s0+s22], $0x4000, $0x38;
	[tilespmem:$0x10F80] =	vst v63  }
0x35e: {  	_ =	swait.ge [sflag:s3], $0x4000  }
0x35f: {  	[sflag:s3] =	ssyncset.done $0x0  }
0x360: {  	s31 =	rddreg [dreg:$0x9];
	[sflag:s3] =	ssyncadd.s32 $0xFFFFC000  }
0x361: {  	[tilespmem:s22], [sflag:$0x3] =	stream.linear.gather [hbm4b:s31+s22], $0x4F80, $0x38;
	[tilespmem:$0x10F80] =	vst v63  }
0x362: {  	_ =	swait.ge [sflag:s3], $0x4F80  }
0x363: {  	[sflag:s3] =	ssyncset.done $0x0  }
0x364: {  	s25 =	simm.s32 $0x1070;
	s26 =	simm.s32 $0xFF0;
	[sflag:s3] =	ssyncadd.s32 $0xFFFFB080  }
.LBB2_32:
0x365: {  	p0 =	seq.s32 s22, $0x0  }
0x366: {  	s0 =	simm.s32 @!p0 $0x1  }
0x367: {  	_ =	swait.ge @!p0 [sflag:s0], $0x4000  }
0x368: {  	[sflag:s0] =	ssyncset.done @!p0 $0x0  }
0x369: {  	[sflag:s0] =	ssyncadd.s32 @!p0 $0xFFFFC000  }
0x36a: {  	s28 =	simm.s32 $0x5000;
	v1 =	vld [tilespmem:s25+$0x0]  }
0x36b: {  	v2 =	vld [tilespmem:s28+$0x70]  }
0x36c: {  	v0 =	vld [tilespmem:s28+$0xFFFFFF80]  }
0x36d: {  	v3 =	vld [tilespmem:s25+$0xFFFFFF20]  }
0x36e: {  	v4 =	vld [tilespmem:s28+$0xFFFFFF90]  }
0x36f: {  	v5 =	vld [tilespmem:s25+$0xFFFFFF30]  }
0x370: {  	v6 =	vld [tilespmem:s28+$0xFFFFFFA0]  }
0x371: {  	v7 =	vld [tilespmem:s25+$0xFFFFFF40]  }
0x372: {  	v8 =	vld [tilespmem:s28+$0xFFFFFFB0]  }
0x373: {  	v9 =	vld [tilespmem:s25+$0xFFFFFF50]  }
0x374: {  	v10 =	vld [tilespmem:s28+$0xFFFFFFC0]  }
0x375: {  	v11 =	vld [tilespmem:s25+$0xFFFFFF60]  }
0x376: {  	v12 =	vld [tilespmem:s28+$0xFFFFFFD0]  }
0x377: {  	v13 =	vld [tilespmem:s25+$0xFFFFFF70]  }
0x378: {  	v14 =	vld [tilespmem:s28+$0xFFFFFFE0]  }
0x379: {  	v15 =	vld [tilespmem:s25+$0xFFFFFF80]  }
0x37a: {  	v16 =	vld [tilespmem:s28+$0xFFFFFFF0]  }
0x37b: {  	v17 =	vld [tilespmem:s25+$0xFFFFFF90]  }
0x37c: {  	v61 =	vld [tilespmem:s28+$0x30];
	v1 =	vadd.f32 v2, v1  }
0x37d: {  	s30 =	simm.s32 $0x9000;
	v2 =	vld [tilespmem:s28+$0x0];
	v3 =	vadd.f32 v4, v3  }
0x37e: {  	v4 =	vld [tilespmem:s25+$0xFFFFFFA0];
	[tilespmem:s30+$0x70] =	vst v1;
	v1 =	vadd.f32 v6, v5  }
0x37f: {  	v5 =	vld [tilespmem:s28+$0x10];
	[tilespmem:s30+$0xFFFFFF90] =	vst v3;
	v3 =	vadd.f32 v8, v7  }
0x380: {  	v6 =	vld [tilespmem:s25+$0xFFFFFFB0];
	[tilespmem:s30+$0xFFFFFFA0] =	vst v1;
	v1 =	vadd.f32 v10, v9  }
0x381: {  	v7 =	vld [tilespmem:s28+$0x20];
	[tilespmem:s30+$0xFFFFFFB0] =	vst v3;
	v3 =	vadd.f32 v12, v11  }
0x382: {  	v8 =	vld [tilespmem:s25+$0xFFFFFFC0];
	[tilespmem:s30+$0xFFFFFFC0] =	vst v1;
	v1 =	vadd.f32 v14, v13  }
0x383: {  	v62 =	vld [tilespmem:s25+$0xFFFFFFD0];
	[tilespmem:s30+$0xFFFFFFD0] =	vst v3;
	v3 =	vadd.f32 v16, v15  }
0x384: {  	v63 =	vld [tilespmem:s28+$0x40];
	v2 =	vadd.f32 v2, v17;
	[tilespmem:s30+$0xFFFFFFE0] =	vst v1  }
0x385: {  	[tilespmem:s30+$0xFFFFFFF0] =	vst v3;
	v3 =	vadd.f32 v5, v4;
	v1 =	vld [tilespmem:s25+$0xFFFFFFE0]  }
0x386: {  	[tilespmem:s30+$0x0] =	vst v2;
	v5 =	vadd.f32 v7, v6;
	v4 =	vld [tilespmem:s28+$0x50]  }
0x387: {  	v2 =	vld [tilespmem:s25+$0xFFFFFFF0];
	v6 =	vadd.f32 v61, v8;
	[tilespmem:s30+$0x10] =	vst v3  }
0x388: {  	[tilespmem:s30+$0x20] =	vst v5;
	v5 =	vld [tilespmem:s28+$0x60]  }
0x389: {  	s2 =	simm.s32 $0x0;
	s0 =	sadd.s32 $0x100, s25;
	v3 =	vld [tilespmem:s25+$0xFFFFFF10];
	[tilespmem:s30+$0x30] =	vst v6;
	v6 =	vadd.f32 v63, v62  }
.LBB2_33:
0x38a: {  	v7 =	vld [tilespmem:s0+$0x0];
	s28 =	sadd.s32 $0x100, s28  }
0x38b: {  	s2 =	sadd.s32 $0x100, s2;
	v8 =	vld [tilespmem:s28+$0x70];
	[tilespmem:s30+$0x40] =	vst v6;
	v1 =	vadd.f32 v4, v1  }
0x38c: {  	p1 =	slt.u32 s2, $0x3F00;
	v4 =	vld [tilespmem:s28+$0xFFFFFF80]  }
0x38d: {  	v6 =	vld [tilespmem:s0+$0xFFFFFF20];
	[tilespmem:s30+$0x50] =	vst v1;
	v1 =	vadd.f32 v5, v2  }
0x38e: {  	v2 =	vld [tilespmem:s28+$0xFFFFFF90];
	v9 =	vadd.f32 v0, v3  }
0x38f: {  	v3 =	vld [tilespmem:s0+$0xFFFFFF30];
	[tilespmem:s30+$0x60] =	vst v1  }
0x390: {  	v1 =	vld [tilespmem:s28+$0xFFFFFFA0];
	v5 =	vadd.f32 v8, v7;
	[tilespmem:s30+$0xFFFFFF80] =	vst v9  }
0x391: {  	s30 =	sadd.s32 $0x100, s30;
	v7 =	vld [tilespmem:s0+$0xFFFFFF40];
	v0 =	vmov v4  }
0x392: {  	v4 =	vld [tilespmem:s28+$0xFFFFFFB0];
	[tilespmem:s30+$0x70] =	vst v5  }
0x393: {  	v2 =	vadd.f32 v2, v6;
	v5 =	vld [tilespmem:s0+$0xFFFFFF50]  }
0x394: {  	v6 =	vld [tilespmem:s28+$0xFFFFFFC0]  }
0x395: {  	[tilespmem:s30+$0xFFFFFF90] =	vst v2;
	v1 =	vadd.f32 v1, v3;
	v2 =	vld [tilespmem:s0+$0xFFFFFF60]  }
0x396: {  	v3 =	vld [tilespmem:s28+$0xFFFFFFD0]  }
0x397: {  	[tilespmem:s30+$0xFFFFFFA0] =	vst v1;
	v1 =	vadd.f32 v4, v7;
	v4 =	vld [tilespmem:s0+$0xFFFFFF70]  }
0x398: {  	v7 =	vld [tilespmem:s28+$0xFFFFFFE0]  }
0x399: {  	[tilespmem:s30+$0xFFFFFFB0] =	vst v1;
	v1 =	vadd.f32 v6, v5;
	v5 =	vld [tilespmem:s0+$0xFFFFFF80]  }
0x39a: {  	v6 =	vld [tilespmem:s28+$0xFFFFFFF0]  }
0x39b: {  	[tilespmem:s30+$0xFFFFFFC0] =	vst v1;
	v1 =	vadd.f32 v3, v2;
	v2 =	vld [tilespmem:s0+$0xFFFFFF90]  }
0x39c: {  	v3 =	vld [tilespmem:s28+$0x0]  }
0x39d: {  	[tilespmem:s30+$0xFFFFFFD0] =	vst v1;
	v1 =	vadd.f32 v7, v4;
	v4 =	vld [tilespmem:s0+$0xFFFFFFA0]  }
0x39e: {  	v7 =	vld [tilespmem:s28+$0x10]  }
0x39f: {  	[tilespmem:s30+$0xFFFFFFE0] =	vst v1;
	v1 =	vadd.f32 v6, v5;
	v5 =	vld [tilespmem:s0+$0xFFFFFFB0]  }
0x3a0: {  	v6 =	vld [tilespmem:s28+$0x20]  }
0x3a1: {  	[tilespmem:s30+$0xFFFFFFF0] =	vst v1;
	v1 =	vadd.f32 v3, v2;
	v2 =	vld [tilespmem:s0+$0xFFFFFFC0]  }
0x3a2: {  	v3 =	vld [tilespmem:s28+$0x30]  }
0x3a3: {  	[tilespmem:s30+$0x0] =	vst v1;
	v1 =	vadd.f32 v7, v4;
	v7 =	vld [tilespmem:s0+$0xFFFFFFD0]  }
0x3a4: {  	v8 =	vld [tilespmem:s28+$0x40]  }
.Ltmp15:
0x3a5: {  	[tilespmem:s30+$0x10] =	vst v1;
	v5 =	vadd.f32 v6, v5;
	v1 =	vld [tilespmem:s0+$0xFFFFFFE0];
	(pc) =	sbr.rel @p1 .LBB2_33-.Ltmp15, $4  }
0x3a6: {  	v4 =	vld [tilespmem:s28+$0x50]  }
0x3a7: {  	[tilespmem:s30+$0x20] =	vst v5;
	v6 =	vadd.f32 v3, v2;
	v2 =	vld [tilespmem:s0+$0xFFFFFFF0]  }
0x3a8: {  	v5 =	vld [tilespmem:s28+$0x60]  }
0x3a9: {  	v3 =	vld [tilespmem:s0+$0xFFFFFF10];
	[tilespmem:s30+$0x30] =	vst v6;
	v6 =	vadd.f32 v8, v7;
	s0 =	sadd.s32 $0x100, s0  }
0x3aa: {  	_ =	sdelay $0x1  }
0x3ab: {  	s0 =	sshll.u32 s22, $0xF;
	v1 =	vadd.f32 v4, v1  }
0x3ac: {  	s2 =	sshll.u32 s22, $0x5;
	[tilespmem:s30+$0x40] =	vst v6;
	s0 =	sand.u32 $0x60000, s0;
	v2 =	vadd.f32 v5, v2  }
0x3ad: {  	s29 =	sand.u32 $0x60, s2;
	s28 =	sor.u32 s7, s0;
	[tilespmem:s30+$0x50] =	vst v1;
	v0 =	vadd.f32 v0, v3  }
0x3ae: {  	s0 =	sor.u32 s28, s29;
	[tilespmem:s30+$0x60] =	vst v2  }
0x3af: {  	s0 =	sadd.s32 s0, s20;
	[tilespmem:s30+$0xFFFFFF80] =	vst v0  }
0x3b0: {  	[hbm4b:s0+s6] =	stream.strided.scatter [tilespmem:s10], [sflag:$0x1], $0x4000, s8, s6, $0x38;
	[tilespmem:$0x10F80] =	vst v63  }
0x3b1: {  	s0 =	simm.s32 @!p0 $0x2  }
0x3b2: {  	_ =	swait.ge @!p0 [sflag:s0], $0x4000  }
0x3b3: {  	[sflag:s0] =	ssyncset.done @!p0 $0x0  }
0x3b4: {  	[sflag:s0] =	ssyncadd.s32 @!p0 $0xFFFFC000  }
0x3b5: {  	s30 =	simm.s32 $0x5000;
	v1 =	vld [tilespmem:s26+$0x0]  }
0x3b6: {  	v2 =	vld [tilespmem:s30+$0x70]  }
0x3b7: {  	v0 =	vld [tilespmem:s30+$0xFFFFFF80]  }
0x3b8: {  	v3 =	vld [tilespmem:s26+$0xFFFFFF20]  }
0x3b9: {  	v4 =	vld [tilespmem:s30+$0xFFFFFF90]  }
0x3ba: {  	v5 =	vld [tilespmem:s26+$0xFFFFFF30]  }
0x3bb: {  	v6 =	vld [tilespmem:s30+$0xFFFFFFA0]  }
0x3bc: {  	v7 =	vld [tilespmem:s26+$0xFFFFFF40]  }
0x3bd: {  	v8 =	vld [tilespmem:s30+$0xFFFFFFB0]  }
0x3be: {  	v9 =	vld [tilespmem:s26+$0xFFFFFF50]  }
0x3bf: {  	v10 =	vld [tilespmem:s30+$0xFFFFFFC0]  }
0x3c0: {  	v11 =	vld [tilespmem:s26+$0xFFFFFF60]  }
0x3c1: {  	v12 =	vld [tilespmem:s30+$0xFFFFFFD0]  }
0x3c2: {  	v13 =	vld [tilespmem:s26+$0xFFFFFF70]  }
0x3c3: {  	v14 =	vld [tilespmem:s30+$0xFFFFFFE0]  }
0x3c4: {  	v15 =	vld [tilespmem:s26+$0xFFFFFF80]  }
0x3c5: {  	v16 =	vld [tilespmem:s30+$0xFFFFFFF0]  }
0x3c6: {  	v17 =	vld [tilespmem:s26+$0xFFFFFF90]  }
0x3c7: {  	v61 =	vld [tilespmem:s30+$0x30];
	v1 =	vadd.f32 v2, v1  }
0x3c8: {  	s31 =	simm.s32 $0xD000;
	v2 =	vld [tilespmem:s30+$0x0];
	v3 =	vadd.f32 v4, v3  }
0x3c9: {  	v4 =	vld [tilespmem:s26+$0xFFFFFFA0];
	[tilespmem:s31+$0x70] =	vst v1;
	v1 =	vadd.f32 v6, v5  }
0x3ca: {  	v5 =	vld [tilespmem:s30+$0x10];
	[tilespmem:s31+$0xFFFFFF90] =	vst v3;
	v3 =	vadd.f32 v8, v7  }
0x3cb: {  	v6 =	vld [tilespmem:s26+$0xFFFFFFB0];
	[tilespmem:s31+$0xFFFFFFA0] =	vst v1;
	v1 =	vadd.f32 v10, v9  }
0x3cc: {  	v7 =	vld [tilespmem:s30+$0x20];
	[tilespmem:s31+$0xFFFFFFB0] =	vst v3;
	v3 =	vadd.f32 v12, v11  }
0x3cd: {  	v8 =	vld [tilespmem:s26+$0xFFFFFFC0];
	v2 =	vadd.f32 v2, v17;
	[tilespmem:s31+$0xFFFFFFC0] =	vst v1  }
0x3ce: {  	v62 =	vld [tilespmem:s26+$0xFFFFFFD0];
	v1 =	vadd.f32 v14, v13;
	[tilespmem:s31+$0xFFFFFFD0] =	vst v3  }
0x3cf: {  	v63 =	vld [tilespmem:s30+$0x40];
	v3 =	vadd.f32 v16, v15;
	[tilespmem:s31+$0x0] =	vst v2  }
0x3d0: {  	v4 =	vadd.f32 v5, v4;
	[tilespmem:s31+$0xFFFFFFE0] =	vst v1;
	v1 =	vld [tilespmem:s26+$0xFFFFFFE0]  }
0x3d1: {  	v5 =	vadd.f32 v7, v6;
	[tilespmem:s31+$0xFFFFFFF0] =	vst v3;
	v3 =	vld [tilespmem:s30+$0x50]  }
0x3d2: {  	v6 =	vadd.f32 v61, v8;
	v2 =	vld [tilespmem:s26+$0xFFFFFFF0];
	[tilespmem:s31+$0x10] =	vst v4  }
0x3d3: {  	[tilespmem:s31+$0x20] =	vst v5;
	v5 =	vld [tilespmem:s30+$0x60]  }
0x3d4: {  	s2 =	simm.s32 $0x0;
	s0 =	sadd.s32 $0x100, s26;
	v4 =	vld [tilespmem:s26+$0xFFFFFF10];
	[tilespmem:s31+$0x30] =	vst v6;
	v6 =	vadd.f32 v63, v62  }
.LBB2_35:
0x3d5: {  	v7 =	vld [tilespmem:s0+$0x0];
	s30 =	sadd.s32 $0x100, s30  }
0x3d6: {  	s2 =	sadd.s32 $0x100, s2;
	v8 =	vld [tilespmem:s30+$0x70];
	[tilespmem:s31+$0x40] =	vst v6;
	v1 =	vadd.f32 v3, v1  }
0x3d7: {  	p0 =	slt.u32 s2, $0x3F00;
	v3 =	vld [tilespmem:s30+$0xFFFFFF80]  }
0x3d8: {  	v6 =	vld [tilespmem:s0+$0xFFFFFF20];
	[tilespmem:s31+$0x50] =	vst v1;
	v1 =	vadd.f32 v5, v2  }
0x3d9: {  	v2 =	vld [tilespmem:s30+$0xFFFFFF90];
	v9 =	vadd.f32 v0, v4  }
0x3da: {  	v4 =	vld [tilespmem:s0+$0xFFFFFF30];
	[tilespmem:s31+$0x60] =	vst v1  }
0x3db: {  	v1 =	vld [tilespmem:s30+$0xFFFFFFA0];
	v5 =	vadd.f32 v8, v7;
	[tilespmem:s31+$0xFFFFFF80] =	vst v9  }
0x3dc: {  	s31 =	sadd.s32 $0x100, s31;
	v7 =	vld [tilespmem:s0+$0xFFFFFF40];
	v0 =	vmov v3  }
0x3dd: {  	v3 =	vld [tilespmem:s30+$0xFFFFFFB0];
	[tilespmem:s31+$0x70] =	vst v5  }
0x3de: {  	v2 =	vadd.f32 v2, v6;
	v5 =	vld [tilespmem:s0+$0xFFFFFF50]  }
0x3df: {  	v6 =	vld [tilespmem:s30+$0xFFFFFFC0]  }
0x3e0: {  	[tilespmem:s31+$0xFFFFFF90] =	vst v2;
	v1 =	vadd.f32 v1, v4;
	v2 =	vld [tilespmem:s0+$0xFFFFFF60]  }
0x3e1: {  	v4 =	vld [tilespmem:s30+$0xFFFFFFD0]  }
0x3e2: {  	[tilespmem:s31+$0xFFFFFFA0] =	vst v1;
	v1 =	vadd.f32 v3, v7;
	v3 =	vld [tilespmem:s0+$0xFFFFFF70]  }
0x3e3: {  	v7 =	vld [tilespmem:s30+$0xFFFFFFE0]  }
0x3e4: {  	[tilespmem:s31+$0xFFFFFFB0] =	vst v1;
	v1 =	vadd.f32 v6, v5;
	v5 =	vld [tilespmem:s0+$0xFFFFFF80]  }
0x3e5: {  	v6 =	vld [tilespmem:s30+$0xFFFFFFF0]  }
0x3e6: {  	[tilespmem:s31+$0xFFFFFFC0] =	vst v1;
	v1 =	vadd.f32 v4, v2;
	v2 =	vld [tilespmem:s0+$0xFFFFFF90]  }
0x3e7: {  	v4 =	vld [tilespmem:s30+$0x0]  }
0x3e8: {  	[tilespmem:s31+$0xFFFFFFD0] =	vst v1;
	v1 =	vadd.f32 v7, v3;
	v3 =	vld [tilespmem:s0+$0xFFFFFFA0]  }
0x3e9: {  	v7 =	vld [tilespmem:s30+$0x10]  }
0x3ea: {  	[tilespmem:s31+$0xFFFFFFE0] =	vst v1;
	v1 =	vadd.f32 v6, v5;
	v5 =	vld [tilespmem:s0+$0xFFFFFFB0]  }
0x3eb: {  	v6 =	vld [tilespmem:s30+$0x20]  }
0x3ec: {  	[tilespmem:s31+$0xFFFFFFF0] =	vst v1;
	v1 =	vadd.f32 v4, v2;
	v2 =	vld [tilespmem:s0+$0xFFFFFFC0]  }
0x3ed: {  	v4 =	vld [tilespmem:s30+$0x30]  }
0x3ee: {  	[tilespmem:s31+$0x0] =	vst v1;
	v1 =	vadd.f32 v7, v3;
	v7 =	vld [tilespmem:s0+$0xFFFFFFD0]  }
0x3ef: {  	v8 =	vld [tilespmem:s30+$0x40]  }
.Ltmp16:
0x3f0: {  	[tilespmem:s31+$0x10] =	vst v1;
	v5 =	vadd.f32 v6, v5;
	v1 =	vld [tilespmem:s0+$0xFFFFFFE0];
	(pc) =	sbr.rel @p0 .LBB2_35-.Ltmp16, $4  }
0x3f1: {  	v3 =	vld [tilespmem:s30+$0x50]  }
0x3f2: {  	[tilespmem:s31+$0x20] =	vst v5;
	v6 =	vadd.f32 v4, v2;
	v2 =	vld [tilespmem:s0+$0xFFFFFFF0]  }
0x3f3: {  	v5 =	vld [tilespmem:s30+$0x60]  }
0x3f4: {  	v4 =	vld [tilespmem:s0+$0xFFFFFF10];
	[tilespmem:s31+$0x30] =	vst v6;
	v6 =	vadd.f32 v8, v7;
	s0 =	sadd.s32 $0x100, s0  }
0x3f5: {  	_ = 	snop  }
0x3f6: {  	s22 =	sadd.s32 $0x1, s22  }
0x3f7: {  	v1 =	vadd.f32 v3, v1;
	p0 =	sne.s32 s22, $0x10  }
.Ltmp17:
0x3f8: {  	[tilespmem:s31+$0x40] =	vst v6;
	v2 =	vadd.f32 v5, v2;
	(pc) =	sbr.rel @p0 .LBB2_32-.Ltmp17, $4  }
0x3f9: {  	[tilespmem:s31+$0x50] =	vst v1;
	v0 =	vadd.f32 v0, v4  }
0x3fa: {  	s0 =	sadd.s32 s29, s23;
	[tilespmem:s31+$0x60] =	vst v2  }
0x3fb: {  	s25 =	sadd.s32 $0xFFFFFF00, s25;
	s26 =	sadd.s32 $0xFFFFFF00, s26;
	s0 =	sadd.s32 s28, s0;
	[tilespmem:s31+$0xFFFFFF80] =	vst v0  }
0x3fc: {  	[hbm4b:s0+s6] =	stream.strided.scatter [tilespmem:s13], [sflag:$0x2], $0x4000, s8, s6, $0x38;
	[tilespmem:$0x10F80] =	vst v63  }
0x3fd: {  	_ =	swait.ge [sflag:s16], $0x4000  }
0x3fe: {  	[sflag:s16] =	ssyncset.done $0x0  }
0x3ff: {  	[sflag:s16] =	ssyncadd.s32 $0xFFFFC000  }
0x400: {  	_ =	swait.ge [sflag:s19], $0x4000  }
0x401: {  	[sflag:s19] =	ssyncset.done $0x0  }
0x402: {  	s22 =	simm.s32 $0x0;
	s0 =	rddreg [dreg:$0x12];
	[sflag:s19] =	ssyncadd.s32 $0xFFFFC000  }
0x403: {  	[tilespmem:s1], [sflag:$0x3] =	stream.linear.gather [hbm4b:s0+s22], $0x4000, $0x38;
	[tilespmem:$0x10F80] =	vst v63  }
0x404: {  	_ =	swait.ge [sflag:s3], $0x4000  }
0x405: {  	[sflag:s3] =	ssyncset.done $0x0  }
0x406: {  	s31 =	rddreg [dreg:$0xa];
	[sflag:s3] =	ssyncadd.s32 $0xFFFFC000  }
0x407: {  	[tilespmem:s22], [sflag:$0x3] =	stream.linear.gather [hbm4b:s31+s22], $0x4F80, $0x38;
	[tilespmem:$0x10F80] =	vst v63  }
0x408: {  	_ =	swait.ge [sflag:s3], $0x4F80  }
0x409: {  	[sflag:s3] =	ssyncset.done $0x0  }
0x40a: {  	s25 =	simm.s32 $0x1070;
	s26 =	simm.s32 $0xFF0;
	[sflag:s3] =	ssyncadd.s32 $0xFFFFB080  }
.LBB2_38:
0x40b: {  	p0 =	seq.s32 s22, $0x0  }
0x40c: {  	s0 =	simm.s32 @!p0 $0x1  }
0x40d: {  	_ =	swait.ge @!p0 [sflag:s0], $0x4000  }
0x40e: {  	[sflag:s0] =	ssyncset.done @!p0 $0x0  }
0x40f: {  	[sflag:s0] =	ssyncadd.s32 @!p0 $0xFFFFC000  }
0x410: {  	s28 =	simm.s32 $0x5000;
	v1 =	vld [tilespmem:s25+$0x0]  }
0x411: {  	v2 =	vld [tilespmem:s28+$0x70]  }
0x412: {  	v0 =	vld [tilespmem:s28+$0xFFFFFF80]  }
0x413: {  	v3 =	vld [tilespmem:s25+$0xFFFFFF20]  }
0x414: {  	v4 =	vld [tilespmem:s28+$0xFFFFFF90]  }
0x415: {  	v5 =	vld [tilespmem:s25+$0xFFFFFF30]  }
0x416: {  	v6 =	vld [tilespmem:s28+$0xFFFFFFA0]  }
0x417: {  	v7 =	vld [tilespmem:s25+$0xFFFFFF40]  }
0x418: {  	v8 =	vld [tilespmem:s28+$0xFFFFFFB0]  }
0x419: {  	v9 =	vld [tilespmem:s25+$0xFFFFFF50]  }
0x41a: {  	v10 =	vld [tilespmem:s28+$0xFFFFFFC0]  }
0x41b: {  	v11 =	vld [tilespmem:s25+$0xFFFFFF60]  }
0x41c: {  	v12 =	vld [tilespmem:s28+$0xFFFFFFD0]  }
0x41d: {  	v13 =	vld [tilespmem:s25+$0xFFFFFF70]  }
0x41e: {  	v14 =	vld [tilespmem:s28+$0xFFFFFFE0]  }
0x41f: {  	v15 =	vld [tilespmem:s25+$0xFFFFFF80]  }
0x420: {  	v16 =	vld [tilespmem:s28+$0xFFFFFFF0]  }
0x421: {  	v17 =	vld [tilespmem:s25+$0xFFFFFF90]  }
0x422: {  	v61 =	vld [tilespmem:s28+$0x30];
	v1 =	vadd.f32 v2, v1  }
0x423: {  	s30 =	simm.s32 $0x9000;
	v2 =	vld [tilespmem:s28+$0x0];
	v3 =	vadd.f32 v4, v3  }
0x424: {  	v4 =	vld [tilespmem:s25+$0xFFFFFFA0];
	[tilespmem:s30+$0x70] =	vst v1;
	v1 =	vadd.f32 v6, v5  }
0x425: {  	v5 =	vld [tilespmem:s28+$0x10];
	[tilespmem:s30+$0xFFFFFF90] =	vst v3;
	v3 =	vadd.f32 v8, v7  }
0x426: {  	v6 =	vld [tilespmem:s25+$0xFFFFFFB0];
	[tilespmem:s30+$0xFFFFFFA0] =	vst v1;
	v1 =	vadd.f32 v10, v9  }
0x427: {  	v7 =	vld [tilespmem:s28+$0x20];
	[tilespmem:s30+$0xFFFFFFB0] =	vst v3;
	v3 =	vadd.f32 v12, v11  }
0x428: {  	v8 =	vld [tilespmem:s25+$0xFFFFFFC0];
	[tilespmem:s30+$0xFFFFFFC0] =	vst v1;
	v1 =	vadd.f32 v14, v13  }
0x429: {  	v62 =	vld [tilespmem:s25+$0xFFFFFFD0];
	[tilespmem:s30+$0xFFFFFFD0] =	vst v3;
	v3 =	vadd.f32 v16, v15  }
0x42a: {  	v63 =	vld [tilespmem:s28+$0x40];
	v2 =	vadd.f32 v2, v17;
	[tilespmem:s30+$0xFFFFFFE0] =	vst v1  }
0x42b: {  	[tilespmem:s30+$0xFFFFFFF0] =	vst v3;
	v3 =	vadd.f32 v5, v4;
	v1 =	vld [tilespmem:s25+$0xFFFFFFE0]  }
0x42c: {  	[tilespmem:s30+$0x0] =	vst v2;
	v5 =	vadd.f32 v7, v6;
	v4 =	vld [tilespmem:s28+$0x50]  }
0x42d: {  	v2 =	vld [tilespmem:s25+$0xFFFFFFF0];
	v6 =	vadd.f32 v61, v8;
	[tilespmem:s30+$0x10] =	vst v3  }
0x42e: {  	[tilespmem:s30+$0x20] =	vst v5;
	v5 =	vld [tilespmem:s28+$0x60]  }
0x42f: {  	s2 =	simm.s32 $0x0;
	s0 =	sadd.s32 $0x100, s25;
	v3 =	vld [tilespmem:s25+$0xFFFFFF10];
	[tilespmem:s30+$0x30] =	vst v6;
	v6 =	vadd.f32 v63, v62  }
.LBB2_39:
0x430: {  	v7 =	vld [tilespmem:s0+$0x0];
	s28 =	sadd.s32 $0x100, s28  }
0x431: {  	s2 =	sadd.s32 $0x100, s2;
	v8 =	vld [tilespmem:s28+$0x70];
	[tilespmem:s30+$0x40] =	vst v6;
	v1 =	vadd.f32 v4, v1  }
0x432: {  	p1 =	slt.u32 s2, $0x3F00;
	v4 =	vld [tilespmem:s28+$0xFFFFFF80]  }
0x433: {  	v6 =	vld [tilespmem:s0+$0xFFFFFF20];
	[tilespmem:s30+$0x50] =	vst v1;
	v1 =	vadd.f32 v5, v2  }
0x434: {  	v2 =	vld [tilespmem:s28+$0xFFFFFF90];
	v9 =	vadd.f32 v0, v3  }
0x435: {  	v3 =	vld [tilespmem:s0+$0xFFFFFF30];
	[tilespmem:s30+$0x60] =	vst v1  }
0x436: {  	v1 =	vld [tilespmem:s28+$0xFFFFFFA0];
	v5 =	vadd.f32 v8, v7;
	[tilespmem:s30+$0xFFFFFF80] =	vst v9  }
0x437: {  	s30 =	sadd.s32 $0x100, s30;
	v7 =	vld [tilespmem:s0+$0xFFFFFF40];
	v0 =	vmov v4  }
0x438: {  	v4 =	vld [tilespmem:s28+$0xFFFFFFB0];
	[tilespmem:s30+$0x70] =	vst v5  }
0x439: {  	v2 =	vadd.f32 v2, v6;
	v5 =	vld [tilespmem:s0+$0xFFFFFF50]  }
0x43a: {  	v6 =	vld [tilespmem:s28+$0xFFFFFFC0]  }
0x43b: {  	[tilespmem:s30+$0xFFFFFF90] =	vst v2;
	v1 =	vadd.f32 v1, v3;
	v2 =	vld [tilespmem:s0+$0xFFFFFF60]  }
0x43c: {  	v3 =	vld [tilespmem:s28+$0xFFFFFFD0]  }
0x43d: {  	[tilespmem:s30+$0xFFFFFFA0] =	vst v1;
	v1 =	vadd.f32 v4, v7;
	v4 =	vld [tilespmem:s0+$0xFFFFFF70]  }
0x43e: {  	v7 =	vld [tilespmem:s28+$0xFFFFFFE0]  }
0x43f: {  	[tilespmem:s30+$0xFFFFFFB0] =	vst v1;
	v1 =	vadd.f32 v6, v5;
	v5 =	vld [tilespmem:s0+$0xFFFFFF80]  }
0x440: {  	v6 =	vld [tilespmem:s28+$0xFFFFFFF0]  }
0x441: {  	[tilespmem:s30+$0xFFFFFFC0] =	vst v1;
	v1 =	vadd.f32 v3, v2;
	v2 =	vld [tilespmem:s0+$0xFFFFFF90]  }
0x442: {  	v3 =	vld [tilespmem:s28+$0x0]  }
0x443: {  	[tilespmem:s30+$0xFFFFFFD0] =	vst v1;
	v1 =	vadd.f32 v7, v4;
	v4 =	vld [tilespmem:s0+$0xFFFFFFA0]  }
0x444: {  	v7 =	vld [tilespmem:s28+$0x10]  }
0x445: {  	[tilespmem:s30+$0xFFFFFFE0] =	vst v1;
	v1 =	vadd.f32 v6, v5;
	v5 =	vld [tilespmem:s0+$0xFFFFFFB0]  }
0x446: {  	v6 =	vld [tilespmem:s28+$0x20]  }
0x447: {  	[tilespmem:s30+$0xFFFFFFF0] =	vst v1;
	v1 =	vadd.f32 v3, v2;
	v2 =	vld [tilespmem:s0+$0xFFFFFFC0]  }
0x448: {  	v3 =	vld [tilespmem:s28+$0x30]  }
0x449: {  	[tilespmem:s30+$0x0] =	vst v1;
	v1 =	vadd.f32 v7, v4;
	v7 =	vld [tilespmem:s0+$0xFFFFFFD0]  }
0x44a: {  	v8 =	vld [tilespmem:s28+$0x40]  }
.Ltmp18:
0x44b: {  	[tilespmem:s30+$0x10] =	vst v1;
	v5 =	vadd.f32 v6, v5;
	v1 =	vld [tilespmem:s0+$0xFFFFFFE0];
	(pc) =	sbr.rel @p1 .LBB2_39-.Ltmp18, $4  }
0x44c: {  	v4 =	vld [tilespmem:s28+$0x50]  }
0x44d: {  	[tilespmem:s30+$0x20] =	vst v5;
	v6 =	vadd.f32 v3, v2;
	v2 =	vld [tilespmem:s0+$0xFFFFFFF0]  }
0x44e: {  	v5 =	vld [tilespmem:s28+$0x60]  }
0x44f: {  	v3 =	vld [tilespmem:s0+$0xFFFFFF10];
	[tilespmem:s30+$0x30] =	vst v6;
	v6 =	vadd.f32 v8, v7;
	s0 =	sadd.s32 $0x100, s0  }
0x450: {  	_ =	sdelay $0x1  }
0x451: {  	s0 =	sshll.u32 s22, $0xF;
	s2 =	sshll.u32 s22, $0x5;
	v1 =	vadd.f32 v4, v1  }
0x452: {  	[tilespmem:s30+$0x40] =	vst v6;
	s28 =	sadd.s32 s7, s0;
	s29 =	sand.u32 $0x60, s2;
	v2 =	vadd.f32 v5, v2  }
0x453: {  	s0 =	sor.u32 s28, s29;
	[tilespmem:s30+$0x50] =	vst v1;
	v0 =	vadd.f32 v0, v3  }
0x454: {  	s0 =	sor.u32 $0x18000, s0;
	[tilespmem:s30+$0x60] =	vst v2  }
0x455: {  	s0 =	sadd.s32 s5, s0;
	[tilespmem:s30+$0xFFFFFF80] =	vst v0  }
0x456: {  	[hbm4b:s0+s6] =	stream.strided.scatter [tilespmem:s10], [sflag:$0x1], $0x4000, s8, s6, $0x38;
	[tilespmem:$0x10F80] =	vst v63  }
0x457: {  	s0 =	simm.s32 @!p0 $0x2  }
0x458: {  	_ =	swait.ge @!p0 [sflag:s0], $0x4000  }
0x459: {  	[sflag:s0] =	ssyncset.done @!p0 $0x0  }
0x45a: {  	[sflag:s0] =	ssyncadd.s32 @!p0 $0xFFFFC000  }
0x45b: {  	s30 =	simm.s32 $0x5000;
	v1 =	vld [tilespmem:s26+$0x0]  }
0x45c: {  	v2 =	vld [tilespmem:s30+$0x70]  }
0x45d: {  	v0 =	vld [tilespmem:s30+$0xFFFFFF80]  }
0x45e: {  	v3 =	vld [tilespmem:s26+$0xFFFFFF20]  }
0x45f: {  	v4 =	vld [tilespmem:s30+$0xFFFFFF90]  }
0x460: {  	v5 =	vld [tilespmem:s26+$0xFFFFFF30]  }
0x461: {  	v6 =	vld [tilespmem:s30+$0xFFFFFFA0]  }
0x462: {  	v7 =	vld [tilespmem:s26+$0xFFFFFF40]  }
0x463: {  	v8 =	vld [tilespmem:s30+$0xFFFFFFB0]  }
0x464: {  	v9 =	vld [tilespmem:s26+$0xFFFFFF50]  }
0x465: {  	v10 =	vld [tilespmem:s30+$0xFFFFFFC0]  }
0x466: {  	v11 =	vld [tilespmem:s26+$0xFFFFFF60]  }
0x467: {  	v12 =	vld [tilespmem:s30+$0xFFFFFFD0]  }
0x468: {  	v13 =	vld [tilespmem:s26+$0xFFFFFF70]  }
0x469: {  	v14 =	vld [tilespmem:s30+$0xFFFFFFE0]  }
0x46a: {  	v15 =	vld [tilespmem:s26+$0xFFFFFF80]  }
0x46b: {  	v16 =	vld [tilespmem:s30+$0xFFFFFFF0]  }
0x46c: {  	v17 =	vld [tilespmem:s26+$0xFFFFFF90]  }
0x46d: {  	v61 =	vld [tilespmem:s30+$0x30];
	v1 =	vadd.f32 v2, v1  }
0x46e: {  	s31 =	simm.s32 $0xD000;
	v2 =	vld [tilespmem:s30+$0x0];
	v3 =	vadd.f32 v4, v3  }
0x46f: {  	v4 =	vld [tilespmem:s26+$0xFFFFFFA0];
	[tilespmem:s31+$0x70] =	vst v1;
	v1 =	vadd.f32 v6, v5  }
0x470: {  	v5 =	vld [tilespmem:s30+$0x10];
	[tilespmem:s31+$0xFFFFFF90] =	vst v3;
	v3 =	vadd.f32 v8, v7  }
0x471: {  	v6 =	vld [tilespmem:s26+$0xFFFFFFB0];
	[tilespmem:s31+$0xFFFFFFA0] =	vst v1;
	v1 =	vadd.f32 v10, v9  }
0x472: {  	v7 =	vld [tilespmem:s30+$0x20];
	[tilespmem:s31+$0xFFFFFFB0] =	vst v3;
	v3 =	vadd.f32 v12, v11  }
0x473: {  	v8 =	vld [tilespmem:s26+$0xFFFFFFC0];
	v2 =	vadd.f32 v2, v17;
	[tilespmem:s31+$0xFFFFFFC0] =	vst v1  }
0x474: {  	v62 =	vld [tilespmem:s26+$0xFFFFFFD0];
	v1 =	vadd.f32 v14, v13;
	[tilespmem:s31+$0xFFFFFFD0] =	vst v3  }
0x475: {  	v63 =	vld [tilespmem:s30+$0x40];
	v3 =	vadd.f32 v16, v15;
	[tilespmem:s31+$0x0] =	vst v2  }
0x476: {  	v4 =	vadd.f32 v5, v4;
	[tilespmem:s31+$0xFFFFFFE0] =	vst v1;
	v1 =	vld [tilespmem:s26+$0xFFFFFFE0]  }
0x477: {  	v5 =	vadd.f32 v7, v6;
	[tilespmem:s31+$0xFFFFFFF0] =	vst v3;
	v3 =	vld [tilespmem:s30+$0x50]  }
0x478: {  	v6 =	vadd.f32 v61, v8;
	v2 =	vld [tilespmem:s26+$0xFFFFFFF0];
	[tilespmem:s31+$0x10] =	vst v4  }
0x479: {  	[tilespmem:s31+$0x20] =	vst v5;
	v5 =	vld [tilespmem:s30+$0x60]  }
0x47a: {  	s2 =	simm.s32 $0x0;
	s0 =	sadd.s32 $0x100, s26;
	v4 =	vld [tilespmem:s26+$0xFFFFFF10];
	[tilespmem:s31+$0x30] =	vst v6;
	v6 =	vadd.f32 v63, v62  }
.LBB2_41:
0x47b: {  	v7 =	vld [tilespmem:s0+$0x0];
	s30 =	sadd.s32 $0x100, s30  }
0x47c: {  	s2 =	sadd.s32 $0x100, s2;
	v8 =	vld [tilespmem:s30+$0x70];
	[tilespmem:s31+$0x40] =	vst v6;
	v1 =	vadd.f32 v3, v1  }
0x47d: {  	p0 =	slt.u32 s2, $0x3F00;
	v3 =	vld [tilespmem:s30+$0xFFFFFF80]  }
0x47e: {  	v6 =	vld [tilespmem:s0+$0xFFFFFF20];
	[tilespmem:s31+$0x50] =	vst v1;
	v1 =	vadd.f32 v5, v2  }
0x47f: {  	v2 =	vld [tilespmem:s30+$0xFFFFFF90];
	v9 =	vadd.f32 v0, v4  }
0x480: {  	v4 =	vld [tilespmem:s0+$0xFFFFFF30];
	[tilespmem:s31+$0x60] =	vst v1  }
0x481: {  	v1 =	vld [tilespmem:s30+$0xFFFFFFA0];
	v5 =	vadd.f32 v8, v7;
	[tilespmem:s31+$0xFFFFFF80] =	vst v9  }
0x482: {  	s31 =	sadd.s32 $0x100, s31;
	v7 =	vld [tilespmem:s0+$0xFFFFFF40];
	v0 =	vmov v3  }
0x483: {  	v3 =	vld [tilespmem:s30+$0xFFFFFFB0];
	[tilespmem:s31+$0x70] =	vst v5  }
0x484: {  	v2 =	vadd.f32 v2, v6;
	v5 =	vld [tilespmem:s0+$0xFFFFFF50]  }
0x485: {  	v6 =	vld [tilespmem:s30+$0xFFFFFFC0]  }
0x486: {  	[tilespmem:s31+$0xFFFFFF90] =	vst v2;
	v1 =	vadd.f32 v1, v4;
	v2 =	vld [tilespmem:s0+$0xFFFFFF60]  }
0x487: {  	v4 =	vld [tilespmem:s30+$0xFFFFFFD0]  }
0x488: {  	[tilespmem:s31+$0xFFFFFFA0] =	vst v1;
	v1 =	vadd.f32 v3, v7;
	v3 =	vld [tilespmem:s0+$0xFFFFFF70]  }
0x489: {  	v7 =	vld [tilespmem:s30+$0xFFFFFFE0]  }
0x48a: {  	[tilespmem:s31+$0xFFFFFFB0] =	vst v1;
	v1 =	vadd.f32 v6, v5;
	v5 =	vld [tilespmem:s0+$0xFFFFFF80]  }
0x48b: {  	v6 =	vld [tilespmem:s30+$0xFFFFFFF0]  }
0x48c: {  	[tilespmem:s31+$0xFFFFFFC0] =	vst v1;
	v1 =	vadd.f32 v4, v2;
	v2 =	vld [tilespmem:s0+$0xFFFFFF90]  }
0x48d: {  	v4 =	vld [tilespmem:s30+$0x0]  }
0x48e: {  	[tilespmem:s31+$0xFFFFFFD0] =	vst v1;
	v1 =	vadd.f32 v7, v3;
	v3 =	vld [tilespmem:s0+$0xFFFFFFA0]  }
0x48f: {  	v7 =	vld [tilespmem:s30+$0x10]  }
0x490: {  	[tilespmem:s31+$0xFFFFFFE0] =	vst v1;
	v1 =	vadd.f32 v6, v5;
	v5 =	vld [tilespmem:s0+$0xFFFFFFB0]  }
0x491: {  	v6 =	vld [tilespmem:s30+$0x20]  }
0x492: {  	[tilespmem:s31+$0xFFFFFFF0] =	vst v1;
	v1 =	vadd.f32 v4, v2;
	v2 =	vld [tilespmem:s0+$0xFFFFFFC0]  }
0x493: {  	v4 =	vld [tilespmem:s30+$0x30]  }
0x494: {  	[tilespmem:s31+$0x0] =	vst v1;
	v1 =	vadd.f32 v7, v3;
	v7 =	vld [tilespmem:s0+$0xFFFFFFD0]  }
0x495: {  	v8 =	vld [tilespmem:s30+$0x40]  }
.Ltmp19:
0x496: {  	[tilespmem:s31+$0x10] =	vst v1;
	v5 =	vadd.f32 v6, v5;
	v1 =	vld [tilespmem:s0+$0xFFFFFFE0];
	(pc) =	sbr.rel @p0 .LBB2_41-.Ltmp19, $4  }
0x497: {  	v3 =	vld [tilespmem:s30+$0x50]  }
0x498: {  	[tilespmem:s31+$0x20] =	vst v5;
	v6 =	vadd.f32 v4, v2;
	v2 =	vld [tilespmem:s0+$0xFFFFFFF0]  }
0x499: {  	v5 =	vld [tilespmem:s30+$0x60]  }
0x49a: {  	v4 =	vld [tilespmem:s0+$0xFFFFFF10];
	[tilespmem:s31+$0x30] =	vst v6;
	v6 =	vadd.f32 v8, v7;
	s0 =	sadd.s32 $0x100, s0  }
0x49b: {  	_ = 	snop  }
0x49c: {  	s22 =	sadd.s32 $0x1, s22  }
0x49d: {  	v1 =	vadd.f32 v3, v1;
	p0 =	sne.s32 s22, $0x10  }
.Ltmp20:
0x49e: {  	[tilespmem:s31+$0x40] =	vst v6;
	v2 =	vadd.f32 v5, v2;
	(pc) =	sbr.rel @p0 .LBB2_38-.Ltmp20, $4  }
0x49f: {  	[tilespmem:s31+$0x50] =	vst v1;
	v0 =	vadd.f32 v0, v4  }
0x4a0: {  	s0 =	sand.u32 $0xFE0000, s28;
	s2 =	sadd.s32 s29, s24;
	[tilespmem:s31+$0x60] =	vst v2  }
0x4a1: {  	s25 =	sadd.s32 $0xFFFFFF00, s25;
	s26 =	sadd.s32 $0xFFFFFF00, s26;
	s0 =	sadd.s32 s0, s2;
	[tilespmem:s31+$0xFFFFFF80] =	vst v0  }
0x4a2: {  	[hbm4b:s0+s6] =	stream.strided.scatter [tilespmem:s13], [sflag:$0x2], $0x4000, s8, s6, $0x38;
	[tilespmem:$0x10F80] =	vst v63  }
0x4a3: {  	_ =	swait.ge [sflag:s16], $0x4000  }
0x4a4: {  	[sflag:s16] =	ssyncset.done $0x0  }
0x4a5: {  	[sflag:s16] =	ssyncadd.s32 $0xFFFFC000  }
0x4a6: {  	_ =	swait.ge [sflag:s19], $0x4000  }
0x4a7: {  	[sflag:s19] =	ssyncset.done $0x0  }
0x4a8: {  	s22 =	simm.s32 $0x0;
	s0 =	rddreg [dreg:$0x13];
	[sflag:s19] =	ssyncadd.s32 $0xFFFFC000  }
0x4a9: {  	[tilespmem:s1], [sflag:$0x3] =	stream.linear.gather [hbm4b:s0+s22], $0x4000, $0x38;
	[tilespmem:$0x10F80] =	vst v63  }
0x4aa: {  	_ =	swait.ge [sflag:s3], $0x4000  }
0x4ab: {  	[sflag:s3] =	ssyncset.done $0x0  }
0x4ac: {  	s31 =	rddreg [dreg:$0xb];
	[sflag:s3] =	ssyncadd.s32 $0xFFFFC000  }
0x4ad: {  	[tilespmem:s22], [sflag:$0x3] =	stream.linear.gather [hbm4b:s31+s22], $0x4F80, $0x38;
	[tilespmem:$0x10F80] =	vst v63  }
0x4ae: {  	_ =	swait.ge [sflag:s3], $0x4F80  }
0x4af: {  	[sflag:s3] =	ssyncset.done $0x0  }
0x4b0: {  	s25 =	simm.s32 $0x1070;
	s26 =	simm.s32 $0xFF0;
	[sflag:s3] =	ssyncadd.s32 $0xFFFFB080  }
.LBB2_44:
0x4b1: {  	p0 =	seq.s32 s22, $0x0  }
0x4b2: {  	s0 =	simm.s32 @!p0 $0x1  }
0x4b3: {  	_ =	swait.ge @!p0 [sflag:s0], $0x4000  }
0x4b4: {  	[sflag:s0] =	ssyncset.done @!p0 $0x0  }
0x4b5: {  	[sflag:s0] =	ssyncadd.s32 @!p0 $0xFFFFC000  }
0x4b6: {  	s28 =	simm.s32 $0x5000;
	v1 =	vld [tilespmem:s25+$0x0]  }
0x4b7: {  	v2 =	vld [tilespmem:s28+$0x70]  }
0x4b8: {  	v0 =	vld [tilespmem:s28+$0xFFFFFF80]  }
0x4b9: {  	v3 =	vld [tilespmem:s25+$0xFFFFFF20]  }
0x4ba: {  	v4 =	vld [tilespmem:s28+$0xFFFFFF90]  }
0x4bb: {  	v5 =	vld [tilespmem:s25+$0xFFFFFF30]  }
0x4bc: {  	v6 =	vld [tilespmem:s28+$0xFFFFFFA0]  }
0x4bd: {  	v7 =	vld [tilespmem:s25+$0xFFFFFF40]  }
0x4be: {  	v8 =	vld [tilespmem:s28+$0xFFFFFFB0]  }
0x4bf: {  	v9 =	vld [tilespmem:s25+$0xFFFFFF50]  }
0x4c0: {  	v10 =	vld [tilespmem:s28+$0xFFFFFFC0]  }
0x4c1: {  	v11 =	vld [tilespmem:s25+$0xFFFFFF60]  }
0x4c2: {  	v12 =	vld [tilespmem:s28+$0xFFFFFFD0]  }
0x4c3: {  	v13 =	vld [tilespmem:s25+$0xFFFFFF70]  }
0x4c4: {  	v14 =	vld [tilespmem:s28+$0xFFFFFFE0]  }
0x4c5: {  	v15 =	vld [tilespmem:s25+$0xFFFFFF80]  }
0x4c6: {  	v16 =	vld [tilespmem:s28+$0xFFFFFFF0]  }
0x4c7: {  	v17 =	vld [tilespmem:s25+$0xFFFFFF90]  }
0x4c8: {  	v61 =	vld [tilespmem:s28+$0x30];
	v1 =	vadd.f32 v2, v1  }
0x4c9: {  	s29 =	simm.s32 $0x9000;
	v2 =	vld [tilespmem:s28+$0x0];
	v3 =	vadd.f32 v4, v3  }
0x4ca: {  	v4 =	vld [tilespmem:s25+$0xFFFFFFA0];
	[tilespmem:s29+$0x70] =	vst v1;
	v1 =	vadd.f32 v6, v5  }
0x4cb: {  	v5 =	vld [tilespmem:s28+$0x10];
	[tilespmem:s29+$0xFFFFFF90] =	vst v3;
	v3 =	vadd.f32 v8, v7  }
0x4cc: {  	v6 =	vld [tilespmem:s25+$0xFFFFFFB0];
	[tilespmem:s29+$0xFFFFFFA0] =	vst v1;
	v1 =	vadd.f32 v10, v9  }
0x4cd: {  	v7 =	vld [tilespmem:s28+$0x20];
	[tilespmem:s29+$0xFFFFFFB0] =	vst v3;
	v3 =	vadd.f32 v12, v11  }
0x4ce: {  	v8 =	vld [tilespmem:s25+$0xFFFFFFC0];
	[tilespmem:s29+$0xFFFFFFC0] =	vst v1;
	v1 =	vadd.f32 v14, v13  }
0x4cf: {  	v62 =	vld [tilespmem:s25+$0xFFFFFFD0];
	[tilespmem:s29+$0xFFFFFFD0] =	vst v3;
	v3 =	vadd.f32 v16, v15  }
0x4d0: {  	v63 =	vld [tilespmem:s28+$0x40];
	v2 =	vadd.f32 v2, v17;
	[tilespmem:s29+$0xFFFFFFE0] =	vst v1  }
0x4d1: {  	[tilespmem:s29+$0xFFFFFFF0] =	vst v3;
	v3 =	vadd.f32 v5, v4;
	v1 =	vld [tilespmem:s25+$0xFFFFFFE0]  }
0x4d2: {  	[tilespmem:s29+$0x0] =	vst v2;
	v5 =	vadd.f32 v7, v6;
	v4 =	vld [tilespmem:s28+$0x50]  }
0x4d3: {  	v2 =	vld [tilespmem:s25+$0xFFFFFFF0];
	v6 =	vadd.f32 v61, v8;
	[tilespmem:s29+$0x10] =	vst v3  }
0x4d4: {  	[tilespmem:s29+$0x20] =	vst v5;
	v5 =	vld [tilespmem:s28+$0x60]  }
0x4d5: {  	s2 =	simm.s32 $0x0;
	s0 =	sadd.s32 $0x100, s25;
	v3 =	vld [tilespmem:s25+$0xFFFFFF10];
	[tilespmem:s29+$0x30] =	vst v6;
	v6 =	vadd.f32 v63, v62  }
.LBB2_45:
0x4d6: {  	v7 =	vld [tilespmem:s0+$0x0];
	s28 =	sadd.s32 $0x100, s28  }
0x4d7: {  	s2 =	sadd.s32 $0x100, s2;
	v8 =	vld [tilespmem:s28+$0x70];
	[tilespmem:s29+$0x40] =	vst v6;
	v1 =	vadd.f32 v4, v1  }
0x4d8: {  	p1 =	slt.u32 s2, $0x3F00;
	v4 =	vld [tilespmem:s28+$0xFFFFFF80]  }
0x4d9: {  	v6 =	vld [tilespmem:s0+$0xFFFFFF20];
	[tilespmem:s29+$0x50] =	vst v1;
	v1 =	vadd.f32 v5, v2  }
0x4da: {  	v2 =	vld [tilespmem:s28+$0xFFFFFF90];
	v9 =	vadd.f32 v0, v3  }
0x4db: {  	v3 =	vld [tilespmem:s0+$0xFFFFFF30];
	[tilespmem:s29+$0x60] =	vst v1  }
0x4dc: {  	v1 =	vld [tilespmem:s28+$0xFFFFFFA0];
	v5 =	vadd.f32 v8, v7;
	[tilespmem:s29+$0xFFFFFF80] =	vst v9  }
0x4dd: {  	s29 =	sadd.s32 $0x100, s29;
	v7 =	vld [tilespmem:s0+$0xFFFFFF40];
	v0 =	vmov v4  }
0x4de: {  	v4 =	vld [tilespmem:s28+$0xFFFFFFB0];
	[tilespmem:s29+$0x70] =	vst v5  }
0x4df: {  	v2 =	vadd.f32 v2, v6;
	v5 =	vld [tilespmem:s0+$0xFFFFFF50]  }
0x4e0: {  	v6 =	vld [tilespmem:s28+$0xFFFFFFC0]  }
0x4e1: {  	[tilespmem:s29+$0xFFFFFF90] =	vst v2;
	v1 =	vadd.f32 v1, v3;
	v2 =	vld [tilespmem:s0+$0xFFFFFF60]  }
0x4e2: {  	v3 =	vld [tilespmem:s28+$0xFFFFFFD0]  }
0x4e3: {  	[tilespmem:s29+$0xFFFFFFA0] =	vst v1;
	v1 =	vadd.f32 v4, v7;
	v4 =	vld [tilespmem:s0+$0xFFFFFF70]  }
0x4e4: {  	v7 =	vld [tilespmem:s28+$0xFFFFFFE0]  }
0x4e5: {  	[tilespmem:s29+$0xFFFFFFB0] =	vst v1;
	v1 =	vadd.f32 v6, v5;
	v5 =	vld [tilespmem:s0+$0xFFFFFF80]  }
0x4e6: {  	v6 =	vld [tilespmem:s28+$0xFFFFFFF0]  }
0x4e7: {  	[tilespmem:s29+$0xFFFFFFC0] =	vst v1;
	v1 =	vadd.f32 v3, v2;
	v2 =	vld [tilespmem:s0+$0xFFFFFF90]  }
0x4e8: {  	v3 =	vld [tilespmem:s28+$0x0]  }
0x4e9: {  	[tilespmem:s29+$0xFFFFFFD0] =	vst v1;
	v1 =	vadd.f32 v7, v4;
	v4 =	vld [tilespmem:s0+$0xFFFFFFA0]  }
0x4ea: {  	v7 =	vld [tilespmem:s28+$0x10]  }
0x4eb: {  	[tilespmem:s29+$0xFFFFFFE0] =	vst v1;
	v1 =	vadd.f32 v6, v5;
	v5 =	vld [tilespmem:s0+$0xFFFFFFB0]  }
0x4ec: {  	v6 =	vld [tilespmem:s28+$0x20]  }
0x4ed: {  	[tilespmem:s29+$0xFFFFFFF0] =	vst v1;
	v1 =	vadd.f32 v3, v2;
	v2 =	vld [tilespmem:s0+$0xFFFFFFC0]  }
0x4ee: {  	v3 =	vld [tilespmem:s28+$0x30]  }
0x4ef: {  	[tilespmem:s29+$0x0] =	vst v1;
	v1 =	vadd.f32 v7, v4;
	v7 =	vld [tilespmem:s0+$0xFFFFFFD0]  }
0x4f0: {  	v8 =	vld [tilespmem:s28+$0x40]  }
.Ltmp21:
0x4f1: {  	[tilespmem:s29+$0x10] =	vst v1;
	v5 =	vadd.f32 v6, v5;
	v1 =	vld [tilespmem:s0+$0xFFFFFFE0];
	(pc) =	sbr.rel @p1 .LBB2_45-.Ltmp21, $4  }
0x4f2: {  	v4 =	vld [tilespmem:s28+$0x50]  }
0x4f3: {  	[tilespmem:s29+$0x20] =	vst v5;
	v6 =	vadd.f32 v3, v2;
	v2 =	vld [tilespmem:s0+$0xFFFFFFF0]  }
0x4f4: {  	v5 =	vld [tilespmem:s28+$0x60]  }
0x4f5: {  	v3 =	vld [tilespmem:s0+$0xFFFFFF10];
	[tilespmem:s29+$0x30] =	vst v6;
	v6 =	vadd.f32 v8, v7;
	s0 =	sadd.s32 $0x100, s0  }
0x4f6: {  	_ =	sdelay $0x1  }
0x4f7: {  	s0 =	sshll.u32 s22, $0xF;
	s2 =	sshll.u32 s22, $0x5;
	v1 =	vadd.f32 v4, v1  }
0x4f8: {  	[tilespmem:s29+$0x40] =	vst v6;
	s0 =	sadd.s32 s7, s0;
	s2 =	sand.u32 $0x60, s2;
	v2 =	vadd.f32 v5, v2  }
0x4f9: {  	s28 =	sor.u32 s0, s2;
	[tilespmem:s29+$0x50] =	vst v1;
	v0 =	vadd.f32 v0, v3  }
0x4fa: {  	s0 =	sor.u32 $0x1C000, s28;
	[tilespmem:s29+$0x60] =	vst v2  }
0x4fb: {  	s0 =	sadd.s32 s5, s0;
	[tilespmem:s29+$0xFFFFFF80] =	vst v0  }
0x4fc: {  	[hbm4b:s0+s6] =	stream.strided.scatter [tilespmem:s10], [sflag:$0x1], $0x4000, s8, s6, $0x38;
	[tilespmem:$0x10F80] =	vst v63  }
0x4fd: {  	s0 =	simm.s32 @!p0 $0x2  }
0x4fe: {  	_ =	swait.ge @!p0 [sflag:s0], $0x4000  }
0x4ff: {  	[sflag:s0] =	ssyncset.done @!p0 $0x0  }
0x500: {  	[sflag:s0] =	ssyncadd.s32 @!p0 $0xFFFFC000  }
0x501: {  	s29 =	simm.s32 $0x5000;
	v1 =	vld [tilespmem:s26+$0x0]  }
0x502: {  	v2 =	vld [tilespmem:s29+$0x70]  }
0x503: {  	v0 =	vld [tilespmem:s29+$0xFFFFFF80]  }
0x504: {  	v3 =	vld [tilespmem:s26+$0xFFFFFF20]  }
0x505: {  	v4 =	vld [tilespmem:s29+$0xFFFFFF90]  }
0x506: {  	v5 =	vld [tilespmem:s26+$0xFFFFFF30]  }
0x507: {  	v6 =	vld [tilespmem:s29+$0xFFFFFFA0]  }
0x508: {  	v7 =	vld [tilespmem:s26+$0xFFFFFF40]  }
0x509: {  	v8 =	vld [tilespmem:s29+$0xFFFFFFB0]  }
0x50a: {  	v9 =	vld [tilespmem:s26+$0xFFFFFF50]  }
0x50b: {  	v10 =	vld [tilespmem:s29+$0xFFFFFFC0]  }
0x50c: {  	v11 =	vld [tilespmem:s26+$0xFFFFFF60]  }
0x50d: {  	v12 =	vld [tilespmem:s29+$0xFFFFFFD0]  }
0x50e: {  	v13 =	vld [tilespmem:s26+$0xFFFFFF70]  }
0x50f: {  	v14 =	vld [tilespmem:s29+$0xFFFFFFE0]  }
0x510: {  	v15 =	vld [tilespmem:s26+$0xFFFFFF80]  }
0x511: {  	v16 =	vld [tilespmem:s29+$0xFFFFFFF0]  }
0x512: {  	v17 =	vld [tilespmem:s26+$0xFFFFFF90]  }
0x513: {  	v61 =	vld [tilespmem:s29+$0x30];
	v1 =	vadd.f32 v2, v1  }
0x514: {  	s30 =	simm.s32 $0xD000;
	v2 =	vld [tilespmem:s29+$0x0];
	v3 =	vadd.f32 v4, v3  }
0x515: {  	v4 =	vld [tilespmem:s26+$0xFFFFFFA0];
	[tilespmem:s30+$0x70] =	vst v1;
	v1 =	vadd.f32 v6, v5  }
0x516: {  	v5 =	vld [tilespmem:s29+$0x10];
	[tilespmem:s30+$0xFFFFFF90] =	vst v3;
	v3 =	vadd.f32 v8, v7  }
0x517: {  	v6 =	vld [tilespmem:s26+$0xFFFFFFB0];
	[tilespmem:s30+$0xFFFFFFA0] =	vst v1;
	v1 =	vadd.f32 v10, v9  }
0x518: {  	v7 =	vld [tilespmem:s29+$0x20];
	[tilespmem:s30+$0xFFFFFFB0] =	vst v3;
	v3 =	vadd.f32 v12, v11  }
0x519: {  	v8 =	vld [tilespmem:s26+$0xFFFFFFC0];
	v2 =	vadd.f32 v2, v17;
	[tilespmem:s30+$0xFFFFFFC0] =	vst v1  }
0x51a: {  	v62 =	vld [tilespmem:s26+$0xFFFFFFD0];
	v1 =	vadd.f32 v14, v13;
	[tilespmem:s30+$0xFFFFFFD0] =	vst v3  }
0x51b: {  	v63 =	vld [tilespmem:s29+$0x40];
	v3 =	vadd.f32 v16, v15;
	[tilespmem:s30+$0x0] =	vst v2  }
0x51c: {  	v4 =	vadd.f32 v5, v4;
	[tilespmem:s30+$0xFFFFFFE0] =	vst v1;
	v1 =	vld [tilespmem:s26+$0xFFFFFFE0]  }
0x51d: {  	v5 =	vadd.f32 v7, v6;
	[tilespmem:s30+$0xFFFFFFF0] =	vst v3;
	v3 =	vld [tilespmem:s29+$0x50]  }
0x51e: {  	v6 =	vadd.f32 v61, v8;
	v2 =	vld [tilespmem:s26+$0xFFFFFFF0];
	[tilespmem:s30+$0x10] =	vst v4  }
0x51f: {  	[tilespmem:s30+$0x20] =	vst v5;
	v5 =	vld [tilespmem:s29+$0x60]  }
0x520: {  	s2 =	simm.s32 $0x0;
	s0 =	sadd.s32 $0x100, s26;
	v4 =	vld [tilespmem:s26+$0xFFFFFF10];
	[tilespmem:s30+$0x30] =	vst v6;
	v6 =	vadd.f32 v63, v62  }
.LBB2_47:
0x521: {  	v7 =	vld [tilespmem:s0+$0x0];
	s29 =	sadd.s32 $0x100, s29  }
0x522: {  	s2 =	sadd.s32 $0x100, s2;
	v8 =	vld [tilespmem:s29+$0x70];
	[tilespmem:s30+$0x40] =	vst v6;
	v1 =	vadd.f32 v3, v1  }
0x523: {  	p0 =	slt.u32 s2, $0x3F00;
	v3 =	vld [tilespmem:s29+$0xFFFFFF80]  }
0x524: {  	v6 =	vld [tilespmem:s0+$0xFFFFFF20];
	[tilespmem:s30+$0x50] =	vst v1;
	v1 =	vadd.f32 v5, v2  }
0x525: {  	v2 =	vld [tilespmem:s29+$0xFFFFFF90];
	v9 =	vadd.f32 v0, v4  }
0x526: {  	v4 =	vld [tilespmem:s0+$0xFFFFFF30];
	[tilespmem:s30+$0x60] =	vst v1  }
0x527: {  	v1 =	vld [tilespmem:s29+$0xFFFFFFA0];
	v5 =	vadd.f32 v8, v7;
	[tilespmem:s30+$0xFFFFFF80] =	vst v9  }
0x528: {  	s30 =	sadd.s32 $0x100, s30;
	v7 =	vld [tilespmem:s0+$0xFFFFFF40];
	v0 =	vmov v3  }
0x529: {  	v3 =	vld [tilespmem:s29+$0xFFFFFFB0];
	[tilespmem:s30+$0x70] =	vst v5  }
0x52a: {  	v2 =	vadd.f32 v2, v6;
	v5 =	vld [tilespmem:s0+$0xFFFFFF50]  }
0x52b: {  	v6 =	vld [tilespmem:s29+$0xFFFFFFC0]  }
0x52c: {  	[tilespmem:s30+$0xFFFFFF90] =	vst v2;
	v1 =	vadd.f32 v1, v4;
	v2 =	vld [tilespmem:s0+$0xFFFFFF60]  }
0x52d: {  	v4 =	vld [tilespmem:s29+$0xFFFFFFD0]  }
0x52e: {  	[tilespmem:s30+$0xFFFFFFA0] =	vst v1;
	v1 =	vadd.f32 v3, v7;
	v3 =	vld [tilespmem:s0+$0xFFFFFF70]  }
0x52f: {  	v7 =	vld [tilespmem:s29+$0xFFFFFFE0]  }
0x530: {  	[tilespmem:s30+$0xFFFFFFB0] =	vst v1;
	v1 =	vadd.f32 v6, v5;
	v5 =	vld [tilespmem:s0+$0xFFFFFF80]  }
0x531: {  	v6 =	vld [tilespmem:s29+$0xFFFFFFF0]  }
0x532: {  	[tilespmem:s30+$0xFFFFFFC0] =	vst v1;
	v1 =	vadd.f32 v4, v2;
	v2 =	vld [tilespmem:s0+$0xFFFFFF90]  }
0x533: {  	v4 =	vld [tilespmem:s29+$0x0]  }
0x534: {  	[tilespmem:s30+$0xFFFFFFD0] =	vst v1;
	v1 =	vadd.f32 v7, v3;
	v3 =	vld [tilespmem:s0+$0xFFFFFFA0]  }
0x535: {  	v7 =	vld [tilespmem:s29+$0x10]  }
0x536: {  	[tilespmem:s30+$0xFFFFFFE0] =	vst v1;
	v1 =	vadd.f32 v6, v5;
	v5 =	vld [tilespmem:s0+$0xFFFFFFB0]  }
0x537: {  	v6 =	vld [tilespmem:s29+$0x20]  }
0x538: {  	[tilespmem:s30+$0xFFFFFFF0] =	vst v1;
	v1 =	vadd.f32 v4, v2;
	v2 =	vld [tilespmem:s0+$0xFFFFFFC0]  }
0x539: {  	v4 =	vld [tilespmem:s29+$0x30]  }
0x53a: {  	[tilespmem:s30+$0x0] =	vst v1;
	v1 =	vadd.f32 v7, v3;
	v7 =	vld [tilespmem:s0+$0xFFFFFFD0]  }
0x53b: {  	v8 =	vld [tilespmem:s29+$0x40]  }
.Ltmp22:
0x53c: {  	[tilespmem:s30+$0x10] =	vst v1;
	v5 =	vadd.f32 v6, v5;
	v1 =	vld [tilespmem:s0+$0xFFFFFFE0];
	(pc) =	sbr.rel @p0 .LBB2_47-.Ltmp22, $4  }
0x53d: {  	v3 =	vld [tilespmem:s29+$0x50]  }
0x53e: {  	[tilespmem:s30+$0x20] =	vst v5;
	v6 =	vadd.f32 v4, v2;
	v2 =	vld [tilespmem:s0+$0xFFFFFFF0]  }
0x53f: {  	v5 =	vld [tilespmem:s29+$0x60]  }
0x540: {  	v4 =	vld [tilespmem:s0+$0xFFFFFF10];
	[tilespmem:s30+$0x30] =	vst v6;
	v6 =	vadd.f32 v8, v7;
	s0 =	sadd.s32 $0x100, s0  }
0x541: {  	_ = 	snop  }
0x542: {  	s22 =	sadd.s32 $0x1, s22  }
0x543: {  	v1 =	vadd.f32 v3, v1;
	p0 =	sne.s32 s22, $0x10  }
.Ltmp23:
0x544: {  	[tilespmem:s30+$0x40] =	vst v6;
	v2 =	vadd.f32 v5, v2;
	(pc) =	sbr.rel @p0 .LBB2_44-.Ltmp23, $4  }
0x545: {  	[tilespmem:s30+$0x50] =	vst v1;
	v0 =	vadd.f32 v0, v4  }
0x546: {  	s0 =	sor.u32 $0x1C010, s28;
	[tilespmem:s30+$0x60] =	vst v2  }
0x547: {  	s25 =	sadd.s32 $0xFFFFFF00, s25;
	s26 =	sadd.s32 $0xFFFFFF00, s26;
	s0 =	sadd.s32 s5, s0;
	[tilespmem:s30+$0xFFFFFF80] =	vst v0  }
0x548: {  	[hbm4b:s0+s6] =	stream.strided.scatter [tilespmem:s13], [sflag:$0x2], $0x4000, s8, s6, $0x38;
	[tilespmem:$0x10F80] =	vst v63  }
0x549: {  	_ =	swait.ge [sflag:s16], $0x4000  }
0x54a: {  	[sflag:s16] =	ssyncset.done $0x0  }
0x54b: {  	[sflag:s16] =	ssyncadd.s32 $0xFFFFC000  }
0x54c: {  	_ =	swait.ge [sflag:s19], $0x4000  }
0x54d: {  	s21 =	sadd.s32 $0x1, s21;
	s0 =	rddreg [dreg:$0xc]  }
0x54e: {  	p0 =	sne.s32 s21, s0  }
.Ltmp24:
0x54f: {  	_ = 	snop;
	(pc) =	sbr.rel @p0 .LBB2_1-.Ltmp24, $3  }
0x550: {  	_ =	sdelay $0x1  }
0x551: {  	[sflag:s19] =	ssyncset.done $0x0  }
0x552: {  	[sflag:s19] =	ssyncadd.s32 $0xFFFFC000  }
0x553: {  	_ =	sfence.sel $0x180000  }
0x554: {  	[bflag:$0x0] =	sbarrier.arrive $0xFFFF  }
0x555: {  	_ =	strace $0x90000047  }
0x556: {  	s0 =	stileid.u32;
	[bflag:$0x2] =	sbarrier.arrive $0xFFFF  }
0x557: {  	p0 =	sne.s32 s0, $0x0;
	s0 =	rddreg [dreg:$0x3]  }
0x558: {  	s0 =	sadd.s32 @!p0 $0x100000, s0  }
0x559: {  	[sflag:s0] =	ssyncadd.tile.s32 @!p0 $0x1;
	_ =	shalt  }
.Lfunc_end2:
_tile_overlayer_lowered:
.L_overlay_start_2:
0x55a: {  	(tag) =	ssettag $0x2  }
0x55b: {  	s0 =	rddreg [dreg:$0x0];
	s2 =	stileid.u32  }
0x55c: {  	s1 =	rddreg [dreg:$0x1];
	p0 =	sne.s32 s2, $0x0  }
0x55d: {  	s3 =	rddreg [dreg:$0x2];
	[bflag:$0x3] =	sbarrier.arrive $0xFFFF;
	s2 =	simm.s32 @!p0 $0x1C03  }
0x55e: {  	[timem:s3], [sflag:s2] =	dma.local @!p0 [hbm:s0], s1  }
0x55f: {  	s0 =	simm.s32 @!p0 $0x3  }
0x560: {  	_ =	swait.ge @!p0 [sflag:s0], s1  }
0x561: {  	s1 =	ssub.s32 @!p0 $0x0, s1;
	[sflag:s0] =	ssyncset.done @!p0 $0x0  }
0x562: {  	[sflag:s0] =	ssyncadd.s32 @!p0 s1  }
0x563: {  	[bflag:$0x3] =	sbarrier.arrive $0xFFFF  }
0x564: {  	_ =	shalt  }

// kernel: sparse-core-data-format-call.cloned.1.call-start
scs
called_computation_lowered:
.L_overlay_start_0:
0x0: {  	s2 =	sld [smem:$0x3FD9]  }
0x1: {  	s3 =	sld [smem:$0x3FFE];
	_ =	sdelay $0x1  }
0x2: {  	s1 =	srdreg.scid  }
0x3: {  	s0 =	sand.u32 $0x1, s1  }
0x4: {  	s18 =	sshll.u32 s0, $0xA;
	s2 =	sadd.s32 s3, s2  }
0x5: {  	s2 =	sadd.s32 s2, s18  }
0x6: {  	[smem:$0x3FC6] =	sst s2  }
0x7: {  	_ = 	snop  }
0x8: {  	s2 =	sld [smem:$0x3FD0];
	(tm) =	ssettm $0x1  }
0x9: {  	s19 =	sld [smem:$0x3FFB];
	_ =	sdelay $0x3  }
0xa: {  	_ =	strace s19  }
0xb: {  	s3 =	sld [smem:$0x3FFC];
	_ =	sdelay $0x3  }
0xc: {  	_ =	strace s3  }
0xd: {  	s3 =	sld [smem:$0x3FFD];
	_ =	sdelay $0x3  }
0xe: {  	_ =	strace s3  }
0xf: {  	_ =	strace $0x8FFFFFFF  }
0x10: {  	s20 =	sld [smem:$0x3FDB];
	_ =	sdelay $0x1  }
0x11: {  	s4 =	simm.s32 $_scs_section_size  }
0x12: {  	s5 =	simm.s32 $_size__tile_overlayer_lowered;
	s6 =	simm.s32 $_tile_overlayer_lowered  }
0x13: {  	s23 =	simm.s32 $0x1BFF;
	s22 =	sshll.u32 s6, $0x1;
	s3 =	sadd.s32 s4, s20  }
0x14: {  	s7 =	simm.s32 $0x0;
	s21 =	sshll.u32 s5, $0x1;
	s5 =	sadd.s32 s22, s3  }
0x15: {  	[timem:s7], [sflag:s23] =	dma.local [hbm:s5], s21  }
0x16: {  	_ =	swait.ge [sflag:s23], s21  }
0x17: {  	s4 =	ssub.s32 $0x0, s21;
	[sflag:s23] =	ssyncset.done $0x0  }
0x18: {  	[sflag:s23] =	ssyncadd.s32 s4;
	_ =	sdelay $0x1  }
0x19: {  	s24 =	simm.s32 $0x1B8B  }
0x1a: {  	_ =	swait.ge [sflag:s24], $0x1  }
0x1b: {  	[sflag:s24] =	ssyncset.done $0x0  }
0x1c: {  	s26 =	simm.s32 $0x1B8E;
	s25 =	sld [smem:$0x3FFE];
	[sflag:s24] =	ssyncadd.s32 $0xFFFFFFFF  }
0x1d: {  	s27 =	simm.s32 $execute0_lowered;
	[smem:$0x3FD2] =	sst s26  }
0x1e: {  	s5 =	sshll.u32 s27, $0x1;
	_ =	strace $0x80000049;
	[dreg:$0x1] =	wrdreg $0xFFFFFFFF  }
0x1f: {  	s28 =	simm.s32 $_size_execute0_lowered;
	s3 =	sadd.s32 s3, s5;
	[dreg:$0x0] =	wrdreg $0x0  }
0x20: {  	s5 =	sshll.u32 s28, $0x1;
	[dreg:$0x2] =	wrdreg s3  }
0x21: {  	[dreg:$0x3] =	wrdreg s5  }
0x22: {  	[dreg:$0x4] =	wrdreg $0xC0  }
0x23: {  	_ =	task [dreg:s7], $0x5FFFF  }
0x24: {  	[dreg:$0x1] =	wrdreg $0xFFFFFFFF  }
0x25: {  	[dreg:$0x0] =	wrdreg $0x60  }
0x26: {  	[dreg:$0x2] =	wrdreg s25  }
0x27: {  	[dreg:$0x3] =	wrdreg s2  }
0x28: {  	[dreg:$0x4] =	wrdreg $0x9  }
0x29: {  	_ =	task.clear_ibuf [dreg:s7], $0x5FFFF;
	_ =	strace $0x90000049  }
0x2a: {  	s29 =	simm.s32 $0x9;
	_ =	strace $0x8000004B  }
0x2b: {  	_ =	swait.ge [sflag:s29], $0x1  }
0x2c: {  	[sflag:s29] =	ssyncadd.s32 $0xFFFFFFFF  }
0x2d: {  	_ =	strace $0x9000004B  }
0x2e: {  	_ =	sfence  }
0x2f: {  	s30 =	sld [smem:$0x0];
	_ =	sdelay $0x2  }
0x30: {  	s31 =	sshll.u32 s1, $0xD;
	s1 =	sshrl.u32 s1, $0x2  }
0x31: {  	s3 =	sand.u32 $0x4000, s31;
	s1 =	sadd.s32 s1, s30  }
0x32: {  	s0 =	sor.u32 s3, s0;
	s1 =	sshll.u32 s1, $0x11  }
0x33: {  	s0 =	sor.u32 s1, s0  }
0x34: {  	s0 =	sadd.s32 $0x8F2B, s0  }
0x35: {  	[sflag:s0] =	ssyncadd.remote.s32 $0x1  }
0x36: {  	_ =	sfence.sel $0xFFFF  }
0x37: {  	[dreg:$0x0] =	wrdreg $0xFFFFFFFF;
	(pc) =	sbr.abs _section_cstart, $3  }
0x38: {  	[dreg:$0x1] =	wrdreg $0xFFFFFFFF  }
0x39: {  	_ =	task.clear_ibuf [dreg:s7], $0x2FFFF;
	_ =	strace $0x9FFFFFFF  }
0x3a: {  	(tm) =	ssettm $0x7FFFFFFF  }
0x3b: {  	_ =	shalt  }
tec
execute0_lowered:
.L_overlay_start_1:
0x0: {  	(tag) =	ssettag $0x1  }
0x1: {  	s1 =	rddreg [dreg:$0x0]  }
0x2: {  	s2 =	rddreg [dreg:$0x1]  }
0x3: {  	s0 =	rddreg [dreg:$0x2];
	_ =	strace $0x8000004A;
	s4 =	srdreg.scid  }
0x4: {  	s6 =	simm.s32 $0x2;
	s11 =	simm.s32 $0x0;
	p0 =	por $0x0, $0x0  }
.Ltmp0:
0x5: {  	s7 =	simm.s32 $0x20000;
	s12 =	simm.s32 $0x0;
	(pc) =	sbr.rel .LBB1_1-.Ltmp0, $4  }
0x6: {  	s9 =	simm.s32 $0x0;
	s3 =	sadd.s32 $0x800, s1;
	s5 =	sshll.u32 s4, $0x4  }
0x7: {  	s1 =	stileid.u32;
	s4 =	simm.s32 $0x1;
	s5 =	sand.u32 $0x10, s5  }
0x8: {  	s8 =	simm.s32 $0x0;
	[sflag:s4] =	ssyncpa.u1 $0x0;
	s5 =	sor.u32 s1, s5  }
0x9: {  	[sflag:s6] =	ssyncpa.u1 $0x0;
	s6 =	simm.s32 $0x800;
	s10 =	smov.u32 s5  }
.LBB1_7:
0xa: {  	s13 =	sadd.s32 $0x10, s9  }
0xb: {  	s11 =	sadd.s32 $0x20, s10;
	s15 =	smov.u32 s10;
	p2 =	sgt.s32 s13, $0x3FF  }
0xc: {  	p1 =	slt.u32 s8, $0x2;
	s15 =	smov.u32 @p2 s11  }
0xd: {  	s8 =	sadd.s32 $0x1, s8;
	s13 =	simm.s32 @p2 $0x0;
	p2 =	sgt.s32 s15, $0x7F  }
0xe: {  	s15 =	smov.u32 @p2 s5;
	p2 =	sne.s32 s8, $0x102  }
.Ltmp1:
0xf: {  	_ = 	snop;
	(pc) =	sbr.rel @!p2 .LBB1_8-.Ltmp1, $4  }
0x10: {  	s14 =	simm.s32 @!p1 $0x2  }
0x11: {  	s12 =	smov.u32 s10;
	_ =	swait.ge @!p1 [sflag:s14], $0x4000  }
0x12: {  	p0 =	por !p0, !p0;
	s11 =	smov.u32 s9;
	[sflag:s14] =	ssyncset.done @!p1 $0x0  }
0x13: {  	s9 =	smov.u32 s13;
	[sflag:s14] =	ssyncadd.s32 @!p1 $0xFFFFC000;
	s10 =	smov.u32 s15  }
.LBB1_1:
0x14: {  	p1 =	sgt.u32 s8, $0xFF  }
0x15: {  	s13 =	sxor.u32 @!p1 $0xFFFFFFFF, s8;
	s14 =	sshll.u32 @!p1 s10, $0x11  }
0x16: {  	s15 =	sshll.u32 @!p1 s9, $0x7;
	s13 =	sshll.u32 @!p1 s13, $0xE;
	s14 =	sadd.s32 @!p1 s3, s14  }
0x17: {  	s13 =	sand.u32 @!p1 $0x4000, s13;
	s14 =	sadd.s32 @!p1 s15, s14;
	s15 =	simm.s32 @!p1 $0x0  }
0x18: {  	[tilespmem:s13], [sflag:$0x1] =	stream.linear.gather @!p1 [hbm4b:s14+s15], $0x4000, $0x38;
	[tilespmem:$0x10000] =	vst v63  }
0x19: {  	p1 =	seq.s32 s8, $0x0  }
0x1a: {  	p2 =	seq.s32 @!p1 s8, $0x101  }
0x1b: {  	p1 =	por p1, p2  }
.Ltmp2:
0x1c: {  	_ = 	snop;
	(pc) =	sbr.rel @p1 .LBB1_7-.Ltmp2, $1  }
0x1d: {  	_ =	sdelay $0x3  }
0x1e: {  	s13 =	simm.s32 $0x1;
	_ =	swait.ge [sflag:s4], $0x4000;
	s16 =	sshll.u32 s8, $0xE  }
0x1f: {  	s13 =	simm.s32 @!p0 $0x0;
	[sflag:s4] =	ssyncset.done $0x0;
	s31 =	sand.u32 $0x4000, s16  }
0x20: {  	s16 =	simm.s32 $0x0;
	s14 =	sshll.u32 s13, $0xE;
	[sflag:s4] =	ssyncadd.s32 $0xFFFFC000  }
0x21: {  	s13 =	sor.u32 $0x8040, s14;
	s15 =	sor.u32 $0x40, s14;
	s14 =	sor.u32 $0x8000, s31  }
.LBB1_3:
0x22: {  	v0 =	vmov s15;
	_ =	sdelay $0x3  }
0x23: {  	s18 =	simm.s32 $0x0  }
0x24: {  	v6 =	vld.idx.msk [tilespmem:v0+s18+$0x30 ss:$0x1], $0xffff  }
0x25: {  	v7 =	vld.idx.msk [tilespmem:v0+s18+$0xFFFFFFC0 ss:$0x1], $0xffff  }
0x26: {  	v5 =	vld.idx.msk [tilespmem:v0+s18+$0xFFFFFFD0 ss:$0x1], $0xffff  }
0x27: {  	v4 =	vld.idx.msk [tilespmem:v0+s18+$0xFFFFFFE0 ss:$0x1], $0xffff  }
0x28: {  	v3 =	vld.idx.msk [tilespmem:v0+s18+$0xFFFFFFF0 ss:$0x1], $0xffff  }
0x29: {  	v1 =	vld.idx.msk [tilespmem:v0+s18+$0x0 ss:$0x1], $0xffff  }
0x2a: {  	v2 =	vld.idx.msk [tilespmem:v0+s18+$0x10 ss:$0x1], $0xffff;
	[tilespmem:s13+$0x30] =	vst v6  }
0x2b: {  	s17 =	simm.s32 $0x80;
	s19 =	simm.s32 $0x400;
	[tilespmem:s13+$0xFFFFFFC0] =	vst v7;
	v6 =	vld.idx.msk [tilespmem:v0+s18+$0x20 ss:$0x1], $0xffff;
	s18 =	smov.u32 s13  }
.LBB1_4:
0x2c: {  	p1 =	sne.s32 s19, $0xE00;
	v7 =	vld.idx.msk [tilespmem:v0+s17+$0x30 ss:$0x1], $0xffff;
	[tilespmem:s18+$0xFFFFFFD0] =	vst v5  }
0x2d: {  	v8 =	vld.idx.msk [tilespmem:v0+s17+$0xFFFFFFC0 ss:$0x1], $0xffff;
	[tilespmem:s18+$0xFFFFFFE0] =	vst v4  }
0x2e: {  	v5 =	vld.idx.msk [tilespmem:v0+s17+$0xFFFFFFD0 ss:$0x1], $0xffff;
	[tilespmem:s18+$0xFFFFFFF0] =	vst v3  }
.Ltmp3:
0x2f: {  	v4 =	vld.idx.msk [tilespmem:v0+s17+$0xFFFFFFE0 ss:$0x1], $0xffff;
	[tilespmem:s18+$0x0] =	vst v1;
	(pc) =	sbr.rel @p1 .LBB1_4-.Ltmp3, $4  }
0x30: {  	v3 =	vld.idx.msk [tilespmem:v0+s17+$0xFFFFFFF0 ss:$0x1], $0xffff;
	[tilespmem:s18+$0x10] =	vst v2  }
0x31: {  	v1 =	vld.idx.msk [tilespmem:v0+s17+$0x0 ss:$0x1], $0xffff;
	[tilespmem:s18+$0x20] =	vst v6;
	s18 =	sadd.s32 $0x800, s18  }
0x32: {  	v2 =	vld.idx.msk [tilespmem:v0+s17+$0x10 ss:$0x1], $0xffff;
	[tilespmem:s18+$0x30] =	vst v7  }
0x33: {  	[tilespmem:s18+$0xFFFFFFC0] =	vst v8;
	v6 =	vld.idx.msk [tilespmem:v0+s17+$0x20 ss:$0x1], $0xffff;
	s17 =	sshra.s32 s19, $0x2;
	s19 =	sadd.s32 $0x200, s19  }
0x34: {  	_ =	sdelay $0x2  }
0x35: {  	[tilespmem:s18+$0xFFFFFFD0] =	vst v5  }
0x36: {  	v56 =	vld.idx.msk [tilespmem:v0+s17+$0x30 ss:$0x1], $0xffff;
	[tilespmem:s18+$0xFFFFFFE0] =	vst v4  }
0x37: {  	v57 =	vld.idx.msk [tilespmem:v0+s17+$0xFFFFFFC0 ss:$0x1], $0xffff;
	[tilespmem:s18+$0xFFFFFFF0] =	vst v3  }
0x38: {  	v58 =	vld.idx.msk [tilespmem:v0+s17+$0xFFFFFFD0 ss:$0x1], $0xffff;
	[tilespmem:s18+$0x0] =	vst v1  }
0x39: {  	v59 =	vld.idx.msk [tilespmem:v0+s17+$0xFFFFFFE0 ss:$0x1], $0xffff;
	[tilespmem:s18+$0x10] =	vst v2  }
0x3a: {  	v60 =	vld.idx.msk [tilespmem:v0+s17+$0xFFFFFFF0 ss:$0x1], $0xffff;
	s31 =	sadd.s32 $0x800, s18;
	[tilespmem:s18+$0x20] =	vst v6  }
0x3b: {  	v61 =	vld.idx.msk [tilespmem:v0+s17+$0x0 ss:$0x1], $0xffff;
	[tilespmem:s31+$0x30] =	vst v56  }
0x3c: {  	v62 =	vld.idx.msk [tilespmem:v0+s17+$0x10 ss:$0x1], $0xffff;
	s16 =	sadd.s32 $0x1, s16;
	[tilespmem:s31+$0xFFFFFFC0] =	vst v57  }
0x3d: {  	v63 =	vld.idx.msk [tilespmem:v0+s17+$0x20 ss:$0x1], $0xffff;
	p1 =	sne.s32 s16, $0x10;
	[tilespmem:s31+$0xFFFFFFD0] =	vst v58  }
.Ltmp4:
0x3e: {  	[tilespmem:s31+$0xFFFFFFE0] =	vst v59;
	(pc) =	sbr.rel @p1 .LBB1_3-.Ltmp4, $4  }
0x3f: {  	[tilespmem:s31+$0xFFFFFFF0] =	vst v60  }
0x40: {  	[tilespmem:s31+$0x0] =	vst v61  }
0x41: {  	[tilespmem:s31+$0x10] =	vst v62  }
0x42: {  	s13 =	sadd.s32 $0x80, s13;
	s15 =	sadd.s32 $0x400, s15;
	[tilespmem:s31+$0x20] =	vst v63  }
.Ltmp5:
0x43: {  	(pc) =	sbr.rel .LBB1_7-.Ltmp5, $4  }
0x44: {  	s12 =	sshll.u32 s12, $0x11;
	s11 =	sshll.u32 s11, $0x4  }
0x45: {  	s11 =	sand.u32 $0x3FF0, s11;
	s12 =	sadd.s32 s2, s12  }
0x46: {  	s11 =	sadd.s32 s11, s12  }
0x47: {  	[hbm4b:s11+s6] =	stream.strided.scatter [tilespmem:s14], [sflag:$0x2], $0x4000, s7, s6, $0x38;
	[tilespmem:$0x10000] =	vst v63  }
.LBB1_8:
0x48: {  	_ =	sfence.sel $0x180000  }
0x49: {  	s2 =	simm.s32 $0x1;
	[bflag:$0x0] =	sbarrier.arrive $0xFFFF  }
0x4a: {  	s31 =	simm.s32 $0x2;
	[sflag:s2] =	ssyncpa.u1 $0x1  }
0x4b: {  	[sflag:s31] =	ssyncpa.u1 $0x1  }
0x4c: {  	p0 =	sne.s32 s1, $0x0;
	_ =	strace $0x9000004A  }
0x4d: {  	s0 =	sadd.s32 @!p0 $0x100000, s0;
	[bflag:$0x2] =	sbarrier.arrive $0xFFFF  }
0x4e: {  	[sflag:s0] =	ssyncadd.tile.s32 @!p0 $0x1;
	_ =	shalt  }
.Lfunc_end1:
_tile_overlayer_lowered:
.L_overlay_start_2:
0x4f: {  	(tag) =	ssettag $0x2  }
0x50: {  	s0 =	rddreg [dreg:$0x0];
	s2 =	stileid.u32  }
0x51: {  	s1 =	rddreg [dreg:$0x1];
	p0 =	sne.s32 s2, $0x0  }
0x52: {  	s3 =	rddreg [dreg:$0x2];
	[bflag:$0x3] =	sbarrier.arrive $0xFFFF;
	s2 =	simm.s32 @!p0 $0x1C01  }
0x53: {  	[timem:s3], [sflag:s2] =	dma.local @!p0 [hbm:s0], s1  }
0x54: {  	s0 =	simm.s32 @!p0 $0x1  }
0x55: {  	_ =	swait.ge @!p0 [sflag:s0], s1  }
0x56: {  	s1 =	ssub.s32 @!p0 $0x0, s1;
	[sflag:s0] =	ssyncset.done @!p0 $0x0  }
0x57: {  	[sflag:s0] =	ssyncadd.s32 @!p0 s1  }
0x58: {  	[bflag:$0x3] =	sbarrier.arrive $0xFFFF  }
0x59: {  	_ =	shalt  }

</sc_bundles>
